<compile_context>
chip_gen: v7x
topology: tpu7x:2x2x1
jax: 0.10.2.dev20260603
libtpu: 0.0.44.dev20260713+nightly
codegen_flags: <defaults>
</compile_context>

<pallas_src>
import functools

import jax
import jax.numpy as jnp
from jax import lax
from jax.experimental import pallas as pl
from jax.experimental.pallas import tpu as pltpu
from jax.experimental.pallas import tpu_sc as plsc

N = 10000
E = 320000
D = 128
K = 16
CUTOFF = 10.0
SIGMA = 0.5

NC = 2
NS = 16
NW = NC * NS
HD = D // 2
CHUNK = 128
CH = 160
T_E = CH * CHUNK
EPT = T_E // 2
E_PAD = T_E * NS
N_PAD = 10240
ROWS_PT = N_PAD // NS

_mesh = plsc.VectorSubcoreMesh(core_axis_name="c", subcore_axis_name="s")
_sc_params = pltpu.CompilerParams(
    needs_layout_passes=False, use_tc_tiling_on_sc=False)


def _dist2_body(rT_hbm, src_hbm, dst_hbm, d2_hbm, rT_v, si_v, di_v, out_v):
    c = lax.axis_index("c")
    s = lax.axis_index("s")
    wid = c * NS + s
    base = wid * EPT
    pltpu.sync_copy(rT_hbm, rT_v)
    pltpu.sync_copy(src_hbm.at[pl.ds(base, EPT)], si_v)
    pltpu.sync_copy(dst_hbm.at[pl.ds(base, EPT)], di_v)

    def body(j, carry):
        si = si_v[pl.ds(j * 16, 16)]
        di = di_v[pl.ds(j * 16, 16)]
        dx = plsc.load_gather(rT_v, [si]) - plsc.load_gather(rT_v, [di])
        dy = plsc.load_gather(rT_v, [si + N]) - plsc.load_gather(rT_v, [di + N])
        dz = plsc.load_gather(rT_v, [si + 2 * N]) - plsc.load_gather(rT_v, [di + 2 * N])
        out_v[pl.ds(j * 16, 16)] = dx * dx + dy * dy + dz * dz
        return carry

    lax.fori_loop(0, EPT // 16, body, 0)
    pltpu.sync_copy(out_v, d2_hbm.at[pl.ds(base, EPT)])


_dist2 = functools.partial(
    pl.kernel,
    out_type=jax.ShapeDtypeStruct((E_PAD,), jnp.float32),
    mesh=_mesh,
    compiler_params=_sc_params,
    scratch_types=[
        pltpu.VMEM((3 * N,), jnp.float32),
        pltpu.VMEM((EPT,), jnp.int32),
        pltpu.VMEM((EPT,), jnp.int32),
        pltpu.VMEM((EPT,), jnp.float32),
    ],
)(_dist2_body)


BE = 1024
GB = E_PAD // BE


def _edge_filters1_body(d2_ref, We1_ref, w1_ref, feat_ref):
    i = pl.program_id(0)
    d2 = jnp.reshape(d2_ref[...], (1, BE))
    dist = jnp.sqrt(d2 + 1e-12)
    t = jnp.clip(dist * (1.0 / CUTOFF), 0.0, 1.0)
    env = 0.5 * (jnp.cos(jnp.float32(3.14159265358979323846) * t) + 1.0)
    rows = i * BE + lax.broadcasted_iota(jnp.int32, (1, BE), 1)
    envm = jnp.where(rows < E, env, 0.0)
    inv = 1.0 / (2.0 * SIGMA * SIGMA)
    cols = []
    for k in range(K):
        mu_k = CUTOFF * k / (K - 1)
        cols.append(jnp.exp((dist - mu_k) * (dist - mu_k) * (-inv)) * envm)
    feat = jnp.concatenate(cols, axis=0)
    feat_ref[...] = feat
    dn = (((0,), (0,)), ((), ()))
    w1_ref[...] = lax.dot_general(feat, We1_ref[...], dn,
                                  preferred_element_type=jnp.float32)


def _edge_filters1(d2_3d, We1):
    return pl.pallas_call(
        _edge_filters1_body,
        grid=(GB,),
        in_specs=[
            pl.BlockSpec((1, 1, BE), lambda i: (i, 0, 0)),
            pl.BlockSpec((K, D), lambda i: (0, 0)),
        ],
        out_specs=[
            pl.BlockSpec((BE, D), lambda i: (i, 0)),
            pl.BlockSpec((K, BE), lambda i: (0, i)),
        ],
        out_shape=[
            jax.ShapeDtypeStruct((E_PAD, D), jnp.float32),
            jax.ShapeDtypeStruct((K, E_PAD), jnp.float32),
        ],
    )(d2_3d, We1)


def _edge_filters2_body(feat_ref, We2_ref, w2_ref):
    dn = (((0,), (0,)), ((), ()))
    w2_ref[...] = lax.dot_general(feat_ref[...], We2_ref[...], dn,
                                  preferred_element_type=jnp.float32)


def _edge_filters2(feat, We2):
    return pl.pallas_call(
        _edge_filters2_body,
        grid=(GB,),
        in_specs=[
            pl.BlockSpec((K, BE), lambda i: (0, i)),
            pl.BlockSpec((K, D), lambda i: (0, 0)),
        ],
        out_specs=pl.BlockSpec((BE, D), lambda i: (i, 0)),
        out_shape=jax.ShapeDtypeStruct((E_PAD, D), jnp.float32),
    )(feat, We2)


def _h0_body(spin_ref, X_ref, out_ref):
    sp = spin_ref[...]
    out_ref[...] = jnp.where(sp == 0, X_ref[0:1, :], X_ref[1:2, :])


def _h0(spin2d, X):
    return pl.pallas_call(
        _h0_body,
        out_shape=jax.ShapeDtypeStruct((N_PAD, D), jnp.float32),
    )(spin2d, X)


NITER = CH // 2


def _edge_layer_body(hA_hbm, hB_hbm, w_hbm, src2_hbm, dst2_hbm,
                     zeros_hbm, outA, outB,
                     src_v, dst_v, h0_v, h1_v, w0_v, w1_v, m0_v, m1_v,
                     g0_s, g1_s, l0_s, l1_s, s0_s, s1_s, agg_sh):
    c = lax.axis_index("c")
    s = lax.axis_index("s")
    col = c * HD
    rbase = s * ROWS_PT
    pltpu.sync_copy(zeros_hbm.at[pl.ds(rbase, ROWS_PT)],
                    agg_sh.at[pl.ds(rbase, ROWS_PT)])
    pltpu.sync_copy(src2_hbm.at[pl.ds(s * CH, CH)], src_v)
    pltpu.sync_copy(dst2_hbm.at[pl.ds(s * CH, CH)], dst_v)
    plsc.subcore_barrier()

    bufs = ((h0_v, w0_v, m0_v, g0_s, l0_s, s0_s),
            (h1_v, w1_v, m1_v, g1_s, l1_s, s1_s))

    def run(h_hbm, out_hbm):
        def wrows(j):
            return w_hbm.at[pl.ds(s * T_E + j * CHUNK, CHUNK),
                            pl.ds(col, HD)]

        for b, (hb, wb, mb, gs, ls, ss) in enumerate(bufs):
            pltpu.async_copy(h_hbm.at[src_v.at[b]], hb, gs)
            pltpu.async_copy(wrows(b), wb, ls)

        def body(i, carry):
            for b, (hb, wb, mb, gs, ls, ss) in enumerate(bufs):
                j = 2 * i + b
                pltpu.make_async_copy(h_hbm.at[src_v.at[j]], hb, gs).wait()
                pltpu.make_async_copy(wrows(j), wb, ls).wait()

                @pl.when(i > 0)
                def _():
                    pltpu.make_async_copy(
                        mb, agg_sh.at[dst_v.at[j - 2]], ss).wait()

                def inner(e2, icarry):
                    for u in range(2):
                        e = e2 * 2 + u
                        for q in range(HD // 16):
                            sl = pl.ds(q * 16, 16)
                            mb[e, sl] = hb[e, sl] * wb[e, sl]
                    return icarry

                lax.fori_loop(0, CHUNK // 2, inner, 0)

                @pl.when(i < NITER - 1)
                def _():
                    pltpu.async_copy(h_hbm.at[src_v.at[j + 2]], hb, gs)
                    pltpu.async_copy(wrows(j + 2), wb, ls)

                pltpu.async_copy(mb, agg_sh.at[dst_v.at[j]], ss, add=True)
            return carry

        lax.fori_loop(0, NITER, body, 0)
        for b, (hb, wb, mb, gs, ls, ss) in enumerate(bufs):
            pltpu.make_async_copy(
                mb, agg_sh.at[dst_v.at[CH - 2 + b]], ss).wait()
        plsc.subcore_barrier()
        pltpu.sync_copy(agg_sh.at[pl.ds(rbase, ROWS_PT)],
                        out_hbm.at[pl.ds(rbase, ROWS_PT)])

    @pl.when(c == 0)
    def _():
        run(hA_hbm, outA)

    @pl.when(c == 1)
    def _():
        run(hB_hbm, outB)


_edge_layer = functools.partial(
    pl.kernel,
    out_type=(
        jax.ShapeDtypeStruct((N_PAD, HD), jnp.float32),
        jax.ShapeDtypeStruct((N_PAD, HD), jnp.float32),
    ),
    mesh=_mesh,
    compiler_params=_sc_params,
    scratch_types=[
        pltpu.VMEM((CH, CHUNK), jnp.int32),
        pltpu.VMEM((CH, CHUNK), jnp.int32),
        pltpu.VMEM((CHUNK, HD), jnp.float32),
        pltpu.VMEM((CHUNK, HD), jnp.float32),
        pltpu.VMEM((CHUNK, HD), jnp.float32),
        pltpu.VMEM((CHUNK, HD), jnp.float32),
        pltpu.VMEM((CHUNK, HD), jnp.float32),
        pltpu.VMEM((CHUNK, HD), jnp.float32),
        pltpu.SemaphoreType.DMA,
        pltpu.SemaphoreType.DMA,
        pltpu.SemaphoreType.DMA,
        pltpu.SemaphoreType.DMA,
        pltpu.SemaphoreType.DMA,
        pltpu.SemaphoreType.DMA,
        pltpu.VMEM_SHARED((N_PAD, HD), jnp.float32),
    ],
)(_edge_layer_body)


BN = 1024


def _node_update_body(pA_ref, pB_ref, h_ref, Wu_ref, bu_ref, out_ref):
    agg = jnp.concatenate([pA_ref[...], pB_ref[...]], axis=1)
    pre = jnp.dot(agg, Wu_ref[...], preferred_element_type=jnp.float32)
    pre = pre + bu_ref[...]
    out_ref[...] = h_ref[...] + pre * jax.nn.sigmoid(pre)


def _node_update(pA, pB, h, Wu, bu2d):
    return pl.pallas_call(
        _node_update_body,
        grid=(N_PAD // BN,),
        in_specs=[
            pl.BlockSpec((BN, HD), lambda i: (i, 0)),
            pl.BlockSpec((BN, HD), lambda i: (i, 0)),
            pl.BlockSpec((BN, D), lambda i: (i, 0)),
            pl.BlockSpec((D, D), lambda i: (0, 0)),
            pl.BlockSpec((1, D), lambda i: (0, 0)),
        ],
        out_specs=pl.BlockSpec((BN, D), lambda i: (i, 0)),
        out_shape=jax.ShapeDtypeStruct((N_PAD, D), jnp.float32),
    )(pA, pB, h, Wu, bu2d)


def kernel(r, X, W_e1, W_u1, b_u1, W_e2, W_u2, b_u2, edge_index, spin_idx):
    src = edge_index[0].astype(jnp.int32)
    dst = edge_index[1].astype(jnp.int32)
    pad = E_PAD - E
    srcp = jnp.concatenate([src, jnp.zeros((pad,), jnp.int32)])
    dstp = jnp.concatenate([dst, jnp.zeros((pad,), jnp.int32)])
    rT = r.T.reshape(3 * N)

    d2 = _dist2(rT, srcp, dstp)
    w1, feat = _edge_filters1(d2.reshape(GB, 1, BE), W_e1)
    spinp = jnp.concatenate(
        [spin_idx.astype(jnp.int32), jnp.zeros((N_PAD - N,), jnp.int32)])
    h0 = _h0(spinp.reshape(N_PAD, 1), X)

    src2 = srcp.reshape(E_PAD // CHUNK, CHUNK)
    dst2 = dstp.reshape(E_PAD // CHUNK, CHUNK)
    zeros = jnp.zeros((N_PAD, HD), jnp.float32)

    pA, pB = _edge_layer(h0[:, :HD], h0[:, HD:], w1, src2, dst2, zeros)
    w2 = _edge_filters2(feat, W_e2)
    h1 = _node_update(pA, pB, h0, W_u1, b_u1.reshape(1, D))
    pA2, pB2 = _edge_layer(h1[:, :HD], h1[:, HD:], w2, src2, dst2, zeros)
    h2 = _node_update(pA2, pB2, h1, W_u2, b_u2.reshape(1, D))
    return h2[:N]

# --- scband reference (transcript-rebuilt; emitter-appended) ---
"""Pipeline reference for scband-graph-neural-network-88965952569990 (READ-ONLY COPY).

The authoritative reference and input builder live on the scoring server;
editing this copy changes nothing except your own understanding.
"""

import jax, jax.numpy as jnp
import numpy as np

N = 10000      # n_up + n_down electrons (graph nodes)
E = 320000     # electron-electron edges (avg_degree 32)
D = 128        # embedding_dim
K = 16         # radial (gaussian) basis size for edge features
CUTOFF = 10.0
SIGMA = 0.5


def setup_inputs(seed: int = 0) -> dict:
    key = jax.random.key(seed)
    ks = jax.random.split(key, 12)
    # electron coordinates (forward arg of GraphNeuralNetwork.__call__)
    r = jax.random.normal(ks[0], (N, 3), dtype=jnp.float32) * 3.0
    # precomputed graph edges (edge_factory output): row0 = sender, row1 = receiver
    edge_index = jax.random.randint(ks[1], (2, E), 0, N, dtype=jnp.int64)
    # spin channel per electron (node type: up=0 / down=1), used by node_factory
    spin_idx = jax.random.randint(ks[2], (N,), 0, 2, dtype=jnp.int64)
    # learned parameters
    X = jax.random.normal(ks[3], (2, D), dtype=jnp.float32) * 0.1          # spin embedding table
    W_e1 = jax.random.normal(ks[4], (K, D), dtype=jnp.float32) / np.sqrt(K)
    W_u1 = jax.random.normal(ks[5], (D, D), dtype=jnp.float32) / np.sqrt(D)
    b_u1 = jnp.zeros((D,), dtype=jnp.float32)
    W_e2 = jax.random.normal(ks[6], (K, D), dtype=jnp.float32) / np.sqrt(K)
    W_u2 = jax.random.normal(ks[7], (D, D), dtype=jnp.float32) / np.sqrt(D)
    b_u2 = jnp.zeros((D,), dtype=jnp.float32)
    return {
        'r': r, 'X': X,
        'W_e1': W_e1, 'W_u1': W_u1, 'b_u1': b_u1,
        'W_e2': W_e2, 'W_u2': W_u2, 'b_u2': b_u2,
        'edge_index': edge_index, 'spin_idx': spin_idx,
    }


def reference(r, X, W_e1, W_u1, b_u1, W_e2, W_u2, b_u2, edge_index, spin_idx):
    src = edge_index[0]
    dst = edge_index[1]
    # node_factory: initial electron embeddings from node (spin) type
    h = jnp.take(X, spin_idx, axis=0)                       # gather [N, D]
    # edge_feature_callback: gaussian radial basis of pairwise distance + cosine cutoff envelope
    diff = jnp.take(r, src, axis=0) - jnp.take(r, dst, axis=0)   # gather [E, 3]
    dist = jnp.sqrt(jnp.sum(diff * diff, axis=-1) + 1e-12)       # [E]
    mu = jnp.linspace(0.0, CUTOFF, K, dtype=jnp.float32)
    feat = jnp.exp(-((dist[:, None] - mu[None, :]) ** 2) / (2.0 * SIGMA * SIGMA))  # [E, K]
    envelope = 0.5 * (jnp.cos(jnp.pi * jnp.clip(dist / CUTOFF, 0.0, 1.0)) + 1.0)
    feat = feat * envelope[:, None]
    # n_interactions = 2 message passing layers (update_edges -> aggregate_edges_for_nodes -> update_nodes)
    for (We, Wu, bu) in ((W_e1, W_u1, b_u1), (W_e2, W_u2, b_u2)):
        w = feat @ We                                        # edge filter  [E, D]
        msg = w * jnp.take(h, src, axis=0)                   # gather + modulate [E, D]
        agg = jax.ops.segment_sum(msg, dst, num_segments=N)  # scatter-add  [N, D]
        h = h + jax.nn.silu(agg @ Wu + bu)                   # node update, residual
    # process_final_embedding: return electron embeddings
    return h

if __name__ == "__main__":
    import jax
    _d = setup_inputs()
    print(jax.jit(kernel)(*tuple(_d.values())))

</pallas_src>

<mosaic_0001>
#map = affine_map<(d0, d1) -> (0, 0)>
module attributes {stable_mosaic.version = 14 : i64} {
  func.func @_edge_layer_body(%arg0: i32, %arg1: i32, %arg2: memref<10240x64xf32, #tpu.memory_space<hbm>>, %arg3: memref<10240x64xf32, #tpu.memory_space<hbm>>, %arg4: memref<327680x128xf32, #tpu.memory_space<hbm>>, %arg5: memref<2560x128xi32, #tpu.memory_space<hbm>>, %arg6: memref<2560x128xi32, #tpu.memory_space<hbm>>, %arg7: memref<10240x64xf32, #tpu.memory_space<hbm>>, %arg8: memref<10240x64xf32, #tpu.memory_space<hbm>>, %arg9: memref<10240x64xf32, #tpu.memory_space<hbm>>, %arg10: memref<160x128xi32, #tpu.memory_space<vmem>>, %arg11: memref<160x128xi32, #tpu.memory_space<vmem>>, %arg12: memref<128x64xf32, #tpu.memory_space<vmem>>, %arg13: memref<128x64xf32, #tpu.memory_space<vmem>>, %arg14: memref<128x64xf32, #tpu.memory_space<vmem>>, %arg15: memref<128x64xf32, #tpu.memory_space<vmem>>, %arg16: memref<128x64xf32, #tpu.memory_space<vmem>>, %arg17: memref<128x64xf32, #tpu.memory_space<vmem>>, %arg18: memref<!tpu.dma_semaphore, #tpu.memory_space<semaphore_mem>>, %arg19: memref<!tpu.dma_semaphore, #tpu.memory_space<semaphore_mem>>, %arg20: memref<!tpu.dma_semaphore, #tpu.memory_space<semaphore_mem>>, %arg21: memref<!tpu.dma_semaphore, #tpu.memory_space<semaphore_mem>>, %arg22: memref<!tpu.dma_semaphore, #tpu.memory_space<semaphore_mem>>, %arg23: memref<!tpu.dma_semaphore, #tpu.memory_space<semaphore_mem>>, %arg24: memref<10240x64xf32, #tpu.memory_space<vmem_shared>>) attributes {dimension_semantics = [#tpu.dimension_semantics<core_parallel>, #tpu.dimension_semantics<subcore_parallel>], iteration_bounds = array<i64: 2, 16>, scalar_prefetch = 0 : i64, scratch_operands = 15 : i64, tpu.core_type = #tpu.core_type<sc_vector_subcore>, window_params = [{transform_indices = #map}, {transform_indices = #map}, {transform_indices = #map}, {transform_indices = #map}, {transform_indices = #map}, {transform_indices = #map}, {transform_indices = #map}, {transform_indices = #map}]} {
    %mul3A = arith.constant 64 : i32
    %mul3A_0 = arith.muli %arg0, %mul3A : i32
    %mul3A_1 = arith.constant 640 : i32
    %mul3A_2 = arith.muli %arg1, %mul3A_1 : i32
    "tpu.region"() ({
      %run_scoped3A = tpu.sem_alloc : memref<!tpu.dma_semaphore, #tpu.memory_space<semaphore_mem>>
      %dma_start3A = arith.constant 0 : i32
      %dma_start3A_14 = tpu.memref_slice %arg24[%mul3A_2, %dma_start3A] : memref<10240x64xf32, #tpu.memory_space<vmem_shared>> -> memref<640x64xf32, #tpu.memory_space<vmem_shared>>
      %dma_start3A_15 = arith.constant 0 : i32
      %dma_start3A_16 = tpu.memref_slice %arg7[%mul3A_2, %dma_start3A_15] : memref<10240x64xf32, #tpu.memory_space<hbm>> -> memref<640x64xf32, #tpu.memory_space<hbm>>
      tpu.enqueue_dma source(%dma_start3A_16 : memref<640x64xf32, #tpu.memory_space<hbm>>) target(%dma_start3A_14 : memref<640x64xf32, #tpu.memory_space<vmem_shared>>) target_semaphore(%run_scoped3A : memref<!tpu.dma_semaphore, #tpu.memory_space<semaphore_mem>>)
      %dma_wait3A = arith.constant 0 : i32
      %dma_wait3A_17 = tpu.memref_slice %arg24[%mul3A_2, %dma_wait3A] : memref<10240x64xf32, #tpu.memory_space<vmem_shared>> -> memref<640x64xf32, #tpu.memory_space<vmem_shared>>
      %dma_wait3A_18 = arith.constant 0 : i32
      %dma_wait3A_19 = tpu.memref_slice %arg7[%mul3A_2, %dma_wait3A_18] : memref<10240x64xf32, #tpu.memory_space<hbm>> -> memref<640x64xf32, #tpu.memory_space<hbm>>
      tpu.wait_dma2 semaphore(%run_scoped3A : memref<!tpu.dma_semaphore, #tpu.memory_space<semaphore_mem>>) src(%dma_wait3A_19 : memref<640x64xf32, #tpu.memory_space<hbm>>) dst(%dma_wait3A_17 : memref<640x64xf32, #tpu.memory_space<vmem_shared>>)
      tpu.yield
    }) : () -> ()
    %mul3A_3 = arith.constant 160 : i32
    %mul3A_4 = arith.muli %arg1, %mul3A_3 : i32
    "tpu.region"() ({
      %run_scoped3A = tpu.sem_alloc : memref<!tpu.dma_semaphore, #tpu.memory_space<semaphore_mem>>
      %dma_start3A = arith.constant 0 : i32
      %dma_start3A_14 = tpu.memref_slice %arg5[%mul3A_4, %dma_start3A] : memref<2560x128xi32, #tpu.memory_space<hbm>> -> memref<160x128xi32, #tpu.memory_space<hbm>>
      %dma_start3A_15 = arith.constant 0 : i32
      %dma_start3A_16 = tpu.memref_slice %arg5[%mul3A_4, %dma_start3A_15] : memref<2560x128xi32, #tpu.memory_space<hbm>> -> memref<160x128xi32, #tpu.memory_space<hbm>>
      tpu.enqueue_dma source(%dma_start3A_16 : memref<160x128xi32, #tpu.memory_space<hbm>>) target(%arg10 : memref<160x128xi32, #tpu.memory_space<vmem>>) target_semaphore(%run_scoped3A : memref<!tpu.dma_semaphore, #tpu.memory_space<semaphore_mem>>)
      %dma_wait3A = arith.constant 0 : i32
      %dma_wait3A_17 = tpu.memref_slice %arg5[%mul3A_4, %dma_wait3A] : memref<2560x128xi32, #tpu.memory_space<hbm>> -> memref<160x128xi32, #tpu.memory_space<hbm>>
      %dma_wait3A_18 = arith.constant 0 : i32
      %dma_wait3A_19 = tpu.memref_slice %arg5[%mul3A_4, %dma_wait3A_18] : memref<2560x128xi32, #tpu.memory_space<hbm>> -> memref<160x128xi32, #tpu.memory_space<hbm>>
      tpu.wait_dma2 semaphore(%run_scoped3A : memref<!tpu.dma_semaphore, #tpu.memory_space<semaphore_mem>>) src(%dma_wait3A_19 : memref<160x128xi32, #tpu.memory_space<hbm>>) dst(%arg10 : memref<160x128xi32, #tpu.memory_space<vmem>>)
      tpu.yield
    }) : () -> ()
    %mul3A_5 = arith.constant 160 : i32
    %mul3A_6 = arith.muli %arg1, %mul3A_5 : i32
    "tpu.region"() ({
      %run_scoped3A = tpu.sem_alloc : memref<!tpu.dma_semaphore, #tpu.memory_space<semaphore_mem>>
      %dma_start3A = arith.constant 0 : i32
      %dma_start3A_14 = tpu.memref_slice %arg6[%mul3A_6, %dma_start3A] : memref<2560x128xi32, #tpu.memory_space<hbm>> -> memref<160x128xi32, #tpu.memory_space<hbm>>
      %dma_start3A_15 = arith.constant 0 : i32
      %dma_start3A_16 = tpu.memref_slice %arg6[%mul3A_6, %dma_start3A_15] : memref<2560x128xi32, #tpu.memory_space<hbm>> -> memref<160x128xi32, #tpu.memory_space<hbm>>
      tpu.enqueue_dma source(%dma_start3A_16 : memref<160x128xi32, #tpu.memory_space<hbm>>) target(%arg11 : memref<160x128xi32, #tpu.memory_space<vmem>>) target_semaphore(%run_scoped3A : memref<!tpu.dma_semaphore, #tpu.memory_space<semaphore_mem>>)
      %dma_wait3A = arith.constant 0 : i32
      %dma_wait3A_17 = tpu.memref_slice %arg6[%mul3A_6, %dma_wait3A] : memref<2560x128xi32, #tpu.memory_space<hbm>> -> memref<160x128xi32, #tpu.memory_space<hbm>>
      %dma_wait3A_18 = arith.constant 0 : i32
      %dma_wait3A_19 = tpu.memref_slice %arg6[%mul3A_6, %dma_wait3A_18] : memref<2560x128xi32, #tpu.memory_space<hbm>> -> memref<160x128xi32, #tpu.memory_space<hbm>>
      tpu.wait_dma2 semaphore(%run_scoped3A : memref<!tpu.dma_semaphore, #tpu.memory_space<semaphore_mem>>) src(%dma_wait3A_19 : memref<160x128xi32, #tpu.memory_space<hbm>>) dst(%arg11 : memref<160x128xi32, #tpu.memory_space<vmem>>)
      tpu.yield
    }) : () -> ()
    %barrier3A = arith.constant 0 : index
    tpu.barrier barrier_id(%barrier3A)
    %eq3A = arith.constant 0 : i32
    %eq3A_7 = arith.cmpi eq, %arg0, %eq3A : i32
    %convert_element_type3A = arith.extui %eq3A_7 : i1 to i32
    %cond3A = arith.constant 0 : i32
    %cond3A_8 = arith.cmpi ne, %convert_element_type3A, %cond3A : i32
    scf.if %cond3A_8 {
      %dma_start3A = arith.constant 0 : i32
      %dma_start3A_14 = arith.constant 0 : i32
      %dma_start3A_15 = tpu.memref_slice %arg10[%dma_start3A, %dma_start3A_14] : memref<160x128xi32, #tpu.memory_space<vmem>> -> memref<1x128xi32, #tpu.memory_space<vmem>>
      %dma_start3A_16 = tpu.memref_squeeze %dma_start3A_15 : memref<1x128xi32, #tpu.memory_space<vmem>> -> memref<128xi32, #tpu.memory_space<vmem>>
      %dma_start3A_17 = arith.constant 0 : i32
      %dma_start3A_18 = arith.constant 0 : i32
      %dma_start3A_19 = tpu.memref_slice %arg2[%dma_start3A_17, %dma_start3A_18] : memref<10240x64xf32, #tpu.memory_space<hbm>> -> memref<10240x64xf32, #tpu.memory_space<hbm>>
      tpu.enqueue_indirect_dma source(%dma_start3A_19 : memref<10240x64xf32, #tpu.memory_space<hbm>>) target(%arg12 : memref<128x64xf32, #tpu.memory_space<vmem>>) offsets(%dma_start3A_16 : memref<128xi32, #tpu.memory_space<vmem>>) semaphore(%arg18 : memref<!tpu.dma_semaphore, #tpu.memory_space<semaphore_mem>>)
      %mul3A_20 = arith.constant 20480 : i32
      %mul3A_21 = arith.muli %arg1, %mul3A_20 : i32
      %add3A = arith.constant 0 : i32
      %add3A_22 = arith.addi %mul3A_21, %add3A : i32
      %dma_start3A_23 = tpu.memref_slice %arg4[%add3A_22, %mul3A_0] : memref<327680x128xf32, #tpu.memory_space<hbm>> -> memref<128x64xf32, #tpu.memory_space<hbm>>
      %dma_start3A_24 = tpu.memref_slice %arg4[%add3A_22, %mul3A_0] : memref<327680x128xf32, #tpu.memory_space<hbm>> -> memref<128x64xf32, #tpu.memory_space<hbm>>
      tpu.enqueue_dma source(%dma_start3A_24 : memref<128x64xf32, #tpu.memory_space<hbm>>) target(%arg14 : memref<128x64xf32, #tpu.memory_space<vmem>>) target_semaphore(%arg20 : memref<!tpu.dma_semaphore, #tpu.memory_space<semaphore_mem>>)
      %dma_start3A_25 = arith.constant 1 : i32
      %dma_start3A_26 = arith.constant 0 : i32
      %dma_start3A_27 = tpu.memref_slice %arg10[%dma_start3A_25, %dma_start3A_26] : memref<160x128xi32, #tpu.memory_space<vmem>> -> memref<1x128xi32, #tpu.memory_space<vmem>>
      %dma_start3A_28 = tpu.memref_squeeze %dma_start3A_27 : memref<1x128xi32, #tpu.memory_space<vmem>> -> memref<128xi32, #tpu.memory_space<vmem>>
      %dma_start3A_29 = arith.constant 0 : i32
      %dma_start3A_30 = arith.constant 0 : i32
      %dma_start3A_31 = tpu.memref_slice %arg2[%dma_start3A_29, %dma_start3A_30] : memref<10240x64xf32, #tpu.memory_space<hbm>> -> memref<10240x64xf32, #tpu.memory_space<hbm>>
      tpu.enqueue_indirect_dma source(%dma_start3A_31 : memref<10240x64xf32, #tpu.memory_space<hbm>>) target(%arg13 : memref<128x64xf32, #tpu.memory_space<vmem>>) offsets(%dma_start3A_28 : memref<128xi32, #tpu.memory_space<vmem>>) semaphore(%arg19 : memref<!tpu.dma_semaphore, #tpu.memory_space<semaphore_mem>>)
      %mul3A_32 = arith.constant 20480 : i32
      %mul3A_33 = arith.muli %arg1, %mul3A_32 : i32
      %add3A_34 = arith.constant 128 : i32
      %add3A_35 = arith.addi %mul3A_33, %add3A_34 : i32
      %dma_start3A_36 = tpu.memref_slice %arg4[%add3A_35, %mul3A_0] : memref<327680x128xf32, #tpu.memory_space<hbm>> -> memref<128x64xf32, #tpu.memory_space<hbm>>
      %dma_start3A_37 = tpu.memref_slice %arg4[%add3A_35, %mul3A_0] : memref<327680x128xf32, #tpu.memory_space<hbm>> -> memref<128x64xf32, #tpu.memory_space<hbm>>
      tpu.enqueue_dma source(%dma_start3A_37 : memref<128x64xf32, #tpu.memory_space<hbm>>) target(%arg15 : memref<128x64xf32, #tpu.memory_space<vmem>>) target_semaphore(%arg21 : memref<!tpu.dma_semaphore, #tpu.memory_space<semaphore_mem>>)
      %scan3A = arith.constant 0 : i32
      %scan3A_38 = arith.constant 0 : i32
      %scan3A_39 = arith.constant 80 : i32
      %scan3A_40 = arith.addi %scan3A_38, %scan3A_39 : i32
      %scan3A_41 = arith.constant 1 : i32
      scf.for %scan3A_57 = %scan3A_38 to %scan3A_40 step %scan3A_41  : i32 {
        %mul3A_58 = arith.constant 2 : i32
        %mul3A_59 = arith.muli %mul3A_58, %scan3A_57 : i32
        %add3A_60 = arith.constant 0 : i32
        %add3A_61 = arith.addi %mul3A_59, %add3A_60 : i32
        %dma_wait3A_62 = arith.constant 0 : i32
        %dma_wait3A_63 = tpu.memref_slice %arg10[%add3A_61, %dma_wait3A_62] : memref<160x128xi32, #tpu.memory_space<vmem>> -> memref<1x128xi32, #tpu.memory_space<vmem>>
        %dma_wait3A_64 = tpu.memref_squeeze %dma_wait3A_63 : memref<1x128xi32, #tpu.memory_space<vmem>> -> memref<128xi32, #tpu.memory_space<vmem>>
        %dma_wait3A_65 = arith.constant 0 : i32
        %dma_wait3A_66 = arith.constant 0 : i32
        %dma_wait3A_67 = tpu.memref_slice %arg2[%dma_wait3A_65, %dma_wait3A_66] : memref<10240x64xf32, #tpu.memory_space<hbm>> -> memref<10240x64xf32, #tpu.memory_space<hbm>>
        tpu.wait_indirect_dma semaphore(%arg18 : memref<!tpu.dma_semaphore, #tpu.memory_space<semaphore_mem>>) src(%dma_wait3A_67 : memref<10240x64xf32, #tpu.memory_space<hbm>>) dst(%arg12 : memref<128x64xf32, #tpu.memory_space<vmem>>)
        %mul3A_68 = arith.constant 20480 : i32
        %mul3A_69 = arith.muli %arg1, %mul3A_68 : i32
        %mul3A_70 = arith.constant 128 : i32
        %mul3A_71 = arith.muli %add3A_61, %mul3A_70 : i32
        %add3A_72 = arith.addi %mul3A_69, %mul3A_71 : i32
        %dma_wait3A_73 = tpu.memref_slice %arg4[%add3A_72, %mul3A_0] : memref<327680x128xf32, #tpu.memory_space<hbm>> -> memref<128x64xf32, #tpu.memory_space<hbm>>
        %dma_wait3A_74 = tpu.memref_slice %arg4[%add3A_72, %mul3A_0] : memref<327680x128xf32, #tpu.memory_space<hbm>> -> memref<128x64xf32, #tpu.memory_space<hbm>>
        tpu.wait_dma2 semaphore(%arg20 : memref<!tpu.dma_semaphore, #tpu.memory_space<semaphore_mem>>) src(%dma_wait3A_74 : memref<128x64xf32, #tpu.memory_space<hbm>>) dst(%arg14 : memref<128x64xf32, #tpu.memory_space<vmem>>)
        %gt3A = arith.constant 0 : i32
        %gt3A_75 = arith.cmpi sgt, %scan3A_57, %gt3A : i32
        %convert_element_type3A_76 = arith.extui %gt3A_75 : i1 to i32
        %cond3A_77 = arith.constant 0 : i32
        %cond3A_78 = arith.cmpi ne, %convert_element_type3A_76, %cond3A_77 : i32
        scf.if %cond3A_78 {
          %sub3A = arith.constant 2 : i32
          %sub3A_134 = arith.subi %add3A_61, %sub3A : i32
          %dma_wait3A_135 = arith.constant 0 : i32
          %dma_wait3A_136 = tpu.memref_slice %arg11[%sub3A_134, %dma_wait3A_135] : memref<160x128xi32, #tpu.memory_space<vmem>> -> memref<1x128xi32, #tpu.memory_space<vmem>>
          %dma_wait3A_137 = tpu.memref_squeeze %dma_wait3A_136 : memref<1x128xi32, #tpu.memory_space<vmem>> -> memref<128xi32, #tpu.memory_space<vmem>>
          %dma_wait3A_138 = arith.constant 0 : i32
          %dma_wait3A_139 = arith.constant 0 : i32
          %dma_wait3A_140 = tpu.memref_slice %arg24[%dma_wait3A_138, %dma_wait3A_139] : memref<10240x64xf32, #tpu.memory_space<vmem_shared>> -> memref<10240x64xf32, #tpu.memory_space<vmem_shared>>
          tpu.wait_indirect_dma semaphore(%arg22 : memref<!tpu.dma_semaphore, #tpu.memory_space<semaphore_mem>>) src(%arg16 : memref<128x64xf32, #tpu.memory_space<vmem>>) dst(%dma_wait3A_140 : memref<10240x64xf32, #tpu.memory_space<vmem_shared>>)
        } else {
        }
        %scan3A_79 = arith.constant 0 : i32
        %scan3A_80 = arith.constant 0 : i32
        %scan3A_81 = arith.constant 64 : i32
        %scan3A_82 = arith.addi %scan3A_80, %scan3A_81 : i32
        %scan3A_83 = arith.constant 1 : i32
        scf.for %scan3A_134 = %scan3A_80 to %scan3A_82 step %scan3A_83  : i32 {
          %mul3A_135 = arith.constant 2 : i32
          %mul3A_136 = arith.muli %scan3A_134, %mul3A_135 : i32
          %add3A_137 = arith.constant 0 : i32
          %add3A_138 = arith.addi %mul3A_136, %add3A_137 : i32
          %get3A = arith.index_cast %add3A_138 : i32 to index
          %get3A_139 = arith.constant 0 : index
          %get3A_140 = tpu.vector_load %arg12[%get3A, %get3A_139] {strides = array<i32>} : memref<128x64xf32, #tpu.memory_space<vmem>>, vector<16xf32>,
          %get3A_141 = arith.index_cast %add3A_138 : i32 to index
          %get3A_142 = arith.constant 0 : index
          %get3A_143 = tpu.vector_load %arg14[%get3A_141, %get3A_142] {strides = array<i32>} : memref<128x64xf32, #tpu.memory_space<vmem>>, vector<16xf32>,
          %mul3A_144 = arith.mulf %get3A_140, %get3A_143 : vector<16xf32>
          %swap3A = arith.index_cast %add3A_138 : i32 to index
          %swap3A_145 = arith.constant 0 : index
          %swap3A_146 = tpu.vector_load %arg16[%swap3A, %swap3A_145] {strides = array<i32>} : memref<128x64xf32, #tpu.memory_space<vmem>>, vector<16xf32>,
          tpu.vector_store %arg16[%swap3A, %swap3A_145], %mul3A_144 {strides = array<i32>} : memref<128x64xf32, #tpu.memory_space<vmem>>, vector<16xf32>,
          %get3A_147 = arith.index_cast %add3A_138 : i32 to index
          %get3A_148 = arith.constant 16 : index
          %get3A_149 = tpu.vector_load %arg12[%get3A_147, %get3A_148] {strides = array<i32>} : memref<128x64xf32, #tpu.memory_space<vmem>>, vector<16xf32>,
          %get3A_150 = arith.index_cast %add3A_138 : i32 to index
          %get3A_151 = arith.constant 16 : index
          %get3A_152 = tpu.vector_load %arg14[%get3A_150, %get3A_151] {strides = array<i32>} : memref<128x64xf32, #tpu.memory_space<vmem>>, vector<16xf32>,
          %mul3A_153 = arith.mulf %get3A_149, %get3A_152 : vector<16xf32>
          %swap3A_154 = arith.index_cast %add3A_138 : i32 to index
          %swap3A_155 = arith.constant 16 : index
          %swap3A_156 = tpu.vector_load %arg16[%swap3A_154, %swap3A_155] {strides = array<i32>} : memref<128x64xf32, #tpu.memory_space<vmem>>, vector<16xf32>,
          tpu.vector_store %arg16[%swap3A_154, %swap3A_155], %mul3A_153 {strides = array<i32>} : memref<128x64xf32, #tpu.memory_space<vmem>>, vector<16xf32>,
          %get3A_157 = arith.index_cast %add3A_138 : i32 to index
          %get3A_158 = arith.constant 32 : index
          %get3A_159 = tpu.vector_load %arg12[%get3A_157, %get3A_158] {strides = array<i32>} : memref<128x64xf32, #tpu.memory_space<vmem>>, vector<16xf32>,
          %get3A_160 = arith.index_cast %add3A_138 : i32 to index
          %get3A_161 = arith.constant 32 : index
          %get3A_162 = tpu.vector_load %arg14[%get3A_160, %get3A_161] {strides = array<i32>} : memref<128x64xf32, #tpu.memory_space<vmem>>, vector<16xf32>,
          %mul3A_163 = arith.mulf %get3A_159, %get3A_162 : vector<16xf32>
          %swap3A_164 = arith.index_cast %add3A_138 : i32 to index
          %swap3A_165 = arith.constant 32 : index
          %swap3A_166 = tpu.vector_load %arg16[%swap3A_164, %swap3A_165] {strides = array<i32>} : memref<128x64xf32, #tpu.memory_space<vmem>>, vector<16xf32>,
          tpu.vector_store %arg16[%swap3A_164, %swap3A_165], %mul3A_163 {strides = array<i32>} : memref<128x64xf32, #tpu.memory_space<vmem>>, vector<16xf32>,
          %get3A_167 = arith.index_cast %add3A_138 : i32 to index
          %get3A_168 = arith.constant 48 : index
          %get3A_169 = tpu.vector_load %arg12[%get3A_167, %get3A_168] {strides = array<i32>} : memref<128x64xf32, #tpu.memory_space<vmem>>, vector<16xf32>,
          %get3A_170 = arith.index_cast %add3A_138 : i32 to index
          %get3A_171 = arith.constant 48 : index
          %get3A_172 = tpu.vector_load %arg14[%get3A_170, %get3A_171] {strides = array<i32>} : memref<128x64xf32, #tpu.memory_space<vmem>>, vector<16xf32>,
          %mul3A_173 = arith.mulf %get3A_169, %get3A_172 : vector<16xf32>
          %swap3A_174 = arith.index_cast %add3A_138 : i32 to index
          %swap3A_175 = arith.constant 48 : index
          %swap3A_176 = tpu.vector_load %arg16[%swap3A_174, %swap3A_175] {strides = array<i32>} : memref<128x64xf32, #tpu.memory_space<vmem>>, vector<16xf32>,
          tpu.vector_store %arg16[%swap3A_174, %swap3A_175], %mul3A_173 {strides = array<i32>} : memref<128x64xf32, #tpu.memory_space<vmem>>, vector<16xf32>,
          %mul3A_177 = arith.constant 2 : i32
          %mul3A_178 = arith.muli %scan3A_134, %mul3A_177 : i32
          %add3A_179 = arith.constant 1 : i32
          %add3A_180 = arith.addi %mul3A_178, %add3A_179 : i32
          %get3A_181 = arith.index_cast %add3A_180 : i32 to index
          %get3A_182 = arith.constant 0 : index
          %get3A_183 = tpu.vector_load %arg12[%get3A_181, %get3A_182] {strides = array<i32>} : memref<128x64xf32, #tpu.memory_space<vmem>>, vector<16xf32>,
          %get3A_184 = arith.index_cast %add3A_180 : i32 to index
          %get3A_185 = arith.constant 0 : index
          %get3A_186 = tpu.vector_load %arg14[%get3A_184, %get3A_185] {strides = array<i32>} : memref<128x64xf32, #tpu.memory_space<vmem>>, vector<16xf32>,
          %mul3A_187 = arith.mulf %get3A_183, %get3A_186 : vector<16xf32>
          %swap3A_188 = arith.index_cast %add3A_180 : i32 to index
          %swap3A_189 = arith.constant 0 : index
          %swap3A_190 = tpu.vector_load %arg16[%swap3A_188, %swap3A_189] {strides = array<i32>} : memref<128x64xf32, #tpu.memory_space<vmem>>, vector<16xf32>,
          tpu.vector_store %arg16[%swap3A_188, %swap3A_189], %mul3A_187 {strides = array<i32>} : memref<128x64xf32, #tpu.memory_space<vmem>>, vector<16xf32>,
          %get3A_191 = arith.index_cast %add3A_180 : i32 to index
          %get3A_192 = arith.constant 16 : index
          %get3A_193 = tpu.vector_load %arg12[%get3A_191, %get3A_192] {strides = array<i32>} : memref<128x64xf32, #tpu.memory_space<vmem>>, vector<16xf32>,
          %get3A_194 = arith.index_cast %add3A_180 : i32 to index
          %get3A_195 = arith.constant 16 : index
          %get3A_196 = tpu.vector_load %arg14[%get3A_194, %get3A_195] {strides = array<i32>} : memref<128x64xf32, #tpu.memory_space<vmem>>, vector<16xf32>,
          %mul3A_197 = arith.mulf %get3A_193, %get3A_196 : vector<16xf32>
          %swap3A_198 = arith.index_cast %add3A_180 : i32 to index
          %swap3A_199 = arith.constant 16 : index
          %swap3A_200 = tpu.vector_load %arg16[%swap3A_198, %swap3A_199] {strides = array<i32>} : memref<128x64xf32, #tpu.memory_space<vmem>>, vector<16xf32>,
          tpu.vector_store %arg16[%swap3A_198, %swap3A_199], %mul3A_197 {strides = array<i32>} : memref<128x64xf32, #tpu.memory_space<vmem>>, vector<16xf32>,
          %get3A_201 = arith.index_cast %add3A_180 : i32 to index
          %get3A_202 = arith.constant 32 : index
          %get3A_203 = tpu.vector_load %arg12[%get3A_201, %get3A_202] {strides = array<i32>} : memref<128x64xf32, #tpu.memory_space<vmem>>, vector<16xf32>,
          %get3A_204 = arith.index_cast %add3A_180 : i32 to index
          %get3A_205 = arith.constant 32 : index
          %get3A_206 = tpu.vector_load %arg14[%get3A_204, %get3A_205] {strides = array<i32>} : memref<128x64xf32, #tpu.memory_space<vmem>>, vector<16xf32>,
          %mul3A_207 = arith.mulf %get3A_203, %get3A_206 : vector<16xf32>
          %swap3A_208 = arith.index_cast %add3A_180 : i32 to index
          %swap3A_209 = arith.constant 32 : index
          %swap3A_210 = tpu.vector_load %arg16[%swap3A_208, %swap3A_209] {strides = array<i32>} : memref<128x64xf32, #tpu.memory_space<vmem>>, vector<16xf32>,
          tpu.vector_store %arg16[%swap3A_208, %swap3A_209], %mul3A_207 {strides = array<i32>} : memref<128x64xf32, #tpu.memory_space<vmem>>, vector<16xf32>,
          %get3A_211 = arith.index_cast %add3A_180 : i32 to index
          %get3A_212 = arith.constant 48 : index
          %get3A_213 = tpu.vector_load %arg12[%get3A_211, %get3A_212] {strides = array<i32>} : memref<128x64xf32, #tpu.memory_space<vmem>>, vector<16xf32>,
          %get3A_214 = arith.index_cast %add3A_180 : i32 to index
          %get3A_215 = arith.constant 48 : index
          %get3A_216 = tpu.vector_load %arg14[%get3A_214, %get3A_215] {strides = array<i32>} : memref<128x64xf32, #tpu.memory_space<vmem>>, vector<16xf32>,
          %mul3A_217 = arith.mulf %get3A_213, %get3A_216 : vector<16xf32>
          %swap3A_218 = arith.index_cast %add3A_180 : i32 to index
          %swap3A_219 = arith.constant 48 : index
          %swap3A_220 = tpu.vector_load %arg16[%swap3A_218, %swap3A_219] {strides = array<i32>} : memref<128x64xf32, #tpu.memory_space<vmem>>, vector<16xf32>,
          tpu.vector_store %arg16[%swap3A_218, %swap3A_219], %mul3A_217 {strides = array<i32>} : memref<128x64xf32, #tpu.memory_space<vmem>>, vector<16xf32>,
        }
        %scan3A_84 = arith.constant 64 : i32
        %lt3A = arith.constant 79 : i32
        %lt3A_85 = arith.cmpi slt, %scan3A_57, %lt3A : i32
        %convert_element_type3A_86 = arith.extui %lt3A_85 : i1 to i32
        %cond3A_87 = arith.constant 0 : i32
        %cond3A_88 = arith.cmpi ne, %convert_element_type3A_86, %cond3A_87 : i32
        scf.if %cond3A_88 {
          %add3A_134 = arith.constant 2 : i32
          %add3A_135 = arith.addi %add3A_61, %add3A_134 : i32
          %dma_start3A_136 = arith.constant 0 : i32
          %dma_start3A_137 = tpu.memref_slice %arg10[%add3A_135, %dma_start3A_136] : memref<160x128xi32, #tpu.memory_space<vmem>> -> memref<1x128xi32, #tpu.memory_space<vmem>>
          %dma_start3A_138 = tpu.memref_squeeze %dma_start3A_137 : memref<1x128xi32, #tpu.memory_space<vmem>> -> memref<128xi32, #tpu.memory_space<vmem>>
          %dma_start3A_139 = arith.constant 0 : i32
          %dma_start3A_140 = arith.constant 0 : i32
          %dma_start3A_141 = tpu.memref_slice %arg2[%dma_start3A_139, %dma_start3A_140] : memref<10240x64xf32, #tpu.memory_space<hbm>> -> memref<10240x64xf32, #tpu.memory_space<hbm>>
          tpu.enqueue_indirect_dma source(%dma_start3A_141 : memref<10240x64xf32, #tpu.memory_space<hbm>>) target(%arg12 : memref<128x64xf32, #tpu.memory_space<vmem>>) offsets(%dma_start3A_138 : memref<128xi32, #tpu.memory_space<vmem>>) semaphore(%arg18 : memref<!tpu.dma_semaphore, #tpu.memory_space<semaphore_mem>>)
          %add3A_142 = arith.constant 2 : i32
          %add3A_143 = arith.addi %add3A_61, %add3A_142 : i32
          %mul3A_144 = arith.constant 20480 : i32
          %mul3A_145 = arith.muli %arg1, %mul3A_144 : i32
          %mul3A_146 = arith.constant 128 : i32
          %mul3A_147 = arith.muli %add3A_143, %mul3A_146 : i32
          %add3A_148 = arith.addi %mul3A_145, %mul3A_147 : i32
          %dma_start3A_149 = tpu.memref_slice %arg4[%add3A_148, %mul3A_0] : memref<327680x128xf32, #tpu.memory_space<hbm>> -> memref<128x64xf32, #tpu.memory_space<hbm>>
          %dma_start3A_150 = tpu.memref_slice %arg4[%add3A_148, %mul3A_0] : memref<327680x128xf32, #tpu.memory_space<hbm>> -> memref<128x64xf32, #tpu.memory_space<hbm>>
          tpu.enqueue_dma source(%dma_start3A_150 : memref<128x64xf32, #tpu.memory_space<hbm>>) target(%arg14 : memref<128x64xf32, #tpu.memory_space<vmem>>) target_semaphore(%arg20 : memref<!tpu.dma_semaphore, #tpu.memory_space<semaphore_mem>>)
        } else {
        }
        %dma_start3A_89 = arith.constant 0 : i32
        %dma_start3A_90 = tpu.memref_slice %arg11[%add3A_61, %dma_start3A_89] : memref<160x128xi32, #tpu.memory_space<vmem>> -> memref<1x128xi32, #tpu.memory_space<vmem>>
        %dma_start3A_91 = tpu.memref_squeeze %dma_start3A_90 : memref<1x128xi32, #tpu.memory_space<vmem>> -> memref<128xi32, #tpu.memory_space<vmem>>
        %dma_start3A_92 = arith.constant 0 : i32
        %dma_start3A_93 = arith.constant 0 : i32
        %dma_start3A_94 = tpu.memref_slice %arg24[%dma_start3A_92, %dma_start3A_93] : memref<10240x64xf32, #tpu.memory_space<vmem_shared>> -> memref<10240x64xf32, #tpu.memory_space<vmem_shared>>
        tpu.enqueue_indirect_dma source(%arg16 : memref<128x64xf32, #tpu.memory_space<vmem>>) target(%dma_start3A_94 : memref<10240x64xf32, #tpu.memory_space<vmem_shared>>) offsets(%dma_start3A_91 : memref<128xi32, #tpu.memory_space<vmem>>) semaphore(%arg22 : memref<!tpu.dma_semaphore, #tpu.memory_space<semaphore_mem>>) {add = true}
        %mul3A_95 = arith.constant 2 : i32
        %mul3A_96 = arith.muli %mul3A_95, %scan3A_57 : i32
        %add3A_97 = arith.constant 1 : i32
        %add3A_98 = arith.addi %mul3A_96, %add3A_97 : i32
        %dma_wait3A_99 = arith.constant 0 : i32
        %dma_wait3A_100 = tpu.memref_slice %arg10[%add3A_98, %dma_wait3A_99] : memref<160x128xi32, #tpu.memory_space<vmem>> -> memref<1x128xi32, #tpu.memory_space<vmem>>
        %dma_wait3A_101 = tpu.memref_squeeze %dma_wait3A_100 : memref<1x128xi32, #tpu.memory_space<vmem>> -> memref<128xi32, #tpu.memory_space<vmem>>
        %dma_wait3A_102 = arith.constant 0 : i32
        %dma_wait3A_103 = arith.constant 0 : i32
        %dma_wait3A_104 = tpu.memref_slice %arg2[%dma_wait3A_102, %dma_wait3A_103] : memref<10240x64xf32, #tpu.memory_space<hbm>> -> memref<10240x64xf32, #tpu.memory_space<hbm>>
        tpu.wait_indirect_dma semaphore(%arg19 : memref<!tpu.dma_semaphore, #tpu.memory_space<semaphore_mem>>) src(%dma_wait3A_104 : memref<10240x64xf32, #tpu.memory_space<hbm>>) dst(%arg13 : memref<128x64xf32, #tpu.memory_space<vmem>>)
        %mul3A_105 = arith.constant 20480 : i32
        %mul3A_106 = arith.muli %arg1, %mul3A_105 : i32
        %mul3A_107 = arith.constant 128 : i32
        %mul3A_108 = arith.muli %add3A_98, %mul3A_107 : i32
        %add3A_109 = arith.addi %mul3A_106, %mul3A_108 : i32
        %dma_wait3A_110 = tpu.memref_slice %arg4[%add3A_109, %mul3A_0] : memref<327680x128xf32, #tpu.memory_space<hbm>> -> memref<128x64xf32, #tpu.memory_space<hbm>>
        %dma_wait3A_111 = tpu.memref_slice %arg4[%add3A_109, %mul3A_0] : memref<327680x128xf32, #tpu.memory_space<hbm>> -> memref<128x64xf32, #tpu.memory_space<hbm>>
        tpu.wait_dma2 semaphore(%arg21 : memref<!tpu.dma_semaphore, #tpu.memory_space<semaphore_mem>>) src(%dma_wait3A_111 : memref<128x64xf32, #tpu.memory_space<hbm>>) dst(%arg15 : memref<128x64xf32, #tpu.memory_space<vmem>>)
        %gt3A_112 = arith.constant 0 : i32
        %gt3A_113 = arith.cmpi sgt, %scan3A_57, %gt3A_112 : i32
        %convert_element_type3A_114 = arith.extui %gt3A_113 : i1 to i32
        %cond3A_115 = arith.constant 0 : i32
        %cond3A_116 = arith.cmpi ne, %convert_element_type3A_114, %cond3A_115 : i32
        scf.if %cond3A_116 {
          %sub3A = arith.constant 2 : i32
          %sub3A_134 = arith.subi %add3A_98, %sub3A : i32
          %dma_wait3A_135 = arith.constant 0 : i32
          %dma_wait3A_136 = tpu.memref_slice %arg11[%sub3A_134, %dma_wait3A_135] : memref<160x128xi32, #tpu.memory_space<vmem>> -> memref<1x128xi32, #tpu.memory_space<vmem>>
          %dma_wait3A_137 = tpu.memref_squeeze %dma_wait3A_136 : memref<1x128xi32, #tpu.memory_space<vmem>> -> memref<128xi32, #tpu.memory_space<vmem>>
          %dma_wait3A_138 = arith.constant 0 : i32
          %dma_wait3A_139 = arith.constant 0 : i32
          %dma_wait3A_140 = tpu.memref_slice %arg24[%dma_wait3A_138, %dma_wait3A_139] : memref<10240x64xf32, #tpu.memory_space<vmem_shared>> -> memref<10240x64xf32, #tpu.memory_space<vmem_shared>>
          tpu.wait_indirect_dma semaphore(%arg23 : memref<!tpu.dma_semaphore, #tpu.memory_space<semaphore_mem>>) src(%arg17 : memref<128x64xf32, #tpu.memory_space<vmem>>) dst(%dma_wait3A_140 : memref<10240x64xf32, #tpu.memory_space<vmem_shared>>)
        } else {
        }
        %scan3A_117 = arith.constant 0 : i32
        %scan3A_118 = arith.constant 0 : i32
        %scan3A_119 = arith.constant 64 : i32
        %scan3A_120 = arith.addi %scan3A_118, %scan3A_119 : i32
        %scan3A_121 = arith.constant 1 : i32
        scf.for %scan3A_134 = %scan3A_118 to %scan3A_120 step %scan3A_121  : i32 {
          %mul3A_135 = arith.constant 2 : i32
          %mul3A_136 = arith.muli %scan3A_134, %mul3A_135 : i32
          %add3A_137 = arith.constant 0 : i32
          %add3A_138 = arith.addi %mul3A_136, %add3A_137 : i32
          %get3A = arith.index_cast %add3A_138 : i32 to index
          %get3A_139 = arith.constant 0 : index
          %get3A_140 = tpu.vector_load %arg13[%get3A, %get3A_139] {strides = array<i32>} : memref<128x64xf32, #tpu.memory_space<vmem>>, vector<16xf32>,
          %get3A_141 = arith.index_cast %add3A_138 : i32 to index
          %get3A_142 = arith.constant 0 : index
          %get3A_143 = tpu.vector_load %arg15[%get3A_141, %get3A_142] {strides = array<i32>} : memref<128x64xf32, #tpu.memory_space<vmem>>, vector<16xf32>,
          %mul3A_144 = arith.mulf %get3A_140, %get3A_143 : vector<16xf32>
          %swap3A = arith.index_cast %add3A_138 : i32 to index
          %swap3A_145 = arith.constant 0 : index
          %swap3A_146 = tpu.vector_load %arg17[%swap3A, %swap3A_145] {strides = array<i32>} : memref<128x64xf32, #tpu.memory_space<vmem>>, vector<16xf32>,
          tpu.vector_store %arg17[%swap3A, %swap3A_145], %mul3A_144 {strides = array<i32>} : memref<128x64xf32, #tpu.memory_space<vmem>>, vector<16xf32>,
          %get3A_147 = arith.index_cast %add3A_138 : i32 to index
          %get3A_148 = arith.constant 16 : index
          %get3A_149 = tpu.vector_load %arg13[%get3A_147, %get3A_148] {strides = array<i32>} : memref<128x64xf32, #tpu.memory_space<vmem>>, vector<16xf32>,
          %get3A_150 = arith.index_cast %add3A_138 : i32 to index
          %get3A_151 = arith.constant 16 : index
          %get3A_152 = tpu.vector_load %arg15[%get3A_150, %get3A_151] {strides = array<i32>} : memref<128x64xf32, #tpu.memory_space<vmem>>, vector<16xf32>,
          %mul3A_153 = arith.mulf %get3A_149, %get3A_152 : vector<16xf32>
          %swap3A_154 = arith.index_cast %add3A_138 : i32 to index
          %swap3A_155 = arith.constant 16 : index
          %swap3A_156 = tpu.vector_load %arg17[%swap3A_154, %swap3A_155] {strides = array<i32>} : memref<128x64xf32, #tpu.memory_space<vmem>>, vector<16xf32>,
          tpu.vector_store %arg17[%swap3A_154, %swap3A_155], %mul3A_153 {strides = array<i32>} : memref<128x64xf32, #tpu.memory_space<vmem>>, vector<16xf32>,
          %get3A_157 = arith.index_cast %add3A_138 : i32 to index
          %get3A_158 = arith.constant 32 : index
          %get3A_159 = tpu.vector_load %arg13[%get3A_157, %get3A_158] {strides = array<i32>} : memref<128x64xf32, #tpu.memory_space<vmem>>, vector<16xf32>,
          %get3A_160 = arith.index_cast %add3A_138 : i32 to index
          %get3A_161 = arith.constant 32 : index
          %get3A_162 = tpu.vector_load %arg15[%get3A_160, %get3A_161] {strides = array<i32>} : memref<128x64xf32, #tpu.memory_space<vmem>>, vector<16xf32>,
          %mul3A_163 = arith.mulf %get3A_159, %get3A_162 : vector<16xf32>
          %swap3A_164 = arith.index_cast %add3A_138 : i32 to index
          %swap3A_165 = arith.constant 32 : index
          %swap3A_166 = tpu.vector_load %arg17[%swap3A_164, %swap3A_165] {strides = array<i32>} : memref<128x64xf32, #tpu.memory_space<vmem>>, vector<16xf32>,
          tpu.vector_store %arg17[%swap3A_164, %swap3A_165], %mul3A_163 {strides = array<i32>} : memref<128x64xf32, #tpu.memory_space<vmem>>, vector<16xf32>,
          %get3A_167 = arith.index_cast %add3A_138 : i32 to index
          %get3A_168 = arith.constant 48 : index
          %get3A_169 = tpu.vector_load %arg13[%get3A_167, %get3A_168] {strides = array<i32>} : memref<128x64xf32, #tpu.memory_space<vmem>>, vector<16xf32>,
          %get3A_170 = arith.index_cast %add3A_138 : i32 to index
          %get3A_171 = arith.constant 48 : index
          %get3A_172 = tpu.vector_load %arg15[%get3A_170, %get3A_171] {strides = array<i32>} : memref<128x64xf32, #tpu.memory_space<vmem>>, vector<16xf32>,
          %mul3A_173 = arith.mulf %get3A_169, %get3A_172 : vector<16xf32>
          %swap3A_174 = arith.index_cast %add3A_138 : i32 to index
          %swap3A_175 = arith.constant 48 : index
          %swap3A_176 = tpu.vector_load %arg17[%swap3A_174, %swap3A_175] {strides = array<i32>} : memref<128x64xf32, #tpu.memory_space<vmem>>, vector<16xf32>,
          tpu.vector_store %arg17[%swap3A_174, %swap3A_175], %mul3A_173 {strides = array<i32>} : memref<128x64xf32, #tpu.memory_space<vmem>>, vector<16xf32>,
          %mul3A_177 = arith.constant 2 : i32
          %mul3A_178 = arith.muli %scan3A_134, %mul3A_177 : i32
          %add3A_179 = arith.constant 1 : i32
          %add3A_180 = arith.addi %mul3A_178, %add3A_179 : i32
          %get3A_181 = arith.index_cast %add3A_180 : i32 to index
          %get3A_182 = arith.constant 0 : index
          %get3A_183 = tpu.vector_load %arg13[%get3A_181, %get3A_182] {strides = array<i32>} : memref<128x64xf32, #tpu.memory_space<vmem>>, vector<16xf32>,
          %get3A_184 = arith.index_cast %add3A_180 : i32 to index
          %get3A_185 = arith.constant 0 : index
          %get3A_186 = tpu.vector_load %arg15[%get3A_184, %get3A_185] {strides = array<i32>} : memref<128x64xf32, #tpu.memory_space<vmem>>, vector<16xf32>,
          %mul3A_187 = arith.mulf %get3A_183, %get3A_186 : vector<16xf32>
          %swap3A_188 = arith.index_cast %add3A_180 : i32 to index
          %swap3A_189 = arith.constant 0 : index
          %swap3A_190 = tpu.vector_load %arg17[%swap3A_188, %swap3A_189] {strides = array<i32>} : memref<128x64xf32, #tpu.memory_space<vmem>>, vector<16xf32>,
          tpu.vector_store %arg17[%swap3A_188, %swap3A_189], %mul3A_187 {strides = array<i32>} : memref<128x64xf32, #tpu.memory_space<vmem>>, vector<16xf32>,
          %get3A_191 = arith.index_cast %add3A_180 : i32 to index
          %get3A_192 = arith.constant 16 : index
          %get3A_193 = tpu.vector_load %arg13[%get3A_191, %get3A_192] {strides = array<i32>} : memref<128x64xf32, #tpu.memory_space<vmem>>, vector<16xf32>,
          %get3A_194 = arith.index_cast %add3A_180 : i32 to index
          %get3A_195 = arith.constant 16 : index
          %get3A_196 = tpu.vector_load %arg15[%get3A_194, %get3A_195] {strides = array<i32>} : memref<128x64xf32, #tpu.memory_space<vmem>>, vector<16xf32>,
          %mul3A_197 = arith.mulf %get3A_193, %get3A_196 : vector<16xf32>
          %swap3A_198 = arith.index_cast %add3A_180 : i32 to index
          %swap3A_199 = arith.constant 16 : index
          %swap3A_200 = tpu.vector_load %arg17[%swap3A_198, %swap3A_199] {strides = array<i32>} : memref<128x64xf32, #tpu.memory_space<vmem>>, vector<16xf32>,
          tpu.vector_store %arg17[%swap3A_198, %swap3A_199], %mul3A_197 {strides = array<i32>} : memref<128x64xf32, #tpu.memory_space<vmem>>, vector<16xf32>,
          %get3A_201 = arith.index_cast %add3A_180 : i32 to index
          %get3A_202 = arith.constant 32 : index
          %get3A_203 = tpu.vector_load %arg13[%get3A_201, %get3A_202] {strides = array<i32>} : memref<128x64xf32, #tpu.memory_space<vmem>>, vector<16xf32>,
          %get3A_204 = arith.index_cast %add3A_180 : i32 to index
          %get3A_205 = arith.constant 32 : index
          %get3A_206 = tpu.vector_load %arg15[%get3A_204, %get3A_205] {strides = array<i32>} : memref<128x64xf32, #tpu.memory_space<vmem>>, vector<16xf32>,
          %mul3A_207 = arith.mulf %get3A_203, %get3A_206 : vector<16xf32>
          %swap3A_208 = arith.index_cast %add3A_180 : i32 to index
          %swap3A_209 = arith.constant 32 : index
          %swap3A_210 = tpu.vector_load %arg17[%swap3A_208, %swap3A_209] {strides = array<i32>} : memref<128x64xf32, #tpu.memory_space<vmem>>, vector<16xf32>,
          tpu.vector_store %arg17[%swap3A_208, %swap3A_209], %mul3A_207 {strides = array<i32>} : memref<128x64xf32, #tpu.memory_space<vmem>>, vector<16xf32>,
          %get3A_211 = arith.index_cast %add3A_180 : i32 to index
          %get3A_212 = arith.constant 48 : index
          %get3A_213 = tpu.vector_load %arg13[%get3A_211, %get3A_212] {strides = array<i32>} : memref<128x64xf32, #tpu.memory_space<vmem>>, vector<16xf32>,
          %get3A_214 = arith.index_cast %add3A_180 : i32 to index
          %get3A_215 = arith.constant 48 : index
          %get3A_216 = tpu.vector_load %arg15[%get3A_214, %get3A_215] {strides = array<i32>} : memref<128x64xf32, #tpu.memory_space<vmem>>, vector<16xf32>,
          %mul3A_217 = arith.mulf %get3A_213, %get3A_216 : vector<16xf32>
          %swap3A_218 = arith.index_cast %add3A_180 : i32 to index
          %swap3A_219 = arith.constant 48 : index
          %swap3A_220 = tpu.vector_load %arg17[%swap3A_218, %swap3A_219] {strides = array<i32>} : memref<128x64xf32, #tpu.memory_space<vmem>>, vector<16xf32>,
          tpu.vector_store %arg17[%swap3A_218, %swap3A_219], %mul3A_217 {strides = array<i32>} : memref<128x64xf32, #tpu.memory_space<vmem>>, vector<16xf32>,
        }
        %scan3A_122 = arith.constant 64 : i32
        %lt3A_123 = arith.constant 79 : i32
        %lt3A_124 = arith.cmpi slt, %scan3A_57, %lt3A_123 : i32
        %convert_element_type3A_125 = arith.extui %lt3A_124 : i1 to i32
        %cond3A_126 = arith.constant 0 : i32
        %cond3A_127 = arith.cmpi ne, %convert_element_type3A_125, %cond3A_126 : i32
        scf.if %cond3A_127 {
          %add3A_134 = arith.constant 2 : i32
          %add3A_135 = arith.addi %add3A_98, %add3A_134 : i32
          %dma_start3A_136 = arith.constant 0 : i32
          %dma_start3A_137 = tpu.memref_slice %arg10[%add3A_135, %dma_start3A_136] : memref<160x128xi32, #tpu.memory_space<vmem>> -> memref<1x128xi32, #tpu.memory_space<vmem>>
          %dma_start3A_138 = tpu.memref_squeeze %dma_start3A_137 : memref<1x128xi32, #tpu.memory_space<vmem>> -> memref<128xi32, #tpu.memory_space<vmem>>
          %dma_start3A_139 = arith.constant 0 : i32
          %dma_start3A_140 = arith.constant 0 : i32
          %dma_start3A_141 = tpu.memref_slice %arg2[%dma_start3A_139, %dma_start3A_140] : memref<10240x64xf32, #tpu.memory_space<hbm>> -> memref<10240x64xf32, #tpu.memory_space<hbm>>
          tpu.enqueue_indirect_dma source(%dma_start3A_141 : memref<10240x64xf32, #tpu.memory_space<hbm>>) target(%arg13 : memref<128x64xf32, #tpu.memory_space<vmem>>) offsets(%dma_start3A_138 : memref<128xi32, #tpu.memory_space<vmem>>) semaphore(%arg19 : memref<!tpu.dma_semaphore, #tpu.memory_space<semaphore_mem>>)
          %add3A_142 = arith.constant 2 : i32
          %add3A_143 = arith.addi %add3A_98, %add3A_142 : i32
          %mul3A_144 = arith.constant 20480 : i32
          %mul3A_145 = arith.muli %arg1, %mul3A_144 : i32
          %mul3A_146 = arith.constant 128 : i32
          %mul3A_147 = arith.muli %add3A_143, %mul3A_146 : i32
          %add3A_148 = arith.addi %mul3A_145, %mul3A_147 : i32
          %dma_start3A_149 = tpu.memref_slice %arg4[%add3A_148, %mul3A_0] : memref<327680x128xf32, #tpu.memory_space<hbm>> -> memref<128x64xf32, #tpu.memory_space<hbm>>
          %dma_start3A_150 = tpu.memref_slice %arg4[%add3A_148, %mul3A_0] : memref<327680x128xf32, #tpu.memory_space<hbm>> -> memref<128x64xf32, #tpu.memory_space<hbm>>
          tpu.enqueue_dma source(%dma_start3A_150 : memref<128x64xf32, #tpu.memory_space<hbm>>) target(%arg15 : memref<128x64xf32, #tpu.memory_space<vmem>>) target_semaphore(%arg21 : memref<!tpu.dma_semaphore, #tpu.memory_space<semaphore_mem>>)
        } else {
        }
        %dma_start3A_128 = arith.constant 0 : i32
        %dma_start3A_129 = tpu.memref_slice %arg11[%add3A_98, %dma_start3A_128] : memref<160x128xi32, #tpu.memory_space<vmem>> -> memref<1x128xi32, #tpu.memory_space<vmem>>
        %dma_start3A_130 = tpu.memref_squeeze %dma_start3A_129 : memref<1x128xi32, #tpu.memory_space<vmem>> -> memref<128xi32, #tpu.memory_space<vmem>>
        %dma_start3A_131 = arith.constant 0 : i32
        %dma_start3A_132 = arith.constant 0 : i32
        %dma_start3A_133 = tpu.memref_slice %arg24[%dma_start3A_131, %dma_start3A_132] : memref<10240x64xf32, #tpu.memory_space<vmem_shared>> -> memref<10240x64xf32, #tpu.memory_space<vmem_shared>>
        tpu.enqueue_indirect_dma source(%arg17 : memref<128x64xf32, #tpu.memory_space<vmem>>) target(%dma_start3A_133 : memref<10240x64xf32, #tpu.memory_space<vmem_shared>>) offsets(%dma_start3A_130 : memref<128xi32, #tpu.memory_space<vmem>>) semaphore(%arg23 : memref<!tpu.dma_semaphore, #tpu.memory_space<semaphore_mem>>) {add = true}
      }
      %scan3A_42 = arith.constant 80 : i32
      %dma_wait3A = arith.constant 158 : i32
      %dma_wait3A_43 = arith.constant 0 : i32
      %dma_wait3A_44 = tpu.memref_slice %arg11[%dma_wait3A, %dma_wait3A_43] : memref<160x128xi32, #tpu.memory_space<vmem>> -> memref<1x128xi32, #tpu.memory_space<vmem>>
      %dma_wait3A_45 = tpu.memref_squeeze %dma_wait3A_44 : memref<1x128xi32, #tpu.memory_space<vmem>> -> memref<128xi32, #tpu.memory_space<vmem>>
      %dma_wait3A_46 = arith.constant 0 : i32
      %dma_wait3A_47 = arith.constant 0 : i32
      %dma_wait3A_48 = tpu.memref_slice %arg24[%dma_wait3A_46, %dma_wait3A_47] : memref<10240x64xf32, #tpu.memory_space<vmem_shared>> -> memref<10240x64xf32, #tpu.memory_space<vmem_shared>>
      tpu.wait_indirect_dma semaphore(%arg22 : memref<!tpu.dma_semaphore, #tpu.memory_space<semaphore_mem>>) src(%arg16 : memref<128x64xf32, #tpu.memory_space<vmem>>) dst(%dma_wait3A_48 : memref<10240x64xf32, #tpu.memory_space<vmem_shared>>)
      %dma_wait3A_49 = arith.constant 159 : i32
      %dma_wait3A_50 = arith.constant 0 : i32
      %dma_wait3A_51 = tpu.memref_slice %arg11[%dma_wait3A_49, %dma_wait3A_50] : memref<160x128xi32, #tpu.memory_space<vmem>> -> memref<1x128xi32, #tpu.memory_space<vmem>>
      %dma_wait3A_52 = tpu.memref_squeeze %dma_wait3A_51 : memref<1x128xi32, #tpu.memory_space<vmem>> -> memref<128xi32, #tpu.memory_space<vmem>>
      %dma_wait3A_53 = arith.constant 0 : i32
      %dma_wait3A_54 = arith.constant 0 : i32
      %dma_wait3A_55 = tpu.memref_slice %arg24[%dma_wait3A_53, %dma_wait3A_54] : memref<10240x64xf32, #tpu.memory_space<vmem_shared>> -> memref<10240x64xf32, #tpu.memory_space<vmem_shared>>
      tpu.wait_indirect_dma semaphore(%arg23 : memref<!tpu.dma_semaphore, #tpu.memory_space<semaphore_mem>>) src(%arg17 : memref<128x64xf32, #tpu.memory_space<vmem>>) dst(%dma_wait3A_55 : memref<10240x64xf32, #tpu.memory_space<vmem_shared>>)
      %barrier3A_56 = arith.constant 0 : index
      tpu.barrier barrier_id(%barrier3A_56)
      "tpu.region"() ({
        %run_scoped3A = tpu.sem_alloc : memref<!tpu.dma_semaphore, #tpu.memory_space<semaphore_mem>>
        %dma_start3A_57 = arith.constant 0 : i32
        %dma_start3A_58 = tpu.memref_slice %arg8[%mul3A_2, %dma_start3A_57] : memref<10240x64xf32, #tpu.memory_space<hbm>> -> memref<640x64xf32, #tpu.memory_space<hbm>>
        %dma_start3A_59 = arith.constant 0 : i32
        %dma_start3A_60 = tpu.memref_slice %arg24[%mul3A_2, %dma_start3A_59] : memref<10240x64xf32, #tpu.memory_space<vmem_shared>> -> memref<640x64xf32, #tpu.memory_space<vmem_shared>>
        tpu.enqueue_dma source(%dma_start3A_60 : memref<640x64xf32, #tpu.memory_space<vmem_shared>>) target(%dma_start3A_58 : memref<640x64xf32, #tpu.memory_space<hbm>>) target_semaphore(%run_scoped3A : memref<!tpu.dma_semaphore, #tpu.memory_space<semaphore_mem>>)
        %dma_wait3A_61 = arith.constant 0 : i32
        %dma_wait3A_62 = tpu.memref_slice %arg8[%mul3A_2, %dma_wait3A_61] : memref<10240x64xf32, #tpu.memory_space<hbm>> -> memref<640x64xf32, #tpu.memory_space<hbm>>
        %dma_wait3A_63 = arith.constant 0 : i32
        %dma_wait3A_64 = tpu.memref_slice %arg24[%mul3A_2, %dma_wait3A_63] : memref<10240x64xf32, #tpu.memory_space<vmem_shared>> -> memref<640x64xf32, #tpu.memory_space<vmem_shared>>
        tpu.wait_dma2 semaphore(%run_scoped3A : memref<!tpu.dma_semaphore, #tpu.memory_space<semaphore_mem>>) src(%dma_wait3A_64 : memref<640x64xf32, #tpu.memory_space<vmem_shared>>) dst(%dma_wait3A_62 : memref<640x64xf32, #tpu.memory_space<hbm>>)
        tpu.yield
      }) : () -> ()
    } else {
    }
    %eq3A_9 = arith.constant 1 : i32
    %eq3A_10 = arith.cmpi eq, %arg0, %eq3A_9 : i32
    %convert_element_type3A_11 = arith.extui %eq3A_10 : i1 to i32
    %cond3A_12 = arith.constant 0 : i32
    %cond3A_13 = arith.cmpi ne, %convert_element_type3A_11, %cond3A_12 : i32
    scf.if %cond3A_13 {
      %dma_start3A = arith.constant 0 : i32
      %dma_start3A_14 = arith.constant 0 : i32
      %dma_start3A_15 = tpu.memref_slice %arg10[%dma_start3A, %dma_start3A_14] : memref<160x128xi32, #tpu.memory_space<vmem>> -> memref<1x128xi32, #tpu.memory_space<vmem>>
      %dma_start3A_16 = tpu.memref_squeeze %dma_start3A_15 : memref<1x128xi32, #tpu.memory_space<vmem>> -> memref<128xi32, #tpu.memory_space<vmem>>
      %dma_start3A_17 = arith.constant 0 : i32
      %dma_start3A_18 = arith.constant 0 : i32
      %dma_start3A_19 = tpu.memref_slice %arg3[%dma_start3A_17, %dma_start3A_18] : memref<10240x64xf32, #tpu.memory_space<hbm>> -> memref<10240x64xf32, #tpu.memory_space<hbm>>
      tpu.enqueue_indirect_dma source(%dma_start3A_19 : memref<10240x64xf32, #tpu.memory_space<hbm>>) target(%arg12 : memref<128x64xf32, #tpu.memory_space<vmem>>) offsets(%dma_start3A_16 : memref<128xi32, #tpu.memory_space<vmem>>) semaphore(%arg18 : memref<!tpu.dma_semaphore, #tpu.memory_space<semaphore_mem>>)
      %mul3A_20 = arith.constant 20480 : i32
      %mul3A_21 = arith.muli %arg1, %mul3A_20 : i32
      %add3A = arith.constant 0 : i32
      %add3A_22 = arith.addi %mul3A_21, %add3A : i32
      %dma_start3A_23 = tpu.memref_slice %arg4[%add3A_22, %mul3A_0] : memref<327680x128xf32, #tpu.memory_space<hbm>> -> memref<128x64xf32, #tpu.memory_space<hbm>>
      %dma_start3A_24 = tpu.memref_slice %arg4[%add3A_22, %mul3A_0] : memref<327680x128xf32, #tpu.memory_space<hbm>> -> memref<128x64xf32, #tpu.memory_space<hbm>>
      tpu.enqueue_dma source(%dma_start3A_24 : memref<128x64xf32, #tpu.memory_space<hbm>>) target(%arg14 : memref<128x64xf32, #tpu.memory_space<vmem>>) target_semaphore(%arg20 : memref<!tpu.dma_semaphore, #tpu.memory_space<semaphore_mem>>)
      %dma_start3A_25 = arith.constant 1 : i32
      %dma_start3A_26 = arith.constant 0 : i32
      %dma_start3A_27 = tpu.memref_slice %arg10[%dma_start3A_25, %dma_start3A_26] : memref<160x128xi32, #tpu.memory_space<vmem>> -> memref<1x128xi32, #tpu.memory_space<vmem>>
      %dma_start3A_28 = tpu.memref_squeeze %dma_start3A_27 : memref<1x128xi32, #tpu.memory_space<vmem>> -> memref<128xi32, #tpu.memory_space<vmem>>
      %dma_start3A_29 = arith.constant 0 : i32
      %dma_start3A_30 = arith.constant 0 : i32
      %dma_start3A_31 = tpu.memref_slice %arg3[%dma_start3A_29, %dma_start3A_30] : memref<10240x64xf32, #tpu.memory_space<hbm>> -> memref<10240x64xf32, #tpu.memory_space<hbm>>
      tpu.enqueue_indirect_dma source(%dma_start3A_31 : memref<10240x64xf32, #tpu.memory_space<hbm>>) target(%arg13 : memref<128x64xf32, #tpu.memory_space<vmem>>) offsets(%dma_start3A_28 : memref<128xi32, #tpu.memory_space<vmem>>) semaphore(%arg19 : memref<!tpu.dma_semaphore, #tpu.memory_space<semaphore_mem>>)
      %mul3A_32 = arith.constant 20480 : i32
      %mul3A_33 = arith.muli %arg1, %mul3A_32 : i32
      %add3A_34 = arith.constant 128 : i32
      %add3A_35 = arith.addi %mul3A_33, %add3A_34 : i32
      %dma_start3A_36 = tpu.memref_slice %arg4[%add3A_35, %mul3A_0] : memref<327680x128xf32, #tpu.memory_space<hbm>> -> memref<128x64xf32, #tpu.memory_space<hbm>>
      %dma_start3A_37 = tpu.memref_slice %arg4[%add3A_35, %mul3A_0] : memref<327680x128xf32, #tpu.memory_space<hbm>> -> memref<128x64xf32, #tpu.memory_space<hbm>>
      tpu.enqueue_dma source(%dma_start3A_37 : memref<128x64xf32, #tpu.memory_space<hbm>>) target(%arg15 : memref<128x64xf32, #tpu.memory_space<vmem>>) target_semaphore(%arg21 : memref<!tpu.dma_semaphore, #tpu.memory_space<semaphore_mem>>)
      %scan3A = arith.constant 0 : i32
      %scan3A_38 = arith.constant 0 : i32
      %scan3A_39 = arith.constant 80 : i32
      %scan3A_40 = arith.addi %scan3A_38, %scan3A_39 : i32
      %scan3A_41 = arith.constant 1 : i32
      scf.for %scan3A_57 = %scan3A_38 to %scan3A_40 step %scan3A_41  : i32 {
        %mul3A_58 = arith.constant 2 : i32
        %mul3A_59 = arith.muli %mul3A_58, %scan3A_57 : i32
        %add3A_60 = arith.constant 0 : i32
        %add3A_61 = arith.addi %mul3A_59, %add3A_60 : i32
        %dma_wait3A_62 = arith.constant 0 : i32
        %dma_wait3A_63 = tpu.memref_slice %arg10[%add3A_61, %dma_wait3A_62] : memref<160x128xi32, #tpu.memory_space<vmem>> -> memref<1x128xi32, #tpu.memory_space<vmem>>
        %dma_wait3A_64 = tpu.memref_squeeze %dma_wait3A_63 : memref<1x128xi32, #tpu.memory_space<vmem>> -> memref<128xi32, #tpu.memory_space<vmem>>
        %dma_wait3A_65 = arith.constant 0 : i32
        %dma_wait3A_66 = arith.constant 0 : i32
        %dma_wait3A_67 = tpu.memref_slice %arg3[%dma_wait3A_65, %dma_wait3A_66] : memref<10240x64xf32, #tpu.memory_space<hbm>> -> memref<10240x64xf32, #tpu.memory_space<hbm>>
        tpu.wait_indirect_dma semaphore(%arg18 : memref<!tpu.dma_semaphore, #tpu.memory_space<semaphore_mem>>) src(%dma_wait3A_67 : memref<10240x64xf32, #tpu.memory_space<hbm>>) dst(%arg12 : memref<128x64xf32, #tpu.memory_space<vmem>>)
        %mul3A_68 = arith.constant 20480 : i32
        %mul3A_69 = arith.muli %arg1, %mul3A_68 : i32
        %mul3A_70 = arith.constant 128 : i32
        %mul3A_71 = arith.muli %add3A_61, %mul3A_70 : i32
        %add3A_72 = arith.addi %mul3A_69, %mul3A_71 : i32
        %dma_wait3A_73 = tpu.memref_slice %arg4[%add3A_72, %mul3A_0] : memref<327680x128xf32, #tpu.memory_space<hbm>> -> memref<128x64xf32, #tpu.memory_space<hbm>>
        %dma_wait3A_74 = tpu.memref_slice %arg4[%add3A_72, %mul3A_0] : memref<327680x128xf32, #tpu.memory_space<hbm>> -> memref<128x64xf32, #tpu.memory_space<hbm>>
        tpu.wait_dma2 semaphore(%arg20 : memref<!tpu.dma_semaphore, #tpu.memory_space<semaphore_mem>>) src(%dma_wait3A_74 : memref<128x64xf32, #tpu.memory_space<hbm>>) dst(%arg14 : memref<128x64xf32, #tpu.memory_space<vmem>>)
        %gt3A = arith.constant 0 : i32
        %gt3A_75 = arith.cmpi sgt, %scan3A_57, %gt3A : i32
        %convert_element_type3A_76 = arith.extui %gt3A_75 : i1 to i32
        %cond3A_77 = arith.constant 0 : i32
        %cond3A_78 = arith.cmpi ne, %convert_element_type3A_76, %cond3A_77 : i32
        scf.if %cond3A_78 {
          %sub3A = arith.constant 2 : i32
          %sub3A_134 = arith.subi %add3A_61, %sub3A : i32
          %dma_wait3A_135 = arith.constant 0 : i32
          %dma_wait3A_136 = tpu.memref_slice %arg11[%sub3A_134, %dma_wait3A_135] : memref<160x128xi32, #tpu.memory_space<vmem>> -> memref<1x128xi32, #tpu.memory_space<vmem>>
          %dma_wait3A_137 = tpu.memref_squeeze %dma_wait3A_136 : memref<1x128xi32, #tpu.memory_space<vmem>> -> memref<128xi32, #tpu.memory_space<vmem>>
          %dma_wait3A_138 = arith.constant 0 : i32
          %dma_wait3A_139 = arith.constant 0 : i32
          %dma_wait3A_140 = tpu.memref_slice %arg24[%dma_wait3A_138, %dma_wait3A_139] : memref<10240x64xf32, #tpu.memory_space<vmem_shared>> -> memref<10240x64xf32, #tpu.memory_space<vmem_shared>>
          tpu.wait_indirect_dma semaphore(%arg22 : memref<!tpu.dma_semaphore, #tpu.memory_space<semaphore_mem>>) src(%arg16 : memref<128x64xf32, #tpu.memory_space<vmem>>) dst(%dma_wait3A_140 : memref<10240x64xf32, #tpu.memory_space<vmem_shared>>)
        } else {
        }
        %scan3A_79 = arith.constant 0 : i32
        %scan3A_80 = arith.constant 0 : i32
        %scan3A_81 = arith.constant 64 : i32
        %scan3A_82 = arith.addi %scan3A_80, %scan3A_81 : i32
        %scan3A_83 = arith.constant 1 : i32
        scf.for %scan3A_134 = %scan3A_80 to %scan3A_82 step %scan3A_83  : i32 {
          %mul3A_135 = arith.constant 2 : i32
          %mul3A_136 = arith.muli %scan3A_134, %mul3A_135 : i32
          %add3A_137 = arith.constant 0 : i32
          %add3A_138 = arith.addi %mul3A_136, %add3A_137 : i32
          %get3A = arith.index_cast %add3A_138 : i32 to index
          %get3A_139 = arith.constant 0 : index
          %get3A_140 = tpu.vector_load %arg12[%get3A, %get3A_139] {strides = array<i32>} : memref<128x64xf32, #tpu.memory_space<vmem>>, vector<16xf32>,
          %get3A_141 = arith.index_cast %add3A_138 : i32 to index
          %get3A_142 = arith.constant 0 : index
          %get3A_143 = tpu.vector_load %arg14[%get3A_141, %get3A_142] {strides = array<i32>} : memref<128x64xf32, #tpu.memory_space<vmem>>, vector<16xf32>,
          %mul3A_144 = arith.mulf %get3A_140, %get3A_143 : vector<16xf32>
          %swap3A = arith.index_cast %add3A_138 : i32 to index
          %swap3A_145 = arith.constant 0 : index
          %swap3A_146 = tpu.vector_load %arg16[%swap3A, %swap3A_145] {strides = array<i32>} : memref<128x64xf32, #tpu.memory_space<vmem>>, vector<16xf32>,
          tpu.vector_store %arg16[%swap3A, %swap3A_145], %mul3A_144 {strides = array<i32>} : memref<128x64xf32, #tpu.memory_space<vmem>>, vector<16xf32>,
          %get3A_147 = arith.index_cast %add3A_138 : i32 to index
          %get3A_148 = arith.constant 16 : index
          %get3A_149 = tpu.vector_load %arg12[%get3A_147, %get3A_148] {strides = array<i32>} : memref<128x64xf32, #tpu.memory_space<vmem>>, vector<16xf32>,
          %get3A_150 = arith.index_cast %add3A_138 : i32 to index
          %get3A_151 = arith.constant 16 : index
          %get3A_152 = tpu.vector_load %arg14[%get3A_150, %get3A_151] {strides = array<i32>} : memref<128x64xf32, #tpu.memory_space<vmem>>, vector<16xf32>,
          %mul3A_153 = arith.mulf %get3A_149, %get3A_152 : vector<16xf32>
          %swap3A_154 = arith.index_cast %add3A_138 : i32 to index
          %swap3A_155 = arith.constant 16 : index
          %swap3A_156 = tpu.vector_load %arg16[%swap3A_154, %swap3A_155] {strides = array<i32>} : memref<128x64xf32, #tpu.memory_space<vmem>>, vector<16xf32>,
          tpu.vector_store %arg16[%swap3A_154, %swap3A_155], %mul3A_153 {strides = array<i32>} : memref<128x64xf32, #tpu.memory_space<vmem>>, vector<16xf32>,
          %get3A_157 = arith.index_cast %add3A_138 : i32 to index
          %get3A_158 = arith.constant 32 : index
          %get3A_159 = tpu.vector_load %arg12[%get3A_157, %get3A_158] {strides = array<i32>} : memref<128x64xf32, #tpu.memory_space<vmem>>, vector<16xf32>,
          %get3A_160 = arith.index_cast %add3A_138 : i32 to index
          %get3A_161 = arith.constant 32 : index
          %get3A_162 = tpu.vector_load %arg14[%get3A_160, %get3A_161] {strides = array<i32>} : memref<128x64xf32, #tpu.memory_space<vmem>>, vector<16xf32>,
          %mul3A_163 = arith.mulf %get3A_159, %get3A_162 : vector<16xf32>
          %swap3A_164 = arith.index_cast %add3A_138 : i32 to index
          %swap3A_165 = arith.constant 32 : index
          %swap3A_166 = tpu.vector_load %arg16[%swap3A_164, %swap3A_165] {strides = array<i32>} : memref<128x64xf32, #tpu.memory_space<vmem>>, vector<16xf32>,
          tpu.vector_store %arg16[%swap3A_164, %swap3A_165], %mul3A_163 {strides = array<i32>} : memref<128x64xf32, #tpu.memory_space<vmem>>, vector<16xf32>,
          %get3A_167 = arith.index_cast %add3A_138 : i32 to index
          %get3A_168 = arith.constant 48 : index
          %get3A_169 = tpu.vector_load %arg12[%get3A_167, %get3A_168] {strides = array<i32>} : memref<128x64xf32, #tpu.memory_space<vmem>>, vector<16xf32>,
          %get3A_170 = arith.index_cast %add3A_138 : i32 to index
          %get3A_171 = arith.constant 48 : index
          %get3A_172 = tpu.vector_load %arg14[%get3A_170, %get3A_171] {strides = array<i32>} : memref<128x64xf32, #tpu.memory_space<vmem>>, vector<16xf32>,
          %mul3A_173 = arith.mulf %get3A_169, %get3A_172 : vector<16xf32>
          %swap3A_174 = arith.index_cast %add3A_138 : i32 to index
          %swap3A_175 = arith.constant 48 : index
          %swap3A_176 = tpu.vector_load %arg16[%swap3A_174, %swap3A_175] {strides = array<i32>} : memref<128x64xf32, #tpu.memory_space<vmem>>, vector<16xf32>,
          tpu.vector_store %arg16[%swap3A_174, %swap3A_175], %mul3A_173 {strides = array<i32>} : memref<128x64xf32, #tpu.memory_space<vmem>>, vector<16xf32>,
          %mul3A_177 = arith.constant 2 : i32
          %mul3A_178 = arith.muli %scan3A_134, %mul3A_177 : i32
          %add3A_179 = arith.constant 1 : i32
          %add3A_180 = arith.addi %mul3A_178, %add3A_179 : i32
          %get3A_181 = arith.index_cast %add3A_180 : i32 to index
          %get3A_182 = arith.constant 0 : index
          %get3A_183 = tpu.vector_load %arg12[%get3A_181, %get3A_182] {strides = array<i32>} : memref<128x64xf32, #tpu.memory_space<vmem>>, vector<16xf32>,
          %get3A_184 = arith.index_cast %add3A_180 : i32 to index
          %get3A_185 = arith.constant 0 : index
          %get3A_186 = tpu.vector_load %arg14[%get3A_184, %get3A_185] {strides = array<i32>} : memref<128x64xf32, #tpu.memory_space<vmem>>, vector<16xf32>,
          %mul3A_187 = arith.mulf %get3A_183, %get3A_186 : vector<16xf32>
          %swap3A_188 = arith.index_cast %add3A_180 : i32 to index
          %swap3A_189 = arith.constant 0 : index
          %swap3A_190 = tpu.vector_load %arg16[%swap3A_188, %swap3A_189] {strides = array<i32>} : memref<128x64xf32, #tpu.memory_space<vmem>>, vector<16xf32>,
          tpu.vector_store %arg16[%swap3A_188, %swap3A_189], %mul3A_187 {strides = array<i32>} : memref<128x64xf32, #tpu.memory_space<vmem>>, vector<16xf32>,
          %get3A_191 = arith.index_cast %add3A_180 : i32 to index
          %get3A_192 = arith.constant 16 : index
          %get3A_193 = tpu.vector_load %arg12[%get3A_191, %get3A_192] {strides = array<i32>} : memref<128x64xf32, #tpu.memory_space<vmem>>, vector<16xf32>,
          %get3A_194 = arith.index_cast %add3A_180 : i32 to index
          %get3A_195 = arith.constant 16 : index
          %get3A_196 = tpu.vector_load %arg14[%get3A_194, %get3A_195] {strides = array<i32>} : memref<128x64xf32, #tpu.memory_space<vmem>>, vector<16xf32>,
          %mul3A_197 = arith.mulf %get3A_193, %get3A_196 : vector<16xf32>
          %swap3A_198 = arith.index_cast %add3A_180 : i32 to index
          %swap3A_199 = arith.constant 16 : index
          %swap3A_200 = tpu.vector_load %arg16[%swap3A_198, %swap3A_199] {strides = array<i32>} : memref<128x64xf32, #tpu.memory_space<vmem>>, vector<16xf32>,
          tpu.vector_store %arg16[%swap3A_198, %swap3A_199], %mul3A_197 {strides = array<i32>} : memref<128x64xf32, #tpu.memory_space<vmem>>, vector<16xf32>,
          %get3A_201 = arith.index_cast %add3A_180 : i32 to index
          %get3A_202 = arith.constant 32 : index
          %get3A_203 = tpu.vector_load %arg12[%get3A_201, %get3A_202] {strides = array<i32>} : memref<128x64xf32, #tpu.memory_space<vmem>>, vector<16xf32>,
          %get3A_204 = arith.index_cast %add3A_180 : i32 to index
          %get3A_205 = arith.constant 32 : index
          %get3A_206 = tpu.vector_load %arg14[%get3A_204, %get3A_205] {strides = array<i32>} : memref<128x64xf32, #tpu.memory_space<vmem>>, vector<16xf32>,
          %mul3A_207 = arith.mulf %get3A_203, %get3A_206 : vector<16xf32>
          %swap3A_208 = arith.index_cast %add3A_180 : i32 to index
          %swap3A_209 = arith.constant 32 : index
          %swap3A_210 = tpu.vector_load %arg16[%swap3A_208, %swap3A_209] {strides = array<i32>} : memref<128x64xf32, #tpu.memory_space<vmem>>, vector<16xf32>,
          tpu.vector_store %arg16[%swap3A_208, %swap3A_209], %mul3A_207 {strides = array<i32>} : memref<128x64xf32, #tpu.memory_space<vmem>>, vector<16xf32>,
          %get3A_211 = arith.index_cast %add3A_180 : i32 to index
          %get3A_212 = arith.constant 48 : index
          %get3A_213 = tpu.vector_load %arg12[%get3A_211, %get3A_212] {strides = array<i32>} : memref<128x64xf32, #tpu.memory_space<vmem>>, vector<16xf32>,
          %get3A_214 = arith.index_cast %add3A_180 : i32 to index
          %get3A_215 = arith.constant 48 : index
          %get3A_216 = tpu.vector_load %arg14[%get3A_214, %get3A_215] {strides = array<i32>} : memref<128x64xf32, #tpu.memory_space<vmem>>, vector<16xf32>,
          %mul3A_217 = arith.mulf %get3A_213, %get3A_216 : vector<16xf32>
          %swap3A_218 = arith.index_cast %add3A_180 : i32 to index
          %swap3A_219 = arith.constant 48 : index
          %swap3A_220 = tpu.vector_load %arg16[%swap3A_218, %swap3A_219] {strides = array<i32>} : memref<128x64xf32, #tpu.memory_space<vmem>>, vector<16xf32>,
          tpu.vector_store %arg16[%swap3A_218, %swap3A_219], %mul3A_217 {strides = array<i32>} : memref<128x64xf32, #tpu.memory_space<vmem>>, vector<16xf32>,
        }
        %scan3A_84 = arith.constant 64 : i32
        %lt3A = arith.constant 79 : i32
        %lt3A_85 = arith.cmpi slt, %scan3A_57, %lt3A : i32
        %convert_element_type3A_86 = arith.extui %lt3A_85 : i1 to i32
        %cond3A_87 = arith.constant 0 : i32
        %cond3A_88 = arith.cmpi ne, %convert_element_type3A_86, %cond3A_87 : i32
        scf.if %cond3A_88 {
          %add3A_134 = arith.constant 2 : i32
          %add3A_135 = arith.addi %add3A_61, %add3A_134 : i32
          %dma_start3A_136 = arith.constant 0 : i32
          %dma_start3A_137 = tpu.memref_slice %arg10[%add3A_135, %dma_start3A_136] : memref<160x128xi32, #tpu.memory_space<vmem>> -> memref<1x128xi32, #tpu.memory_space<vmem>>
          %dma_start3A_138 = tpu.memref_squeeze %dma_start3A_137 : memref<1x128xi32, #tpu.memory_space<vmem>> -> memref<128xi32, #tpu.memory_space<vmem>>
          %dma_start3A_139 = arith.constant 0 : i32
          %dma_start3A_140 = arith.constant 0 : i32
          %dma_start3A_141 = tpu.memref_slice %arg3[%dma_start3A_139, %dma_start3A_140] : memref<10240x64xf32, #tpu.memory_space<hbm>> -> memref<10240x64xf32, #tpu.memory_space<hbm>>
          tpu.enqueue_indirect_dma source(%dma_start3A_141 : memref<10240x64xf32, #tpu.memory_space<hbm>>) target(%arg12 : memref<128x64xf32, #tpu.memory_space<vmem>>) offsets(%dma_start3A_138 : memref<128xi32, #tpu.memory_space<vmem>>) semaphore(%arg18 : memref<!tpu.dma_semaphore, #tpu.memory_space<semaphore_mem>>)
          %add3A_142 = arith.constant 2 : i32
          %add3A_143 = arith.addi %add3A_61, %add3A_142 : i32
          %mul3A_144 = arith.constant 20480 : i32
          %mul3A_145 = arith.muli %arg1, %mul3A_144 : i32
          %mul3A_146 = arith.constant 128 : i32
          %mul3A_147 = arith.muli %add3A_143, %mul3A_146 : i32
          %add3A_148 = arith.addi %mul3A_145, %mul3A_147 : i32
          %dma_start3A_149 = tpu.memref_slice %arg4[%add3A_148, %mul3A_0] : memref<327680x128xf32, #tpu.memory_space<hbm>> -> memref<128x64xf32, #tpu.memory_space<hbm>>
          %dma_start3A_150 = tpu.memref_slice %arg4[%add3A_148, %mul3A_0] : memref<327680x128xf32, #tpu.memory_space<hbm>> -> memref<128x64xf32, #tpu.memory_space<hbm>>
          tpu.enqueue_dma source(%dma_start3A_150 : memref<128x64xf32, #tpu.memory_space<hbm>>) target(%arg14 : memref<128x64xf32, #tpu.memory_space<vmem>>) target_semaphore(%arg20 : memref<!tpu.dma_semaphore, #tpu.memory_space<semaphore_mem>>)
        } else {
        }
        %dma_start3A_89 = arith.constant 0 : i32
        %dma_start3A_90 = tpu.memref_slice %arg11[%add3A_61, %dma_start3A_89] : memref<160x128xi32, #tpu.memory_space<vmem>> -> memref<1x128xi32, #tpu.memory_space<vmem>>
        %dma_start3A_91 = tpu.memref_squeeze %dma_start3A_90 : memref<1x128xi32, #tpu.memory_space<vmem>> -> memref<128xi32, #tpu.memory_space<vmem>>
        %dma_start3A_92 = arith.constant 0 : i32
        %dma_start3A_93 = arith.constant 0 : i32
        %dma_start3A_94 = tpu.memref_slice %arg24[%dma_start3A_92, %dma_start3A_93] : memref<10240x64xf32, #tpu.memory_space<vmem_shared>> -> memref<10240x64xf32, #tpu.memory_space<vmem_shared>>
        tpu.enqueue_indirect_dma source(%arg16 : memref<128x64xf32, #tpu.memory_space<vmem>>) target(%dma_start3A_94 : memref<10240x64xf32, #tpu.memory_space<vmem_shared>>) offsets(%dma_start3A_91 : memref<128xi32, #tpu.memory_space<vmem>>) semaphore(%arg22 : memref<!tpu.dma_semaphore, #tpu.memory_space<semaphore_mem>>) {add = true}
        %mul3A_95 = arith.constant 2 : i32
        %mul3A_96 = arith.muli %mul3A_95, %scan3A_57 : i32
        %add3A_97 = arith.constant 1 : i32
        %add3A_98 = arith.addi %mul3A_96, %add3A_97 : i32
        %dma_wait3A_99 = arith.constant 0 : i32
        %dma_wait3A_100 = tpu.memref_slice %arg10[%add3A_98, %dma_wait3A_99] : memref<160x128xi32, #tpu.memory_space<vmem>> -> memref<1x128xi32, #tpu.memory_space<vmem>>
        %dma_wait3A_101 = tpu.memref_squeeze %dma_wait3A_100 : memref<1x128xi32, #tpu.memory_space<vmem>> -> memref<128xi32, #tpu.memory_space<vmem>>
        %dma_wait3A_102 = arith.constant 0 : i32
        %dma_wait3A_103 = arith.constant 0 : i32
        %dma_wait3A_104 = tpu.memref_slice %arg3[%dma_wait3A_102, %dma_wait3A_103] : memref<10240x64xf32, #tpu.memory_space<hbm>> -> memref<10240x64xf32, #tpu.memory_space<hbm>>
        tpu.wait_indirect_dma semaphore(%arg19 : memref<!tpu.dma_semaphore, #tpu.memory_space<semaphore_mem>>) src(%dma_wait3A_104 : memref<10240x64xf32, #tpu.memory_space<hbm>>) dst(%arg13 : memref<128x64xf32, #tpu.memory_space<vmem>>)
        %mul3A_105 = arith.constant 20480 : i32
        %mul3A_106 = arith.muli %arg1, %mul3A_105 : i32
        %mul3A_107 = arith.constant 128 : i32
        %mul3A_108 = arith.muli %add3A_98, %mul3A_107 : i32
        %add3A_109 = arith.addi %mul3A_106, %mul3A_108 : i32
        %dma_wait3A_110 = tpu.memref_slice %arg4[%add3A_109, %mul3A_0] : memref<327680x128xf32, #tpu.memory_space<hbm>> -> memref<128x64xf32, #tpu.memory_space<hbm>>
        %dma_wait3A_111 = tpu.memref_slice %arg4[%add3A_109, %mul3A_0] : memref<327680x128xf32, #tpu.memory_space<hbm>> -> memref<128x64xf32, #tpu.memory_space<hbm>>
        tpu.wait_dma2 semaphore(%arg21 : memref<!tpu.dma_semaphore, #tpu.memory_space<semaphore_mem>>) src(%dma_wait3A_111 : memref<128x64xf32, #tpu.memory_space<hbm>>) dst(%arg15 : memref<128x64xf32, #tpu.memory_space<vmem>>)
        %gt3A_112 = arith.constant 0 : i32
        %gt3A_113 = arith.cmpi sgt, %scan3A_57, %gt3A_112 : i32
        %convert_element_type3A_114 = arith.extui %gt3A_113 : i1 to i32
        %cond3A_115 = arith.constant 0 : i32
        %cond3A_116 = arith.cmpi ne, %convert_element_type3A_114, %cond3A_115 : i32
        scf.if %cond3A_116 {
          %sub3A = arith.constant 2 : i32
          %sub3A_134 = arith.subi %add3A_98, %sub3A : i32
          %dma_wait3A_135 = arith.constant 0 : i32
          %dma_wait3A_136 = tpu.memref_slice %arg11[%sub3A_134, %dma_wait3A_135] : memref<160x128xi32, #tpu.memory_space<vmem>> -> memref<1x128xi32, #tpu.memory_space<vmem>>
          %dma_wait3A_137 = tpu.memref_squeeze %dma_wait3A_136 : memref<1x128xi32, #tpu.memory_space<vmem>> -> memref<128xi32, #tpu.memory_space<vmem>>
          %dma_wait3A_138 = arith.constant 0 : i32
          %dma_wait3A_139 = arith.constant 0 : i32
          %dma_wait3A_140 = tpu.memref_slice %arg24[%dma_wait3A_138, %dma_wait3A_139] : memref<10240x64xf32, #tpu.memory_space<vmem_shared>> -> memref<10240x64xf32, #tpu.memory_space<vmem_shared>>
          tpu.wait_indirect_dma semaphore(%arg23 : memref<!tpu.dma_semaphore, #tpu.memory_space<semaphore_mem>>) src(%arg17 : memref<128x64xf32, #tpu.memory_space<vmem>>) dst(%dma_wait3A_140 : memref<10240x64xf32, #tpu.memory_space<vmem_shared>>)
        } else {
        }
        %scan3A_117 = arith.constant 0 : i32
        %scan3A_118 = arith.constant 0 : i32
        %scan3A_119 = arith.constant 64 : i32
        %scan3A_120 = arith.addi %scan3A_118, %scan3A_119 : i32
        %scan3A_121 = arith.constant 1 : i32
        scf.for %scan3A_134 = %scan3A_118 to %scan3A_120 step %scan3A_121  : i32 {
          %mul3A_135 = arith.constant 2 : i32
          %mul3A_136 = arith.muli %scan3A_134, %mul3A_135 : i32
          %add3A_137 = arith.constant 0 : i32
          %add3A_138 = arith.addi %mul3A_136, %add3A_137 : i32
          %get3A = arith.index_cast %add3A_138 : i32 to index
          %get3A_139 = arith.constant 0 : index
          %get3A_140 = tpu.vector_load %arg13[%get3A, %get3A_139] {strides = array<i32>} : memref<128x64xf32, #tpu.memory_space<vmem>>, vector<16xf32>,
          %get3A_141 = arith.index_cast %add3A_138 : i32 to index
          %get3A_142 = arith.constant 0 : index
          %get3A_143 = tpu.vector_load %arg15[%get3A_141, %get3A_142] {strides = array<i32>} : memref<128x64xf32, #tpu.memory_space<vmem>>, vector<16xf32>,
          %mul3A_144 = arith.mulf %get3A_140, %get3A_143 : vector<16xf32>
          %swap3A = arith.index_cast %add3A_138 : i32 to index
          %swap3A_145 = arith.constant 0 : index
          %swap3A_146 = tpu.vector_load %arg17[%swap3A, %swap3A_145] {strides = array<i32>} : memref<128x64xf32, #tpu.memory_space<vmem>>, vector<16xf32>,
          tpu.vector_store %arg17[%swap3A, %swap3A_145], %mul3A_144 {strides = array<i32>} : memref<128x64xf32, #tpu.memory_space<vmem>>, vector<16xf32>,
          %get3A_147 = arith.index_cast %add3A_138 : i32 to index
          %get3A_148 = arith.constant 16 : index
          %get3A_149 = tpu.vector_load %arg13[%get3A_147, %get3A_148] {strides = array<i32>} : memref<128x64xf32, #tpu.memory_space<vmem>>, vector<16xf32>,
          %get3A_150 = arith.index_cast %add3A_138 : i32 to index
          %get3A_151 = arith.constant 16 : index
          %get3A_152 = tpu.vector_load %arg15[%get3A_150, %get3A_151] {strides = array<i32>} : memref<128x64xf32, #tpu.memory_space<vmem>>, vector<16xf32>,
          %mul3A_153 = arith.mulf %get3A_149, %get3A_152 : vector<16xf32>
          %swap3A_154 = arith.index_cast %add3A_138 : i32 to index
          %swap3A_155 = arith.constant 16 : index
          %swap3A_156 = tpu.vector_load %arg17[%swap3A_154, %swap3A_155] {strides = array<i32>} : memref<128x64xf32, #tpu.memory_space<vmem>>, vector<16xf32>,
          tpu.vector_store %arg17[%swap3A_154, %swap3A_155], %mul3A_153 {strides = array<i32>} : memref<128x64xf32, #tpu.memory_space<vmem>>, vector<16xf32>,
          %get3A_157 = arith.index_cast %add3A_138 : i32 to index
          %get3A_158 = arith.constant 32 : index
          %get3A_159 = tpu.vector_load %arg13[%get3A_157, %get3A_158] {strides = array<i32>} : memref<128x64xf32, #tpu.memory_space<vmem>>, vector<16xf32>,
          %get3A_160 = arith.index_cast %add3A_138 : i32 to index
          %get3A_161 = arith.constant 32 : index
          %get3A_162 = tpu.vector_load %arg15[%get3A_160, %get3A_161] {strides = array<i32>} : memref<128x64xf32, #tpu.memory_space<vmem>>, vector<16xf32>,
          %mul3A_163 = arith.mulf %get3A_159, %get3A_162 : vector<16xf32>
          %swap3A_164 = arith.index_cast %add3A_138 : i32 to index
          %swap3A_165 = arith.constant 32 : index
          %swap3A_166 = tpu.vector_load %arg17[%swap3A_164, %swap3A_165] {strides = array<i32>} : memref<128x64xf32, #tpu.memory_space<vmem>>, vector<16xf32>,
          tpu.vector_store %arg17[%swap3A_164, %swap3A_165], %mul3A_163 {strides = array<i32>} : memref<128x64xf32, #tpu.memory_space<vmem>>, vector<16xf32>,
          %get3A_167 = arith.index_cast %add3A_138 : i32 to index
          %get3A_168 = arith.constant 48 : index
          %get3A_169 = tpu.vector_load %arg13[%get3A_167, %get3A_168] {strides = array<i32>} : memref<128x64xf32, #tpu.memory_space<vmem>>, vector<16xf32>,
          %get3A_170 = arith.index_cast %add3A_138 : i32 to index
          %get3A_171 = arith.constant 48 : index
          %get3A_172 = tpu.vector_load %arg15[%get3A_170, %get3A_171] {strides = array<i32>} : memref<128x64xf32, #tpu.memory_space<vmem>>, vector<16xf32>,
          %mul3A_173 = arith.mulf %get3A_169, %get3A_172 : vector<16xf32>
          %swap3A_174 = arith.index_cast %add3A_138 : i32 to index
          %swap3A_175 = arith.constant 48 : index
          %swap3A_176 = tpu.vector_load %arg17[%swap3A_174, %swap3A_175] {strides = array<i32>} : memref<128x64xf32, #tpu.memory_space<vmem>>, vector<16xf32>,
          tpu.vector_store %arg17[%swap3A_174, %swap3A_175], %mul3A_173 {strides = array<i32>} : memref<128x64xf32, #tpu.memory_space<vmem>>, vector<16xf32>,
          %mul3A_177 = arith.constant 2 : i32
          %mul3A_178 = arith.muli %scan3A_134, %mul3A_177 : i32
          %add3A_179 = arith.constant 1 : i32
          %add3A_180 = arith.addi %mul3A_178, %add3A_179 : i32
          %get3A_181 = arith.index_cast %add3A_180 : i32 to index
          %get3A_182 = arith.constant 0 : index
          %get3A_183 = tpu.vector_load %arg13[%get3A_181, %get3A_182] {strides = array<i32>} : memref<128x64xf32, #tpu.memory_space<vmem>>, vector<16xf32>,
          %get3A_184 = arith.index_cast %add3A_180 : i32 to index
          %get3A_185 = arith.constant 0 : index
          %get3A_186 = tpu.vector_load %arg15[%get3A_184, %get3A_185] {strides = array<i32>} : memref<128x64xf32, #tpu.memory_space<vmem>>, vector<16xf32>,
          %mul3A_187 = arith.mulf %get3A_183, %get3A_186 : vector<16xf32>
          %swap3A_188 = arith.index_cast %add3A_180 : i32 to index
          %swap3A_189 = arith.constant 0 : index
          %swap3A_190 = tpu.vector_load %arg17[%swap3A_188, %swap3A_189] {strides = array<i32>} : memref<128x64xf32, #tpu.memory_space<vmem>>, vector<16xf32>,
          tpu.vector_store %arg17[%swap3A_188, %swap3A_189], %mul3A_187 {strides = array<i32>} : memref<128x64xf32, #tpu.memory_space<vmem>>, vector<16xf32>,
          %get3A_191 = arith.index_cast %add3A_180 : i32 to index
          %get3A_192 = arith.constant 16 : index
          %get3A_193 = tpu.vector_load %arg13[%get3A_191, %get3A_192] {strides = array<i32>} : memref<128x64xf32, #tpu.memory_space<vmem>>, vector<16xf32>,
          %get3A_194 = arith.index_cast %add3A_180 : i32 to index
          %get3A_195 = arith.constant 16 : index
          %get3A_196 = tpu.vector_load %arg15[%get3A_194, %get3A_195] {strides = array<i32>} : memref<128x64xf32, #tpu.memory_space<vmem>>, vector<16xf32>,
          %mul3A_197 = arith.mulf %get3A_193, %get3A_196 : vector<16xf32>
          %swap3A_198 = arith.index_cast %add3A_180 : i32 to index
          %swap3A_199 = arith.constant 16 : index
          %swap3A_200 = tpu.vector_load %arg17[%swap3A_198, %swap3A_199] {strides = array<i32>} : memref<128x64xf32, #tpu.memory_space<vmem>>, vector<16xf32>,
          tpu.vector_store %arg17[%swap3A_198, %swap3A_199], %mul3A_197 {strides = array<i32>} : memref<128x64xf32, #tpu.memory_space<vmem>>, vector<16xf32>,
          %get3A_201 = arith.index_cast %add3A_180 : i32 to index
          %get3A_202 = arith.constant 32 : index
          %get3A_203 = tpu.vector_load %arg13[%get3A_201, %get3A_202] {strides = array<i32>} : memref<128x64xf32, #tpu.memory_space<vmem>>, vector<16xf32>,
          %get3A_204 = arith.index_cast %add3A_180 : i32 to index
          %get3A_205 = arith.constant 32 : index
          %get3A_206 = tpu.vector_load %arg15[%get3A_204, %get3A_205] {strides = array<i32>} : memref<128x64xf32, #tpu.memory_space<vmem>>, vector<16xf32>,
          %mul3A_207 = arith.mulf %get3A_203, %get3A_206 : vector<16xf32>
          %swap3A_208 = arith.index_cast %add3A_180 : i32 to index
          %swap3A_209 = arith.constant 32 : index
          %swap3A_210 = tpu.vector_load %arg17[%swap3A_208, %swap3A_209] {strides = array<i32>} : memref<128x64xf32, #tpu.memory_space<vmem>>, vector<16xf32>,
          tpu.vector_store %arg17[%swap3A_208, %swap3A_209], %mul3A_207 {strides = array<i32>} : memref<128x64xf32, #tpu.memory_space<vmem>>, vector<16xf32>,
          %get3A_211 = arith.index_cast %add3A_180 : i32 to index
          %get3A_212 = arith.constant 48 : index
          %get3A_213 = tpu.vector_load %arg13[%get3A_211, %get3A_212] {strides = array<i32>} : memref<128x64xf32, #tpu.memory_space<vmem>>, vector<16xf32>,
          %get3A_214 = arith.index_cast %add3A_180 : i32 to index
          %get3A_215 = arith.constant 48 : index
          %get3A_216 = tpu.vector_load %arg15[%get3A_214, %get3A_215] {strides = array<i32>} : memref<128x64xf32, #tpu.memory_space<vmem>>, vector<16xf32>,
          %mul3A_217 = arith.mulf %get3A_213, %get3A_216 : vector<16xf32>
          %swap3A_218 = arith.index_cast %add3A_180 : i32 to index
          %swap3A_219 = arith.constant 48 : index
          %swap3A_220 = tpu.vector_load %arg17[%swap3A_218, %swap3A_219] {strides = array<i32>} : memref<128x64xf32, #tpu.memory_space<vmem>>, vector<16xf32>,
          tpu.vector_store %arg17[%swap3A_218, %swap3A_219], %mul3A_217 {strides = array<i32>} : memref<128x64xf32, #tpu.memory_space<vmem>>, vector<16xf32>,
        }
        %scan3A_122 = arith.constant 64 : i32
        %lt3A_123 = arith.constant 79 : i32
        %lt3A_124 = arith.cmpi slt, %scan3A_57, %lt3A_123 : i32
        %convert_element_type3A_125 = arith.extui %lt3A_124 : i1 to i32
        %cond3A_126 = arith.constant 0 : i32
        %cond3A_127 = arith.cmpi ne, %convert_element_type3A_125, %cond3A_126 : i32
        scf.if %cond3A_127 {
          %add3A_134 = arith.constant 2 : i32
          %add3A_135 = arith.addi %add3A_98, %add3A_134 : i32
          %dma_start3A_136 = arith.constant 0 : i32
          %dma_start3A_137 = tpu.memref_slice %arg10[%add3A_135, %dma_start3A_136] : memref<160x128xi32, #tpu.memory_space<vmem>> -> memref<1x128xi32, #tpu.memory_space<vmem>>
          %dma_start3A_138 = tpu.memref_squeeze %dma_start3A_137 : memref<1x128xi32, #tpu.memory_space<vmem>> -> memref<128xi32, #tpu.memory_space<vmem>>
          %dma_start3A_139 = arith.constant 0 : i32
          %dma_start3A_140 = arith.constant 0 : i32
          %dma_start3A_141 = tpu.memref_slice %arg3[%dma_start3A_139, %dma_start3A_140] : memref<10240x64xf32, #tpu.memory_space<hbm>> -> memref<10240x64xf32, #tpu.memory_space<hbm>>
          tpu.enqueue_indirect_dma source(%dma_start3A_141 : memref<10240x64xf32, #tpu.memory_space<hbm>>) target(%arg13 : memref<128x64xf32, #tpu.memory_space<vmem>>) offsets(%dma_start3A_138 : memref<128xi32, #tpu.memory_space<vmem>>) semaphore(%arg19 : memref<!tpu.dma_semaphore, #tpu.memory_space<semaphore_mem>>)
          %add3A_142 = arith.constant 2 : i32
          %add3A_143 = arith.addi %add3A_98, %add3A_142 : i32
          %mul3A_144 = arith.constant 20480 : i32
          %mul3A_145 = arith.muli %arg1, %mul3A_144 : i32
          %mul3A_146 = arith.constant 128 : i32
          %mul3A_147 = arith.muli %add3A_143, %mul3A_146 : i32
          %add3A_148 = arith.addi %mul3A_145, %mul3A_147 : i32
          %dma_start3A_149 = tpu.memref_slice %arg4[%add3A_148, %mul3A_0] : memref<327680x128xf32, #tpu.memory_space<hbm>> -> memref<128x64xf32, #tpu.memory_space<hbm>>
          %dma_start3A_150 = tpu.memref_slice %arg4[%add3A_148, %mul3A_0] : memref<327680x128xf32, #tpu.memory_space<hbm>> -> memref<128x64xf32, #tpu.memory_space<hbm>>
          tpu.enqueue_dma source(%dma_start3A_150 : memref<128x64xf32, #tpu.memory_space<hbm>>) target(%arg15 : memref<128x64xf32, #tpu.memory_space<vmem>>) target_semaphore(%arg21 : memref<!tpu.dma_semaphore, #tpu.memory_space<semaphore_mem>>)
        } else {
        }
        %dma_start3A_128 = arith.constant 0 : i32
        %dma_start3A_129 = tpu.memref_slice %arg11[%add3A_98, %dma_start3A_128] : memref<160x128xi32, #tpu.memory_space<vmem>> -> memref<1x128xi32, #tpu.memory_space<vmem>>
        %dma_start3A_130 = tpu.memref_squeeze %dma_start3A_129 : memref<1x128xi32, #tpu.memory_space<vmem>> -> memref<128xi32, #tpu.memory_space<vmem>>
        %dma_start3A_131 = arith.constant 0 : i32
        %dma_start3A_132 = arith.constant 0 : i32
        %dma_start3A_133 = tpu.memref_slice %arg24[%dma_start3A_131, %dma_start3A_132] : memref<10240x64xf32, #tpu.memory_space<vmem_shared>> -> memref<10240x64xf32, #tpu.memory_space<vmem_shared>>
        tpu.enqueue_indirect_dma source(%arg17 : memref<128x64xf32, #tpu.memory_space<vmem>>) target(%dma_start3A_133 : memref<10240x64xf32, #tpu.memory_space<vmem_shared>>) offsets(%dma_start3A_130 : memref<128xi32, #tpu.memory_space<vmem>>) semaphore(%arg23 : memref<!tpu.dma_semaphore, #tpu.memory_space<semaphore_mem>>) {add = true}
      }
      %scan3A_42 = arith.constant 80 : i32
      %dma_wait3A = arith.constant 158 : i32
      %dma_wait3A_43 = arith.constant 0 : i32
      %dma_wait3A_44 = tpu.memref_slice %arg11[%dma_wait3A, %dma_wait3A_43] : memref<160x128xi32, #tpu.memory_space<vmem>> -> memref<1x128xi32, #tpu.memory_space<vmem>>
      %dma_wait3A_45 = tpu.memref_squeeze %dma_wait3A_44 : memref<1x128xi32, #tpu.memory_space<vmem>> -> memref<128xi32, #tpu.memory_space<vmem>>
      %dma_wait3A_46 = arith.constant 0 : i32
      %dma_wait3A_47 = arith.constant 0 : i32
      %dma_wait3A_48 = tpu.memref_slice %arg24[%dma_wait3A_46, %dma_wait3A_47] : memref<10240x64xf32, #tpu.memory_space<vmem_shared>> -> memref<10240x64xf32, #tpu.memory_space<vmem_shared>>
      tpu.wait_indirect_dma semaphore(%arg22 : memref<!tpu.dma_semaphore, #tpu.memory_space<semaphore_mem>>) src(%arg16 : memref<128x64xf32, #tpu.memory_space<vmem>>) dst(%dma_wait3A_48 : memref<10240x64xf32, #tpu.memory_space<vmem_shared>>)
      %dma_wait3A_49 = arith.constant 159 : i32
      %dma_wait3A_50 = arith.constant 0 : i32
      %dma_wait3A_51 = tpu.memref_slice %arg11[%dma_wait3A_49, %dma_wait3A_50] : memref<160x128xi32, #tpu.memory_space<vmem>> -> memref<1x128xi32, #tpu.memory_space<vmem>>
      %dma_wait3A_52 = tpu.memref_squeeze %dma_wait3A_51 : memref<1x128xi32, #tpu.memory_space<vmem>> -> memref<128xi32, #tpu.memory_space<vmem>>
      %dma_wait3A_53 = arith.constant 0 : i32
      %dma_wait3A_54 = arith.constant 0 : i32
      %dma_wait3A_55 = tpu.memref_slice %arg24[%dma_wait3A_53, %dma_wait3A_54] : memref<10240x64xf32, #tpu.memory_space<vmem_shared>> -> memref<10240x64xf32, #tpu.memory_space<vmem_shared>>
      tpu.wait_indirect_dma semaphore(%arg23 : memref<!tpu.dma_semaphore, #tpu.memory_space<semaphore_mem>>) src(%arg17 : memref<128x64xf32, #tpu.memory_space<vmem>>) dst(%dma_wait3A_55 : memref<10240x64xf32, #tpu.memory_space<vmem_shared>>)
      %barrier3A_56 = arith.constant 0 : index
      tpu.barrier barrier_id(%barrier3A_56)
      "tpu.region"() ({
        %run_scoped3A = tpu.sem_alloc : memref<!tpu.dma_semaphore, #tpu.memory_space<semaphore_mem>>
        %dma_start3A_57 = arith.constant 0 : i32
        %dma_start3A_58 = tpu.memref_slice %arg9[%mul3A_2, %dma_start3A_57] : memref<10240x64xf32, #tpu.memory_space<hbm>> -> memref<640x64xf32, #tpu.memory_space<hbm>>
        %dma_start3A_59 = arith.constant 0 : i32
        %dma_start3A_60 = tpu.memref_slice %arg24[%mul3A_2, %dma_start3A_59] : memref<10240x64xf32, #tpu.memory_space<vmem_shared>> -> memref<640x64xf32, #tpu.memory_space<vmem_shared>>
        tpu.enqueue_dma source(%dma_start3A_60 : memref<640x64xf32, #tpu.memory_space<vmem_shared>>) target(%dma_start3A_58 : memref<640x64xf32, #tpu.memory_space<hbm>>) target_semaphore(%run_scoped3A : memref<!tpu.dma_semaphore, #tpu.memory_space<semaphore_mem>>)
        %dma_wait3A_61 = arith.constant 0 : i32
        %dma_wait3A_62 = tpu.memref_slice %arg9[%mul3A_2, %dma_wait3A_61] : memref<10240x64xf32, #tpu.memory_space<hbm>> -> memref<640x64xf32, #tpu.memory_space<hbm>>
        %dma_wait3A_63 = arith.constant 0 : i32
        %dma_wait3A_64 = tpu.memref_slice %arg24[%mul3A_2, %dma_wait3A_63] : memref<10240x64xf32, #tpu.memory_space<vmem_shared>> -> memref<640x64xf32, #tpu.memory_space<vmem_shared>>
        tpu.wait_dma2 semaphore(%run_scoped3A : memref<!tpu.dma_semaphore, #tpu.memory_space<semaphore_mem>>) src(%dma_wait3A_64 : memref<640x64xf32, #tpu.memory_space<vmem_shared>>) dst(%dma_wait3A_62 : memref<640x64xf32, #tpu.memory_space<hbm>>)
        tpu.yield
      }) : () -> ()
    } else {
    }
    return
  }
}

#map = affine_map<(d0, d1) -> (0)>
module attributes {stable_mosaic.version = 14 : i64} {
  func.func @_dist2_body(%arg0: i32, %arg1: i32, %arg2: memref<30000xf32, #tpu.memory_space<hbm>>, %arg3: memref<327680xi32, #tpu.memory_space<hbm>>, %arg4: memref<327680xi32, #tpu.memory_space<hbm>>, %arg5: memref<327680xf32, #tpu.memory_space<hbm>>, %arg6: memref<30000xf32, #tpu.memory_space<vmem>>, %arg7: memref<10240xi32, #tpu.memory_space<vmem>>, %arg8: memref<10240xi32, #tpu.memory_space<vmem>>, %arg9: memref<10240xf32, #tpu.memory_space<vmem>>) attributes {dimension_semantics = [#tpu.dimension_semantics<core_parallel>, #tpu.dimension_semantics<subcore_parallel>], iteration_bounds = array<i64: 2, 16>, scalar_prefetch = 0 : i64, scratch_operands = 4 : i64, tpu.core_type = #tpu.core_type<sc_vector_subcore>, window_params = [{transform_indices = #map}, {transform_indices = #map}, {transform_indices = #map}, {transform_indices = #map}]} {
    %mul3A = arith.constant 16 : i32
    %mul3A_0 = arith.muli %arg0, %mul3A : i32
    %add3A = arith.addi %mul3A_0, %arg1 : i32
    %mul3A_1 = arith.constant 10240 : i32
    %mul3A_2 = arith.muli %add3A, %mul3A_1 : i32
    "tpu.region"() ({
      %run_scoped3A = tpu.sem_alloc : memref<!tpu.dma_semaphore, #tpu.memory_space<semaphore_mem>>
      tpu.enqueue_dma source(%arg2 : memref<30000xf32, #tpu.memory_space<hbm>>) target(%arg6 : memref<30000xf32, #tpu.memory_space<vmem>>) target_semaphore(%run_scoped3A : memref<!tpu.dma_semaphore, #tpu.memory_space<semaphore_mem>>)
      tpu.wait_dma2 semaphore(%run_scoped3A : memref<!tpu.dma_semaphore, #tpu.memory_space<semaphore_mem>>) src(%arg2 : memref<30000xf32, #tpu.memory_space<hbm>>) dst(%arg6 : memref<30000xf32, #tpu.memory_space<vmem>>)
      tpu.yield
    }) : () -> ()
    "tpu.region"() ({
      %run_scoped3A = tpu.sem_alloc : memref<!tpu.dma_semaphore, #tpu.memory_space<semaphore_mem>>
      %dma_start3A = tpu.memref_slice %arg3[%mul3A_2] : memref<327680xi32, #tpu.memory_space<hbm>> -> memref<10240xi32, #tpu.memory_space<hbm>>
      %dma_start3A_8 = tpu.memref_slice %arg3[%mul3A_2] : memref<327680xi32, #tpu.memory_space<hbm>> -> memref<10240xi32, #tpu.memory_space<hbm>>
      tpu.enqueue_dma source(%dma_start3A_8 : memref<10240xi32, #tpu.memory_space<hbm>>) target(%arg7 : memref<10240xi32, #tpu.memory_space<vmem>>) target_semaphore(%run_scoped3A : memref<!tpu.dma_semaphore, #tpu.memory_space<semaphore_mem>>)
      %dma_wait3A = tpu.memref_slice %arg3[%mul3A_2] : memref<327680xi32, #tpu.memory_space<hbm>> -> memref<10240xi32, #tpu.memory_space<hbm>>
      %dma_wait3A_9 = tpu.memref_slice %arg3[%mul3A_2] : memref<327680xi32, #tpu.memory_space<hbm>> -> memref<10240xi32, #tpu.memory_space<hbm>>
      tpu.wait_dma2 semaphore(%run_scoped3A : memref<!tpu.dma_semaphore, #tpu.memory_space<semaphore_mem>>) src(%dma_wait3A_9 : memref<10240xi32, #tpu.memory_space<hbm>>) dst(%arg7 : memref<10240xi32, #tpu.memory_space<vmem>>)
      tpu.yield
    }) : () -> ()
    "tpu.region"() ({
      %run_scoped3A = tpu.sem_alloc : memref<!tpu.dma_semaphore, #tpu.memory_space<semaphore_mem>>
      %dma_start3A = tpu.memref_slice %arg4[%mul3A_2] : memref<327680xi32, #tpu.memory_space<hbm>> -> memref<10240xi32, #tpu.memory_space<hbm>>
      %dma_start3A_8 = tpu.memref_slice %arg4[%mul3A_2] : memref<327680xi32, #tpu.memory_space<hbm>> -> memref<10240xi32, #tpu.memory_space<hbm>>
      tpu.enqueue_dma source(%dma_start3A_8 : memref<10240xi32, #tpu.memory_space<hbm>>) target(%arg8 : memref<10240xi32, #tpu.memory_space<vmem>>) target_semaphore(%run_scoped3A : memref<!tpu.dma_semaphore, #tpu.memory_space<semaphore_mem>>)
      %dma_wait3A = tpu.memref_slice %arg4[%mul3A_2] : memref<327680xi32, #tpu.memory_space<hbm>> -> memref<10240xi32, #tpu.memory_space<hbm>>
      %dma_wait3A_9 = tpu.memref_slice %arg4[%mul3A_2] : memref<327680xi32, #tpu.memory_space<hbm>> -> memref<10240xi32, #tpu.memory_space<hbm>>
      tpu.wait_dma2 semaphore(%run_scoped3A : memref<!tpu.dma_semaphore, #tpu.memory_space<semaphore_mem>>) src(%dma_wait3A_9 : memref<10240xi32, #tpu.memory_space<hbm>>) dst(%arg8 : memref<10240xi32, #tpu.memory_space<vmem>>)
      tpu.yield
    }) : () -> ()
    %scan3A = arith.constant 0 : i32
    %scan3A_3 = arith.constant 0 : i32
    %scan3A_4 = arith.constant 640 : i32
    %scan3A_5 = arith.addi %scan3A_3, %scan3A_4 : i32
    %scan3A_6 = arith.constant 1 : i32
    scf.for %scan3A_8 = %scan3A_3 to %scan3A_5 step %scan3A_6  : i32 {
      %mul3A_9 = arith.constant 16 : i32
      %mul3A_10 = arith.muli %scan3A_8, %mul3A_9 : i32
      %get3A = arith.index_cast %mul3A_10 : i32 to index
      %get3A_11 = tpu.vector_load %arg7[%get3A] {strides = array<i32>} : memref<10240xi32, #tpu.memory_space<vmem>>, vector<16xi32>,
      %mul3A_12 = arith.constant 16 : i32
      %mul3A_13 = arith.muli %scan3A_8, %mul3A_12 : i32
      %get3A_14 = arith.index_cast %mul3A_13 : i32 to index
      %get3A_15 = tpu.vector_load %arg8[%get3A_14] {strides = array<i32>} : memref<10240xi32, #tpu.memory_space<vmem>>, vector<16xi32>,
      %gather3A = tpu.vector_load_idx %arg6[%get3A_11] : memref<30000xf32, #tpu.memory_space<vmem>>[vector<16xi32>], vector<16xf32>,
      %gather3A_16 = tpu.vector_load_idx %arg6[%get3A_15] : memref<30000xf32, #tpu.memory_space<vmem>>[vector<16xi32>], vector<16xf32>,
      %sub3A = arith.subf %gather3A, %gather3A_16 : vector<16xf32>
      %add3A_17 = arith.constant 10000 : i32
      %add3A_18 = vector.broadcast %add3A_17 : i32 to vector<16xi32>
      %add3A_19 = arith.addi %get3A_11, %add3A_18 : vector<16xi32>
      %gather3A_20 = tpu.vector_load_idx %arg6[%add3A_19] : memref<30000xf32, #tpu.memory_space<vmem>>[vector<16xi32>], vector<16xf32>,
      %add3A_21 = arith.constant 10000 : i32
      %add3A_22 = vector.broadcast %add3A_21 : i32 to vector<16xi32>
      %add3A_23 = arith.addi %get3A_15, %add3A_22 : vector<16xi32>
      %gather3A_24 = tpu.vector_load_idx %arg6[%add3A_23] : memref<30000xf32, #tpu.memory_space<vmem>>[vector<16xi32>], vector<16xf32>,
      %sub3A_25 = arith.subf %gather3A_20, %gather3A_24 : vector<16xf32>
      %add3A_26 = arith.constant 20000 : i32
      %add3A_27 = vector.broadcast %add3A_26 : i32 to vector<16xi32>
      %add3A_28 = arith.addi %get3A_11, %add3A_27 : vector<16xi32>
      %gather3A_29 = tpu.vector_load_idx %arg6[%add3A_28] : memref<30000xf32, #tpu.memory_space<vmem>>[vector<16xi32>], vector<16xf32>,
      %add3A_30 = arith.constant 20000 : i32
      %add3A_31 = vector.broadcast %add3A_30 : i32 to vector<16xi32>
      %add3A_32 = arith.addi %get3A_15, %add3A_31 : vector<16xi32>
      %gather3A_33 = tpu.vector_load_idx %arg6[%add3A_32] : memref<30000xf32, #tpu.memory_space<vmem>>[vector<16xi32>], vector<16xf32>,
      %sub3A_34 = arith.subf %gather3A_29, %gather3A_33 : vector<16xf32>
      %mul3A_35 = arith.mulf %sub3A, %sub3A : vector<16xf32>
      %mul3A_36 = arith.mulf %sub3A_25, %sub3A_25 : vector<16xf32>
      %add3A_37 = arith.addf %mul3A_35, %mul3A_36 : vector<16xf32>
      %mul3A_38 = arith.mulf %sub3A_34, %sub3A_34 : vector<16xf32>
      %add3A_39 = arith.addf %add3A_37, %mul3A_38 : vector<16xf32>
      %mul3A_40 = arith.constant 16 : i32
      %mul3A_41 = arith.muli %scan3A_8, %mul3A_40 : i32
      %swap3A = arith.index_cast %mul3A_41 : i32 to index
      %swap3A_42 = tpu.vector_load %arg9[%swap3A] {strides = array<i32>} : memref<10240xf32, #tpu.memory_space<vmem>>, vector<16xf32>,
      tpu.vector_store %arg9[%swap3A], %add3A_39 {strides = array<i32>} : memref<10240xf32, #tpu.memory_space<vmem>>, vector<16xf32>,
    }
    %scan3A_7 = arith.constant 640 : i32
    "tpu.region"() ({
      %run_scoped3A = tpu.sem_alloc : memref<!tpu.dma_semaphore, #tpu.memory_space<semaphore_mem>>
      %dma_start3A = tpu.memref_slice %arg5[%mul3A_2] : memref<327680xf32, #tpu.memory_space<hbm>> -> memref<10240xf32, #tpu.memory_space<hbm>>
      %dma_start3A_8 = tpu.memref_slice %arg5[%mul3A_2] : memref<327680xf32, #tpu.memory_space<hbm>> -> memref<10240xf32, #tpu.memory_space<hbm>>
      tpu.enqueue_dma source(%arg9 : memref<10240xf32, #tpu.memory_space<vmem>>) target(%dma_start3A_8 : memref<10240xf32, #tpu.memory_space<hbm>>) target_semaphore(%run_scoped3A : memref<!tpu.dma_semaphore, #tpu.memory_space<semaphore_mem>>)
      %dma_wait3A = tpu.memref_slice %arg5[%mul3A_2] : memref<327680xf32, #tpu.memory_space<hbm>> -> memref<10240xf32, #tpu.memory_space<hbm>>
      %dma_wait3A_9 = tpu.memref_slice %arg5[%mul3A_2] : memref<327680xf32, #tpu.memory_space<hbm>> -> memref<10240xf32, #tpu.memory_space<hbm>>
      tpu.wait_dma2 semaphore(%run_scoped3A : memref<!tpu.dma_semaphore, #tpu.memory_space<semaphore_mem>>) src(%arg9 : memref<10240xf32, #tpu.memory_space<vmem>>) dst(%dma_wait3A_9 : memref<10240xf32, #tpu.memory_space<hbm>>)
      tpu.yield
    }) : () -> ()
    return
  }
}

#map = affine_map<(d0, d1) -> (0, 0)>
module attributes {stable_mosaic.version = 14 : i64} {
  func.func @_edge_layer_body(%arg0: i32, %arg1: i32, %arg2: memref<10240x64xf32, #tpu.memory_space<hbm>>, %arg3: memref<10240x64xf32, #tpu.memory_space<hbm>>, %arg4: memref<327680x128xf32, #tpu.memory_space<hbm>>, %arg5: memref<2560x128xi32, #tpu.memory_space<hbm>>, %arg6: memref<2560x128xi32, #tpu.memory_space<hbm>>, %arg7: memref<10240x64xf32, #tpu.memory_space<hbm>>, %arg8: memref<10240x64xf32, #tpu.memory_space<hbm>>, %arg9: memref<10240x64xf32, #tpu.memory_space<hbm>>, %arg10: memref<160x128xi32, #tpu.memory_space<vmem>>, %arg11: memref<160x128xi32, #tpu.memory_space<vmem>>, %arg12: memref<128x64xf32, #tpu.memory_space<vmem>>, %arg13: memref<128x64xf32, #tpu.memory_space<vmem>>, %arg14: memref<128x64xf32, #tpu.memory_space<vmem>>, %arg15: memref<128x64xf32, #tpu.memory_space<vmem>>, %arg16: memref<128x64xf32, #tpu.memory_space<vmem>>, %arg17: memref<128x64xf32, #tpu.memory_space<vmem>>, %arg18: memref<!tpu.dma_semaphore, #tpu.memory_space<semaphore_mem>>, %arg19: memref<!tpu.dma_semaphore, #tpu.memory_space<semaphore_mem>>, %arg20: memref<!tpu.dma_semaphore, #tpu.memory_space<semaphore_mem>>, %arg21: memref<!tpu.dma_semaphore, #tpu.memory_space<semaphore_mem>>, %arg22: memref<!tpu.dma_semaphore, #tpu.memory_space<semaphore_mem>>, %arg23: memref<!tpu.dma_semaphore, #tpu.memory_space<semaphore_mem>>, %arg24: memref<10240x64xf32, #tpu.memory_space<vmem_shared>>) attributes {dimension_semantics = [#tpu.dimension_semantics<core_parallel>, #tpu.dimension_semantics<subcore_parallel>], iteration_bounds = array<i64: 2, 16>, scalar_prefetch = 0 : i64, scratch_operands = 15 : i64, tpu.core_type = #tpu.core_type<sc_vector_subcore>, window_params = [{transform_indices = #map}, {transform_indices = #map}, {transform_indices = #map}, {transform_indices = #map}, {transform_indices = #map}, {transform_indices = #map}, {transform_indices = #map}, {transform_indices = #map}]} {
    %mul3A = arith.constant 64 : i32
    %mul3A_0 = arith.muli %arg0, %mul3A : i32
    %mul3A_1 = arith.constant 640 : i32
    %mul3A_2 = arith.muli %arg1, %mul3A_1 : i32
    "tpu.region"() ({
      %run_scoped3A = tpu.sem_alloc : memref<!tpu.dma_semaphore, #tpu.memory_space<semaphore_mem>>
      %dma_start3A = arith.constant 0 : i32
      %dma_start3A_14 = tpu.memref_slice %arg24[%mul3A_2, %dma_start3A] : memref<10240x64xf32, #tpu.memory_space<vmem_shared>> -> memref<640x64xf32, #tpu.memory_space<vmem_shared>>
      %dma_start3A_15 = arith.constant 0 : i32
      %dma_start3A_16 = tpu.memref_slice %arg7[%mul3A_2, %dma_start3A_15] : memref<10240x64xf32, #tpu.memory_space<hbm>> -> memref<640x64xf32, #tpu.memory_space<hbm>>
      tpu.enqueue_dma source(%dma_start3A_16 : memref<640x64xf32, #tpu.memory_space<hbm>>) target(%dma_start3A_14 : memref<640x64xf32, #tpu.memory_space<vmem_shared>>) target_semaphore(%run_scoped3A : memref<!tpu.dma_semaphore, #tpu.memory_space<semaphore_mem>>)
      %dma_wait3A = arith.constant 0 : i32
      %dma_wait3A_17 = tpu.memref_slice %arg24[%mul3A_2, %dma_wait3A] : memref<10240x64xf32, #tpu.memory_space<vmem_shared>> -> memref<640x64xf32, #tpu.memory_space<vmem_shared>>
      %dma_wait3A_18 = arith.constant 0 : i32
      %dma_wait3A_19 = tpu.memref_slice %arg7[%mul3A_2, %dma_wait3A_18] : memref<10240x64xf32, #tpu.memory_space<hbm>> -> memref<640x64xf32, #tpu.memory_space<hbm>>
      tpu.wait_dma2 semaphore(%run_scoped3A : memref<!tpu.dma_semaphore, #tpu.memory_space<semaphore_mem>>) src(%dma_wait3A_19 : memref<640x64xf32, #tpu.memory_space<hbm>>) dst(%dma_wait3A_17 : memref<640x64xf32, #tpu.memory_space<vmem_shared>>)
      tpu.yield
    }) : () -> ()
    %mul3A_3 = arith.constant 160 : i32
    %mul3A_4 = arith.muli %arg1, %mul3A_3 : i32
    "tpu.region"() ({
      %run_scoped3A = tpu.sem_alloc : memref<!tpu.dma_semaphore, #tpu.memory_space<semaphore_mem>>
      %dma_start3A = arith.constant 0 : i32
      %dma_start3A_14 = tpu.memref_slice %arg5[%mul3A_4, %dma_start3A] : memref<2560x128xi32, #tpu.memory_space<hbm>> -> memref<160x128xi32, #tpu.memory_space<hbm>>
      %dma_start3A_15 = arith.constant 0 : i32
      %dma_start3A_16 = tpu.memref_slice %arg5[%mul3A_4, %dma_start3A_15] : memref<2560x128xi32, #tpu.memory_space<hbm>> -> memref<160x128xi32, #tpu.memory_space<hbm>>
      tpu.enqueue_dma source(%dma_start3A_16 : memref<160x128xi32, #tpu.memory_space<hbm>>) target(%arg10 : memref<160x128xi32, #tpu.memory_space<vmem>>) target_semaphore(%run_scoped3A : memref<!tpu.dma_semaphore, #tpu.memory_space<semaphore_mem>>)
      %dma_wait3A = arith.constant 0 : i32
      %dma_wait3A_17 = tpu.memref_slice %arg5[%mul3A_4, %dma_wait3A] : memref<2560x128xi32, #tpu.memory_space<hbm>> -> memref<160x128xi32, #tpu.memory_space<hbm>>
      %dma_wait3A_18 = arith.constant 0 : i32
      %dma_wait3A_19 = tpu.memref_slice %arg5[%mul3A_4, %dma_wait3A_18] : memref<2560x128xi32, #tpu.memory_space<hbm>> -> memref<160x128xi32, #tpu.memory_space<hbm>>
      tpu.wait_dma2 semaphore(%run_scoped3A : memref<!tpu.dma_semaphore, #tpu.memory_space<semaphore_mem>>) src(%dma_wait3A_19 : memref<160x128xi32, #tpu.memory_space<hbm>>) dst(%arg10 : memref<160x128xi32, #tpu.memory_space<vmem>>)
      tpu.yield
    }) : () -> ()
    %mul3A_5 = arith.constant 160 : i32
    %mul3A_6 = arith.muli %arg1, %mul3A_5 : i32
    "tpu.region"() ({
      %run_scoped3A = tpu.sem_alloc : memref<!tpu.dma_semaphore, #tpu.memory_space<semaphore_mem>>
      %dma_start3A = arith.constant 0 : i32
      %dma_start3A_14 = tpu.memref_slice %arg6[%mul3A_6, %dma_start3A] : memref<2560x128xi32, #tpu.memory_space<hbm>> -> memref<160x128xi32, #tpu.memory_space<hbm>>
      %dma_start3A_15 = arith.constant 0 : i32
      %dma_start3A_16 = tpu.memref_slice %arg6[%mul3A_6, %dma_start3A_15] : memref<2560x128xi32, #tpu.memory_space<hbm>> -> memref<160x128xi32, #tpu.memory_space<hbm>>
      tpu.enqueue_dma source(%dma_start3A_16 : memref<160x128xi32, #tpu.memory_space<hbm>>) target(%arg11 : memref<160x128xi32, #tpu.memory_space<vmem>>) target_semaphore(%run_scoped3A : memref<!tpu.dma_semaphore, #tpu.memory_space<semaphore_mem>>)
      %dma_wait3A = arith.constant 0 : i32
      %dma_wait3A_17 = tpu.memref_slice %arg6[%mul3A_6, %dma_wait3A] : memref<2560x128xi32, #tpu.memory_space<hbm>> -> memref<160x128xi32, #tpu.memory_space<hbm>>
      %dma_wait3A_18 = arith.constant 0 : i32
      %dma_wait3A_19 = tpu.memref_slice %arg6[%mul3A_6, %dma_wait3A_18] : memref<2560x128xi32, #tpu.memory_space<hbm>> -> memref<160x128xi32, #tpu.memory_space<hbm>>
      tpu.wait_dma2 semaphore(%run_scoped3A : memref<!tpu.dma_semaphore, #tpu.memory_space<semaphore_mem>>) src(%dma_wait3A_19 : memref<160x128xi32, #tpu.memory_space<hbm>>) dst(%arg11 : memref<160x128xi32, #tpu.memory_space<vmem>>)
      tpu.yield
    }) : () -> ()
    %barrier3A = arith.constant 0 : index
    tpu.barrier barrier_id(%barrier3A)
    %eq3A = arith.constant 0 : i32
    %eq3A_7 = arith.cmpi eq, %arg0, %eq3A : i32
    %convert_element_type3A = arith.extui %eq3A_7 : i1 to i32
    %cond3A = arith.constant 0 : i32
    %cond3A_8 = arith.cmpi ne, %convert_element_type3A, %cond3A : i32
    scf.if %cond3A_8 {
      %dma_start3A = arith.constant 0 : i32
      %dma_start3A_14 = arith.constant 0 : i32
      %dma_start3A_15 = tpu.memref_slice %arg10[%dma_start3A, %dma_start3A_14] : memref<160x128xi32, #tpu.memory_space<vmem>> -> memref<1x128xi32, #tpu.memory_space<vmem>>
      %dma_start3A_16 = tpu.memref_squeeze %dma_start3A_15 : memref<1x128xi32, #tpu.memory_space<vmem>> -> memref<128xi32, #tpu.memory_space<vmem>>
      %dma_start3A_17 = arith.constant 0 : i32
      %dma_start3A_18 = arith.constant 0 : i32
      %dma_start3A_19 = tpu.memref_slice %arg2[%dma_start3A_17, %dma_start3A_18] : memref<10240x64xf32, #tpu.memory_space<hbm>> -> memref<10240x64xf32, #tpu.memory_space<hbm>>
      tpu.enqueue_indirect_dma source(%dma_start3A_19 : memref<10240x64xf32, #tpu.memory_space<hbm>>) target(%arg12 : memref<128x64xf32, #tpu.memory_space<vmem>>) offsets(%dma_start3A_16 : memref<128xi32, #tpu.memory_space<vmem>>) semaphore(%arg18 : memref<!tpu.dma_semaphore, #tpu.memory_space<semaphore_mem>>)
      %mul3A_20 = arith.constant 20480 : i32
      %mul3A_21 = arith.muli %arg1, %mul3A_20 : i32
      %add3A = arith.constant 0 : i32
      %add3A_22 = arith.addi %mul3A_21, %add3A : i32
      %dma_start3A_23 = tpu.memref_slice %arg4[%add3A_22, %mul3A_0] : memref<327680x128xf32, #tpu.memory_space<hbm>> -> memref<128x64xf32, #tpu.memory_space<hbm>>
      %dma_start3A_24 = tpu.memref_slice %arg4[%add3A_22, %mul3A_0] : memref<327680x128xf32, #tpu.memory_space<hbm>> -> memref<128x64xf32, #tpu.memory_space<hbm>>
      tpu.enqueue_dma source(%dma_start3A_24 : memref<128x64xf32, #tpu.memory_space<hbm>>) target(%arg14 : memref<128x64xf32, #tpu.memory_space<vmem>>) target_semaphore(%arg20 : memref<!tpu.dma_semaphore, #tpu.memory_space<semaphore_mem>>)
      %dma_start3A_25 = arith.constant 1 : i32
      %dma_start3A_26 = arith.constant 0 : i32
      %dma_start3A_27 = tpu.memref_slice %arg10[%dma_start3A_25, %dma_start3A_26] : memref<160x128xi32, #tpu.memory_space<vmem>> -> memref<1x128xi32, #tpu.memory_space<vmem>>
      %dma_start3A_28 = tpu.memref_squeeze %dma_start3A_27 : memref<1x128xi32, #tpu.memory_space<vmem>> -> memref<128xi32, #tpu.memory_space<vmem>>
      %dma_start3A_29 = arith.constant 0 : i32
      %dma_start3A_30 = arith.constant 0 : i32
      %dma_start3A_31 = tpu.memref_slice %arg2[%dma_start3A_29, %dma_start3A_30] : memref<10240x64xf32, #tpu.memory_space<hbm>> -> memref<10240x64xf32, #tpu.memory_space<hbm>>
      tpu.enqueue_indirect_dma source(%dma_start3A_31 : memref<10240x64xf32, #tpu.memory_space<hbm>>) target(%arg13 : memref<128x64xf32, #tpu.memory_space<vmem>>) offsets(%dma_start3A_28 : memref<128xi32, #tpu.memory_space<vmem>>) semaphore(%arg19 : memref<!tpu.dma_semaphore, #tpu.memory_space<semaphore_mem>>)
      %mul3A_32 = arith.constant 20480 : i32
      %mul3A_33 = arith.muli %arg1, %mul3A_32 : i32
      %add3A_34 = arith.constant 128 : i32
      %add3A_35 = arith.addi %mul3A_33, %add3A_34 : i32
      %dma_start3A_36 = tpu.memref_slice %arg4[%add3A_35, %mul3A_0] : memref<327680x128xf32, #tpu.memory_space<hbm>> -> memref<128x64xf32, #tpu.memory_space<hbm>>
      %dma_start3A_37 = tpu.memref_slice %arg4[%add3A_35, %mul3A_0] : memref<327680x128xf32, #tpu.memory_space<hbm>> -> memref<128x64xf32, #tpu.memory_space<hbm>>
      tpu.enqueue_dma source(%dma_start3A_37 : memref<128x64xf32, #tpu.memory_space<hbm>>) target(%arg15 : memref<128x64xf32, #tpu.memory_space<vmem>>) target_semaphore(%arg21 : memref<!tpu.dma_semaphore, #tpu.memory_space<semaphore_mem>>)
      %scan3A = arith.constant 0 : i32
      %scan3A_38 = arith.constant 0 : i32
      %scan3A_39 = arith.constant 80 : i32
      %scan3A_40 = arith.addi %scan3A_38, %scan3A_39 : i32
      %scan3A_41 = arith.constant 1 : i32
      scf.for %scan3A_57 = %scan3A_38 to %scan3A_40 step %scan3A_41  : i32 {
        %mul3A_58 = arith.constant 2 : i32
        %mul3A_59 = arith.muli %mul3A_58, %scan3A_57 : i32
        %add3A_60 = arith.constant 0 : i32
        %add3A_61 = arith.addi %mul3A_59, %add3A_60 : i32
        %dma_wait3A_62 = arith.constant 0 : i32
        %dma_wait3A_63 = tpu.memref_slice %arg10[%add3A_61, %dma_wait3A_62] : memref<160x128xi32, #tpu.memory_space<vmem>> -> memref<1x128xi32, #tpu.memory_space<vmem>>
        %dma_wait3A_64 = tpu.memref_squeeze %dma_wait3A_63 : memref<1x128xi32, #tpu.memory_space<vmem>> -> memref<128xi32, #tpu.memory_space<vmem>>
        %dma_wait3A_65 = arith.constant 0 : i32
        %dma_wait3A_66 = arith.constant 0 : i32
        %dma_wait3A_67 = tpu.memref_slice %arg2[%dma_wait3A_65, %dma_wait3A_66] : memref<10240x64xf32, #tpu.memory_space<hbm>> -> memref<10240x64xf32, #tpu.memory_space<hbm>>
        tpu.wait_indirect_dma semaphore(%arg18 : memref<!tpu.dma_semaphore, #tpu.memory_space<semaphore_mem>>) src(%dma_wait3A_67 : memref<10240x64xf32, #tpu.memory_space<hbm>>) dst(%arg12 : memref<128x64xf32, #tpu.memory_space<vmem>>)
        %mul3A_68 = arith.constant 20480 : i32
        %mul3A_69 = arith.muli %arg1, %mul3A_68 : i32
        %mul3A_70 = arith.constant 128 : i32
        %mul3A_71 = arith.muli %add3A_61, %mul3A_70 : i32
        %add3A_72 = arith.addi %mul3A_69, %mul3A_71 : i32
        %dma_wait3A_73 = tpu.memref_slice %arg4[%add3A_72, %mul3A_0] : memref<327680x128xf32, #tpu.memory_space<hbm>> -> memref<128x64xf32, #tpu.memory_space<hbm>>
        %dma_wait3A_74 = tpu.memref_slice %arg4[%add3A_72, %mul3A_0] : memref<327680x128xf32, #tpu.memory_space<hbm>> -> memref<128x64xf32, #tpu.memory_space<hbm>>
        tpu.wait_dma2 semaphore(%arg20 : memref<!tpu.dma_semaphore, #tpu.memory_space<semaphore_mem>>) src(%dma_wait3A_74 : memref<128x64xf32, #tpu.memory_space<hbm>>) dst(%arg14 : memref<128x64xf32, #tpu.memory_space<vmem>>)
        %gt3A = arith.constant 0 : i32
        %gt3A_75 = arith.cmpi sgt, %scan3A_57, %gt3A : i32
        %convert_element_type3A_76 = arith.extui %gt3A_75 : i1 to i32
        %cond3A_77 = arith.constant 0 : i32
        %cond3A_78 = arith.cmpi ne, %convert_element_type3A_76, %cond3A_77 : i32
        scf.if %cond3A_78 {
          %sub3A = arith.constant 2 : i32
          %sub3A_134 = arith.subi %add3A_61, %sub3A : i32
          %dma_wait3A_135 = arith.constant 0 : i32
          %dma_wait3A_136 = tpu.memref_slice %arg11[%sub3A_134, %dma_wait3A_135] : memref<160x128xi32, #tpu.memory_space<vmem>> -> memref<1x128xi32, #tpu.memory_space<vmem>>
          %dma_wait3A_137 = tpu.memref_squeeze %dma_wait3A_136 : memref<1x128xi32, #tpu.memory_space<vmem>> -> memref<128xi32, #tpu.memory_space<vmem>>
          %dma_wait3A_138 = arith.constant 0 : i32
          %dma_wait3A_139 = arith.constant 0 : i32
          %dma_wait3A_140 = tpu.memref_slice %arg24[%dma_wait3A_138, %dma_wait3A_139] : memref<10240x64xf32, #tpu.memory_space<vmem_shared>> -> memref<10240x64xf32, #tpu.memory_space<vmem_shared>>
          tpu.wait_indirect_dma semaphore(%arg22 : memref<!tpu.dma_semaphore, #tpu.memory_space<semaphore_mem>>) src(%arg16 : memref<128x64xf32, #tpu.memory_space<vmem>>) dst(%dma_wait3A_140 : memref<10240x64xf32, #tpu.memory_space<vmem_shared>>)
        } else {
        }
        %scan3A_79 = arith.constant 0 : i32
        %scan3A_80 = arith.constant 0 : i32
        %scan3A_81 = arith.constant 64 : i32
        %scan3A_82 = arith.addi %scan3A_80, %scan3A_81 : i32
        %scan3A_83 = arith.constant 1 : i32
        scf.for %scan3A_134 = %scan3A_80 to %scan3A_82 step %scan3A_83  : i32 {
          %mul3A_135 = arith.constant 2 : i32
          %mul3A_136 = arith.muli %scan3A_134, %mul3A_135 : i32
          %add3A_137 = arith.constant 0 : i32
          %add3A_138 = arith.addi %mul3A_136, %add3A_137 : i32
          %get3A = arith.index_cast %add3A_138 : i32 to index
          %get3A_139 = arith.constant 0 : index
          %get3A_140 = tpu.vector_load %arg12[%get3A, %get3A_139] {strides = array<i32>} : memref<128x64xf32, #tpu.memory_space<vmem>>, vector<16xf32>,
          %get3A_141 = arith.index_cast %add3A_138 : i32 to index
          %get3A_142 = arith.constant 0 : index
          %get3A_143 = tpu.vector_load %arg14[%get3A_141, %get3A_142] {strides = array<i32>} : memref<128x64xf32, #tpu.memory_space<vmem>>, vector<16xf32>,
          %mul3A_144 = arith.mulf %get3A_140, %get3A_143 : vector<16xf32>
          %swap3A = arith.index_cast %add3A_138 : i32 to index
          %swap3A_145 = arith.constant 0 : index
          %swap3A_146 = tpu.vector_load %arg16[%swap3A, %swap3A_145] {strides = array<i32>} : memref<128x64xf32, #tpu.memory_space<vmem>>, vector<16xf32>,
          tpu.vector_store %arg16[%swap3A, %swap3A_145], %mul3A_144 {strides = array<i32>} : memref<128x64xf32, #tpu.memory_space<vmem>>, vector<16xf32>,
          %get3A_147 = arith.index_cast %add3A_138 : i32 to index
          %get3A_148 = arith.constant 16 : index
          %get3A_149 = tpu.vector_load %arg12[%get3A_147, %get3A_148] {strides = array<i32>} : memref<128x64xf32, #tpu.memory_space<vmem>>, vector<16xf32>,
          %get3A_150 = arith.index_cast %add3A_138 : i32 to index
          %get3A_151 = arith.constant 16 : index
          %get3A_152 = tpu.vector_load %arg14[%get3A_150, %get3A_151] {strides = array<i32>} : memref<128x64xf32, #tpu.memory_space<vmem>>, vector<16xf32>,
          %mul3A_153 = arith.mulf %get3A_149, %get3A_152 : vector<16xf32>
          %swap3A_154 = arith.index_cast %add3A_138 : i32 to index
          %swap3A_155 = arith.constant 16 : index
          %swap3A_156 = tpu.vector_load %arg16[%swap3A_154, %swap3A_155] {strides = array<i32>} : memref<128x64xf32, #tpu.memory_space<vmem>>, vector<16xf32>,
          tpu.vector_store %arg16[%swap3A_154, %swap3A_155], %mul3A_153 {strides = array<i32>} : memref<128x64xf32, #tpu.memory_space<vmem>>, vector<16xf32>,
          %get3A_157 = arith.index_cast %add3A_138 : i32 to index
          %get3A_158 = arith.constant 32 : index
          %get3A_159 = tpu.vector_load %arg12[%get3A_157, %get3A_158] {strides = array<i32>} : memref<128x64xf32, #tpu.memory_space<vmem>>, vector<16xf32>,
          %get3A_160 = arith.index_cast %add3A_138 : i32 to index
          %get3A_161 = arith.constant 32 : index
          %get3A_162 = tpu.vector_load %arg14[%get3A_160, %get3A_161] {strides = array<i32>} : memref<128x64xf32, #tpu.memory_space<vmem>>, vector<16xf32>,
          %mul3A_163 = arith.mulf %get3A_159, %get3A_162 : vector<16xf32>
          %swap3A_164 = arith.index_cast %add3A_138 : i32 to index
          %swap3A_165 = arith.constant 32 : index
          %swap3A_166 = tpu.vector_load %arg16[%swap3A_164, %swap3A_165] {strides = array<i32>} : memref<128x64xf32, #tpu.memory_space<vmem>>, vector<16xf32>,
          tpu.vector_store %arg16[%swap3A_164, %swap3A_165], %mul3A_163 {strides = array<i32>} : memref<128x64xf32, #tpu.memory_space<vmem>>, vector<16xf32>,
          %get3A_167 = arith.index_cast %add3A_138 : i32 to index
          %get3A_168 = arith.constant 48 : index
          %get3A_169 = tpu.vector_load %arg12[%get3A_167, %get3A_168] {strides = array<i32>} : memref<128x64xf32, #tpu.memory_space<vmem>>, vector<16xf32>,
          %get3A_170 = arith.index_cast %add3A_138 : i32 to index
          %get3A_171 = arith.constant 48 : index
          %get3A_172 = tpu.vector_load %arg14[%get3A_170, %get3A_171] {strides = array<i32>} : memref<128x64xf32, #tpu.memory_space<vmem>>, vector<16xf32>,
          %mul3A_173 = arith.mulf %get3A_169, %get3A_172 : vector<16xf32>
          %swap3A_174 = arith.index_cast %add3A_138 : i32 to index
          %swap3A_175 = arith.constant 48 : index
          %swap3A_176 = tpu.vector_load %arg16[%swap3A_174, %swap3A_175] {strides = array<i32>} : memref<128x64xf32, #tpu.memory_space<vmem>>, vector<16xf32>,
          tpu.vector_store %arg16[%swap3A_174, %swap3A_175], %mul3A_173 {strides = array<i32>} : memref<128x64xf32, #tpu.memory_space<vmem>>, vector<16xf32>,
          %mul3A_177 = arith.constant 2 : i32
          %mul3A_178 = arith.muli %scan3A_134, %mul3A_177 : i32
          %add3A_179 = arith.constant 1 : i32
          %add3A_180 = arith.addi %mul3A_178, %add3A_179 : i32
          %get3A_181 = arith.index_cast %add3A_180 : i32 to index
          %get3A_182 = arith.constant 0 : index
          %get3A_183 = tpu.vector_load %arg12[%get3A_181, %get3A_182] {strides = array<i32>} : memref<128x64xf32, #tpu.memory_space<vmem>>, vector<16xf32>,
          %get3A_184 = arith.index_cast %add3A_180 : i32 to index
          %get3A_185 = arith.constant 0 : index
          %get3A_186 = tpu.vector_load %arg14[%get3A_184, %get3A_185] {strides = array<i32>} : memref<128x64xf32, #tpu.memory_space<vmem>>, vector<16xf32>,
          %mul3A_187 = arith.mulf %get3A_183, %get3A_186 : vector<16xf32>
          %swap3A_188 = arith.index_cast %add3A_180 : i32 to index
          %swap3A_189 = arith.constant 0 : index
          %swap3A_190 = tpu.vector_load %arg16[%swap3A_188, %swap3A_189] {strides = array<i32>} : memref<128x64xf32, #tpu.memory_space<vmem>>, vector<16xf32>,
          tpu.vector_store %arg16[%swap3A_188, %swap3A_189], %mul3A_187 {strides = array<i32>} : memref<128x64xf32, #tpu.memory_space<vmem>>, vector<16xf32>,
          %get3A_191 = arith.index_cast %add3A_180 : i32 to index
          %get3A_192 = arith.constant 16 : index
          %get3A_193 = tpu.vector_load %arg12[%get3A_191, %get3A_192] {strides = array<i32>} : memref<128x64xf32, #tpu.memory_space<vmem>>, vector<16xf32>,
          %get3A_194 = arith.index_cast %add3A_180 : i32 to index
          %get3A_195 = arith.constant 16 : index
          %get3A_196 = tpu.vector_load %arg14[%get3A_194, %get3A_195] {strides = array<i32>} : memref<128x64xf32, #tpu.memory_space<vmem>>, vector<16xf32>,
          %mul3A_197 = arith.mulf %get3A_193, %get3A_196 : vector<16xf32>
          %swap3A_198 = arith.index_cast %add3A_180 : i32 to index
          %swap3A_199 = arith.constant 16 : index
          %swap3A_200 = tpu.vector_load %arg16[%swap3A_198, %swap3A_199] {strides = array<i32>} : memref<128x64xf32, #tpu.memory_space<vmem>>, vector<16xf32>,
          tpu.vector_store %arg16[%swap3A_198, %swap3A_199], %mul3A_197 {strides = array<i32>} : memref<128x64xf32, #tpu.memory_space<vmem>>, vector<16xf32>,
          %get3A_201 = arith.index_cast %add3A_180 : i32 to index
          %get3A_202 = arith.constant 32 : index
          %get3A_203 = tpu.vector_load %arg12[%get3A_201, %get3A_202] {strides = array<i32>} : memref<128x64xf32, #tpu.memory_space<vmem>>, vector<16xf32>,
          %get3A_204 = arith.index_cast %add3A_180 : i32 to index
          %get3A_205 = arith.constant 32 : index
          %get3A_206 = tpu.vector_load %arg14[%get3A_204, %get3A_205] {strides = array<i32>} : memref<128x64xf32, #tpu.memory_space<vmem>>, vector<16xf32>,
          %mul3A_207 = arith.mulf %get3A_203, %get3A_206 : vector<16xf32>
          %swap3A_208 = arith.index_cast %add3A_180 : i32 to index
          %swap3A_209 = arith.constant 32 : index
          %swap3A_210 = tpu.vector_load %arg16[%swap3A_208, %swap3A_209] {strides = array<i32>} : memref<128x64xf32, #tpu.memory_space<vmem>>, vector<16xf32>,
          tpu.vector_store %arg16[%swap3A_208, %swap3A_209], %mul3A_207 {strides = array<i32>} : memref<128x64xf32, #tpu.memory_space<vmem>>, vector<16xf32>,
          %get3A_211 = arith.index_cast %add3A_180 : i32 to index
          %get3A_212 = arith.constant 48 : index
          %get3A_213 = tpu.vector_load %arg12[%get3A_211, %get3A_212] {strides = array<i32>} : memref<128x64xf32, #tpu.memory_space<vmem>>, vector<16xf32>,
          %get3A_214 = arith.index_cast %add3A_180 : i32 to index
          %get3A_215 = arith.constant 48 : index
          %get3A_216 = tpu.vector_load %arg14[%get3A_214, %get3A_215] {strides = array<i32>} : memref<128x64xf32, #tpu.memory_space<vmem>>, vector<16xf32>,
          %mul3A_217 = arith.mulf %get3A_213, %get3A_216 : vector<16xf32>
          %swap3A_218 = arith.index_cast %add3A_180 : i32 to index
          %swap3A_219 = arith.constant 48 : index
          %swap3A_220 = tpu.vector_load %arg16[%swap3A_218, %swap3A_219] {strides = array<i32>} : memref<128x64xf32, #tpu.memory_space<vmem>>, vector<16xf32>,
          tpu.vector_store %arg16[%swap3A_218, %swap3A_219], %mul3A_217 {strides = array<i32>} : memref<128x64xf32, #tpu.memory_space<vmem>>, vector<16xf32>,
        }
        %scan3A_84 = arith.constant 64 : i32
        %lt3A = arith.constant 79 : i32
        %lt3A_85 = arith.cmpi slt, %scan3A_57, %lt3A : i32
        %convert_element_type3A_86 = arith.extui %lt3A_85 : i1 to i32
        %cond3A_87 = arith.constant 0 : i32
        %cond3A_88 = arith.cmpi ne, %convert_element_type3A_86, %cond3A_87 : i32
        scf.if %cond3A_88 {
          %add3A_134 = arith.constant 2 : i32
          %add3A_135 = arith.addi %add3A_61, %add3A_134 : i32
          %dma_start3A_136 = arith.constant 0 : i32
          %dma_start3A_137 = tpu.memref_slice %arg10[%add3A_135, %dma_start3A_136] : memref<160x128xi32, #tpu.memory_space<vmem>> -> memref<1x128xi32, #tpu.memory_space<vmem>>
          %dma_start3A_138 = tpu.memref_squeeze %dma_start3A_137 : memref<1x128xi32, #tpu.memory_space<vmem>> -> memref<128xi32, #tpu.memory_space<vmem>>
          %dma_start3A_139 = arith.constant 0 : i32
          %dma_start3A_140 = arith.constant 0 : i32
          %dma_start3A_141 = tpu.memref_slice %arg2[%dma_start3A_139, %dma_start3A_140] : memref<10240x64xf32, #tpu.memory_space<hbm>> -> memref<10240x64xf32, #tpu.memory_space<hbm>>
          tpu.enqueue_indirect_dma source(%dma_start3A_141 : memref<10240x64xf32, #tpu.memory_space<hbm>>) target(%arg12 : memref<128x64xf32, #tpu.memory_space<vmem>>) offsets(%dma_start3A_138 : memref<128xi32, #tpu.memory_space<vmem>>) semaphore(%arg18 : memref<!tpu.dma_semaphore, #tpu.memory_space<semaphore_mem>>)
          %add3A_142 = arith.constant 2 : i32
          %add3A_143 = arith.addi %add3A_61, %add3A_142 : i32
          %mul3A_144 = arith.constant 20480 : i32
          %mul3A_145 = arith.muli %arg1, %mul3A_144 : i32
          %mul3A_146 = arith.constant 128 : i32
          %mul3A_147 = arith.muli %add3A_143, %mul3A_146 : i32
          %add3A_148 = arith.addi %mul3A_145, %mul3A_147 : i32
          %dma_start3A_149 = tpu.memref_slice %arg4[%add3A_148, %mul3A_0] : memref<327680x128xf32, #tpu.memory_space<hbm>> -> memref<128x64xf32, #tpu.memory_space<hbm>>
          %dma_start3A_150 = tpu.memref_slice %arg4[%add3A_148, %mul3A_0] : memref<327680x128xf32, #tpu.memory_space<hbm>> -> memref<128x64xf32, #tpu.memory_space<hbm>>
          tpu.enqueue_dma source(%dma_start3A_150 : memref<128x64xf32, #tpu.memory_space<hbm>>) target(%arg14 : memref<128x64xf32, #tpu.memory_space<vmem>>) target_semaphore(%arg20 : memref<!tpu.dma_semaphore, #tpu.memory_space<semaphore_mem>>)
        } else {
        }
        %dma_start3A_89 = arith.constant 0 : i32
        %dma_start3A_90 = tpu.memref_slice %arg11[%add3A_61, %dma_start3A_89] : memref<160x128xi32, #tpu.memory_space<vmem>> -> memref<1x128xi32, #tpu.memory_space<vmem>>
        %dma_start3A_91 = tpu.memref_squeeze %dma_start3A_90 : memref<1x128xi32, #tpu.memory_space<vmem>> -> memref<128xi32, #tpu.memory_space<vmem>>
        %dma_start3A_92 = arith.constant 0 : i32
        %dma_start3A_93 = arith.constant 0 : i32
        %dma_start3A_94 = tpu.memref_slice %arg24[%dma_start3A_92, %dma_start3A_93] : memref<10240x64xf32, #tpu.memory_space<vmem_shared>> -> memref<10240x64xf32, #tpu.memory_space<vmem_shared>>
        tpu.enqueue_indirect_dma source(%arg16 : memref<128x64xf32, #tpu.memory_space<vmem>>) target(%dma_start3A_94 : memref<10240x64xf32, #tpu.memory_space<vmem_shared>>) offsets(%dma_start3A_91 : memref<128xi32, #tpu.memory_space<vmem>>) semaphore(%arg22 : memref<!tpu.dma_semaphore, #tpu.memory_space<semaphore_mem>>) {add = true}
        %mul3A_95 = arith.constant 2 : i32
        %mul3A_96 = arith.muli %mul3A_95, %scan3A_57 : i32
        %add3A_97 = arith.constant 1 : i32
        %add3A_98 = arith.addi %mul3A_96, %add3A_97 : i32
        %dma_wait3A_99 = arith.constant 0 : i32
        %dma_wait3A_100 = tpu.memref_slice %arg10[%add3A_98, %dma_wait3A_99] : memref<160x128xi32, #tpu.memory_space<vmem>> -> memref<1x128xi32, #tpu.memory_space<vmem>>
        %dma_wait3A_101 = tpu.memref_squeeze %dma_wait3A_100 : memref<1x128xi32, #tpu.memory_space<vmem>> -> memref<128xi32, #tpu.memory_space<vmem>>
        %dma_wait3A_102 = arith.constant 0 : i32
        %dma_wait3A_103 = arith.constant 0 : i32
        %dma_wait3A_104 = tpu.memref_slice %arg2[%dma_wait3A_102, %dma_wait3A_103] : memref<10240x64xf32, #tpu.memory_space<hbm>> -> memref<10240x64xf32, #tpu.memory_space<hbm>>
        tpu.wait_indirect_dma semaphore(%arg19 : memref<!tpu.dma_semaphore, #tpu.memory_space<semaphore_mem>>) src(%dma_wait3A_104 : memref<10240x64xf32, #tpu.memory_space<hbm>>) dst(%arg13 : memref<128x64xf32, #tpu.memory_space<vmem>>)
        %mul3A_105 = arith.constant 20480 : i32
        %mul3A_106 = arith.muli %arg1, %mul3A_105 : i32
        %mul3A_107 = arith.constant 128 : i32
        %mul3A_108 = arith.muli %add3A_98, %mul3A_107 : i32
        %add3A_109 = arith.addi %mul3A_106, %mul3A_108 : i32
        %dma_wait3A_110 = tpu.memref_slice %arg4[%add3A_109, %mul3A_0] : memref<327680x128xf32, #tpu.memory_space<hbm>> -> memref<128x64xf32, #tpu.memory_space<hbm>>
        %dma_wait3A_111 = tpu.memref_slice %arg4[%add3A_109, %mul3A_0] : memref<327680x128xf32, #tpu.memory_space<hbm>> -> memref<128x64xf32, #tpu.memory_space<hbm>>
        tpu.wait_dma2 semaphore(%arg21 : memref<!tpu.dma_semaphore, #tpu.memory_space<semaphore_mem>>) src(%dma_wait3A_111 : memref<128x64xf32, #tpu.memory_space<hbm>>) dst(%arg15 : memref<128x64xf32, #tpu.memory_space<vmem>>)
        %gt3A_112 = arith.constant 0 : i32
        %gt3A_113 = arith.cmpi sgt, %scan3A_57, %gt3A_112 : i32
        %convert_element_type3A_114 = arith.extui %gt3A_113 : i1 to i32
        %cond3A_115 = arith.constant 0 : i32
        %cond3A_116 = arith.cmpi ne, %convert_element_type3A_114, %cond3A_115 : i32
        scf.if %cond3A_116 {
          %sub3A = arith.constant 2 : i32
          %sub3A_134 = arith.subi %add3A_98, %sub3A : i32
          %dma_wait3A_135 = arith.constant 0 : i32
          %dma_wait3A_136 = tpu.memref_slice %arg11[%sub3A_134, %dma_wait3A_135] : memref<160x128xi32, #tpu.memory_space<vmem>> -> memref<1x128xi32, #tpu.memory_space<vmem>>
          %dma_wait3A_137 = tpu.memref_squeeze %dma_wait3A_136 : memref<1x128xi32, #tpu.memory_space<vmem>> -> memref<128xi32, #tpu.memory_space<vmem>>
          %dma_wait3A_138 = arith.constant 0 : i32
          %dma_wait3A_139 = arith.constant 0 : i32
          %dma_wait3A_140 = tpu.memref_slice %arg24[%dma_wait3A_138, %dma_wait3A_139] : memref<10240x64xf32, #tpu.memory_space<vmem_shared>> -> memref<10240x64xf32, #tpu.memory_space<vmem_shared>>
          tpu.wait_indirect_dma semaphore(%arg23 : memref<!tpu.dma_semaphore, #tpu.memory_space<semaphore_mem>>) src(%arg17 : memref<128x64xf32, #tpu.memory_space<vmem>>) dst(%dma_wait3A_140 : memref<10240x64xf32, #tpu.memory_space<vmem_shared>>)
        } else {
        }
        %scan3A_117 = arith.constant 0 : i32
        %scan3A_118 = arith.constant 0 : i32
        %scan3A_119 = arith.constant 64 : i32
        %scan3A_120 = arith.addi %scan3A_118, %scan3A_119 : i32
        %scan3A_121 = arith.constant 1 : i32
        scf.for %scan3A_134 = %scan3A_118 to %scan3A_120 step %scan3A_121  : i32 {
          %mul3A_135 = arith.constant 2 : i32
          %mul3A_136 = arith.muli %scan3A_134, %mul3A_135 : i32
          %add3A_137 = arith.constant 0 : i32
          %add3A_138 = arith.addi %mul3A_136, %add3A_137 : i32
          %get3A = arith.index_cast %add3A_138 : i32 to index
          %get3A_139 = arith.constant 0 : index
          %get3A_140 = tpu.vector_load %arg13[%get3A, %get3A_139] {strides = array<i32>} : memref<128x64xf32, #tpu.memory_space<vmem>>, vector<16xf32>,
          %get3A_141 = arith.index_cast %add3A_138 : i32 to index
          %get3A_142 = arith.constant 0 : index
          %get3A_143 = tpu.vector_load %arg15[%get3A_141, %get3A_142] {strides = array<i32>} : memref<128x64xf32, #tpu.memory_space<vmem>>, vector<16xf32>,
          %mul3A_144 = arith.mulf %get3A_140, %get3A_143 : vector<16xf32>
          %swap3A = arith.index_cast %add3A_138 : i32 to index
          %swap3A_145 = arith.constant 0 : index
          %swap3A_146 = tpu.vector_load %arg17[%swap3A, %swap3A_145] {strides = array<i32>} : memref<128x64xf32, #tpu.memory_space<vmem>>, vector<16xf32>,
          tpu.vector_store %arg17[%swap3A, %swap3A_145], %mul3A_144 {strides = array<i32>} : memref<128x64xf32, #tpu.memory_space<vmem>>, vector<16xf32>,
          %get3A_147 = arith.index_cast %add3A_138 : i32 to index
          %get3A_148 = arith.constant 16 : index
          %get3A_149 = tpu.vector_load %arg13[%get3A_147, %get3A_148] {strides = array<i32>} : memref<128x64xf32, #tpu.memory_space<vmem>>, vector<16xf32>,
          %get3A_150 = arith.index_cast %add3A_138 : i32 to index
          %get3A_151 = arith.constant 16 : index
          %get3A_152 = tpu.vector_load %arg15[%get3A_150, %get3A_151] {strides = array<i32>} : memref<128x64xf32, #tpu.memory_space<vmem>>, vector<16xf32>,
          %mul3A_153 = arith.mulf %get3A_149, %get3A_152 : vector<16xf32>
          %swap3A_154 = arith.index_cast %add3A_138 : i32 to index
          %swap3A_155 = arith.constant 16 : index
          %swap3A_156 = tpu.vector_load %arg17[%swap3A_154, %swap3A_155] {strides = array<i32>} : memref<128x64xf32, #tpu.memory_space<vmem>>, vector<16xf32>,
          tpu.vector_store %arg17[%swap3A_154, %swap3A_155], %mul3A_153 {strides = array<i32>} : memref<128x64xf32, #tpu.memory_space<vmem>>, vector<16xf32>,
          %get3A_157 = arith.index_cast %add3A_138 : i32 to index
          %get3A_158 = arith.constant 32 : index
          %get3A_159 = tpu.vector_load %arg13[%get3A_157, %get3A_158] {strides = array<i32>} : memref<128x64xf32, #tpu.memory_space<vmem>>, vector<16xf32>,
          %get3A_160 = arith.index_cast %add3A_138 : i32 to index
          %get3A_161 = arith.constant 32 : index
          %get3A_162 = tpu.vector_load %arg15[%get3A_160, %get3A_161] {strides = array<i32>} : memref<128x64xf32, #tpu.memory_space<vmem>>, vector<16xf32>,
          %mul3A_163 = arith.mulf %get3A_159, %get3A_162 : vector<16xf32>
          %swap3A_164 = arith.index_cast %add3A_138 : i32 to index
          %swap3A_165 = arith.constant 32 : index
          %swap3A_166 = tpu.vector_load %arg17[%swap3A_164, %swap3A_165] {strides = array<i32>} : memref<128x64xf32, #tpu.memory_space<vmem>>, vector<16xf32>,
          tpu.vector_store %arg17[%swap3A_164, %swap3A_165], %mul3A_163 {strides = array<i32>} : memref<128x64xf32, #tpu.memory_space<vmem>>, vector<16xf32>,
          %get3A_167 = arith.index_cast %add3A_138 : i32 to index
          %get3A_168 = arith.constant 48 : index
          %get3A_169 = tpu.vector_load %arg13[%get3A_167, %get3A_168] {strides = array<i32>} : memref<128x64xf32, #tpu.memory_space<vmem>>, vector<16xf32>,
          %get3A_170 = arith.index_cast %add3A_138 : i32 to index
          %get3A_171 = arith.constant 48 : index
          %get3A_172 = tpu.vector_load %arg15[%get3A_170, %get3A_171] {strides = array<i32>} : memref<128x64xf32, #tpu.memory_space<vmem>>, vector<16xf32>,
          %mul3A_173 = arith.mulf %get3A_169, %get3A_172 : vector<16xf32>
          %swap3A_174 = arith.index_cast %add3A_138 : i32 to index
          %swap3A_175 = arith.constant 48 : index
          %swap3A_176 = tpu.vector_load %arg17[%swap3A_174, %swap3A_175] {strides = array<i32>} : memref<128x64xf32, #tpu.memory_space<vmem>>, vector<16xf32>,
          tpu.vector_store %arg17[%swap3A_174, %swap3A_175], %mul3A_173 {strides = array<i32>} : memref<128x64xf32, #tpu.memory_space<vmem>>, vector<16xf32>,
          %mul3A_177 = arith.constant 2 : i32
          %mul3A_178 = arith.muli %scan3A_134, %mul3A_177 : i32
          %add3A_179 = arith.constant 1 : i32
          %add3A_180 = arith.addi %mul3A_178, %add3A_179 : i32
          %get3A_181 = arith.index_cast %add3A_180 : i32 to index
          %get3A_182 = arith.constant 0 : index
          %get3A_183 = tpu.vector_load %arg13[%get3A_181, %get3A_182] {strides = array<i32>} : memref<128x64xf32, #tpu.memory_space<vmem>>, vector<16xf32>,
          %get3A_184 = arith.index_cast %add3A_180 : i32 to index
          %get3A_185 = arith.constant 0 : index
          %get3A_186 = tpu.vector_load %arg15[%get3A_184, %get3A_185] {strides = array<i32>} : memref<128x64xf32, #tpu.memory_space<vmem>>, vector<16xf32>,
          %mul3A_187 = arith.mulf %get3A_183, %get3A_186 : vector<16xf32>
          %swap3A_188 = arith.index_cast %add3A_180 : i32 to index
          %swap3A_189 = arith.constant 0 : index
          %swap3A_190 = tpu.vector_load %arg17[%swap3A_188, %swap3A_189] {strides = array<i32>} : memref<128x64xf32, #tpu.memory_space<vmem>>, vector<16xf32>,
          tpu.vector_store %arg17[%swap3A_188, %swap3A_189], %mul3A_187 {strides = array<i32>} : memref<128x64xf32, #tpu.memory_space<vmem>>, vector<16xf32>,
          %get3A_191 = arith.index_cast %add3A_180 : i32 to index
          %get3A_192 = arith.constant 16 : index
          %get3A_193 = tpu.vector_load %arg13[%get3A_191, %get3A_192] {strides = array<i32>} : memref<128x64xf32, #tpu.memory_space<vmem>>, vector<16xf32>,
          %get3A_194 = arith.index_cast %add3A_180 : i32 to index
          %get3A_195 = arith.constant 16 : index
          %get3A_196 = tpu.vector_load %arg15[%get3A_194, %get3A_195] {strides = array<i32>} : memref<128x64xf32, #tpu.memory_space<vmem>>, vector<16xf32>,
          %mul3A_197 = arith.mulf %get3A_193, %get3A_196 : vector<16xf32>
          %swap3A_198 = arith.index_cast %add3A_180 : i32 to index
          %swap3A_199 = arith.constant 16 : index
          %swap3A_200 = tpu.vector_load %arg17[%swap3A_198, %swap3A_199] {strides = array<i32>} : memref<128x64xf32, #tpu.memory_space<vmem>>, vector<16xf32>,
          tpu.vector_store %arg17[%swap3A_198, %swap3A_199], %mul3A_197 {strides = array<i32>} : memref<128x64xf32, #tpu.memory_space<vmem>>, vector<16xf32>,
          %get3A_201 = arith.index_cast %add3A_180 : i32 to index
          %get3A_202 = arith.constant 32 : index
          %get3A_203 = tpu.vector_load %arg13[%get3A_201, %get3A_202] {strides = array<i32>} : memref<128x64xf32, #tpu.memory_space<vmem>>, vector<16xf32>,
          %get3A_204 = arith.index_cast %add3A_180 : i32 to index
          %get3A_205 = arith.constant 32 : index
          %get3A_206 = tpu.vector_load %arg15[%get3A_204, %get3A_205] {strides = array<i32>} : memref<128x64xf32, #tpu.memory_space<vmem>>, vector<16xf32>,
          %mul3A_207 = arith.mulf %get3A_203, %get3A_206 : vector<16xf32>
          %swap3A_208 = arith.index_cast %add3A_180 : i32 to index
          %swap3A_209 = arith.constant 32 : index
          %swap3A_210 = tpu.vector_load %arg17[%swap3A_208, %swap3A_209] {strides = array<i32>} : memref<128x64xf32, #tpu.memory_space<vmem>>, vector<16xf32>,
          tpu.vector_store %arg17[%swap3A_208, %swap3A_209], %mul3A_207 {strides = array<i32>} : memref<128x64xf32, #tpu.memory_space<vmem>>, vector<16xf32>,
          %get3A_211 = arith.index_cast %add3A_180 : i32 to index
          %get3A_212 = arith.constant 48 : index
          %get3A_213 = tpu.vector_load %arg13[%get3A_211, %get3A_212] {strides = array<i32>} : memref<128x64xf32, #tpu.memory_space<vmem>>, vector<16xf32>,
          %get3A_214 = arith.index_cast %add3A_180 : i32 to index
          %get3A_215 = arith.constant 48 : index
          %get3A_216 = tpu.vector_load %arg15[%get3A_214, %get3A_215] {strides = array<i32>} : memref<128x64xf32, #tpu.memory_space<vmem>>, vector<16xf32>,
          %mul3A_217 = arith.mulf %get3A_213, %get3A_216 : vector<16xf32>
          %swap3A_218 = arith.index_cast %add3A_180 : i32 to index
          %swap3A_219 = arith.constant 48 : index
          %swap3A_220 = tpu.vector_load %arg17[%swap3A_218, %swap3A_219] {strides = array<i32>} : memref<128x64xf32, #tpu.memory_space<vmem>>, vector<16xf32>,
          tpu.vector_store %arg17[%swap3A_218, %swap3A_219], %mul3A_217 {strides = array<i32>} : memref<128x64xf32, #tpu.memory_space<vmem>>, vector<16xf32>,
        }
        %scan3A_122 = arith.constant 64 : i32
        %lt3A_123 = arith.constant 79 : i32
        %lt3A_124 = arith.cmpi slt, %scan3A_57, %lt3A_123 : i32
        %convert_element_type3A_125 = arith.extui %lt3A_124 : i1 to i32
        %cond3A_126 = arith.constant 0 : i32
        %cond3A_127 = arith.cmpi ne, %convert_element_type3A_125, %cond3A_126 : i32
        scf.if %cond3A_127 {
          %add3A_134 = arith.constant 2 : i32
          %add3A_135 = arith.addi %add3A_98, %add3A_134 : i32
          %dma_start3A_136 = arith.constant 0 : i32
          %dma_start3A_137 = tpu.memref_slice %arg10[%add3A_135, %dma_start3A_136] : memref<160x128xi32, #tpu.memory_space<vmem>> -> memref<1x128xi32, #tpu.memory_space<vmem>>
          %dma_start3A_138 = tpu.memref_squeeze %dma_start3A_137 : memref<1x128xi32, #tpu.memory_space<vmem>> -> memref<128xi32, #tpu.memory_space<vmem>>
          %dma_start3A_139 = arith.constant 0 : i32
          %dma_start3A_140 = arith.constant 0 : i32
          %dma_start3A_141 = tpu.memref_slice %arg2[%dma_start3A_139, %dma_start3A_140] : memref<10240x64xf32, #tpu.memory_space<hbm>> -> memref<10240x64xf32, #tpu.memory_space<hbm>>
          tpu.enqueue_indirect_dma source(%dma_start3A_141 : memref<10240x64xf32, #tpu.memory_space<hbm>>) target(%arg13 : memref<128x64xf32, #tpu.memory_space<vmem>>) offsets(%dma_start3A_138 : memref<128xi32, #tpu.memory_space<vmem>>) semaphore(%arg19 : memref<!tpu.dma_semaphore, #tpu.memory_space<semaphore_mem>>)
          %add3A_142 = arith.constant 2 : i32
          %add3A_143 = arith.addi %add3A_98, %add3A_142 : i32
          %mul3A_144 = arith.constant 20480 : i32
          %mul3A_145 = arith.muli %arg1, %mul3A_144 : i32
          %mul3A_146 = arith.constant 128 : i32
          %mul3A_147 = arith.muli %add3A_143, %mul3A_146 : i32
          %add3A_148 = arith.addi %mul3A_145, %mul3A_147 : i32
          %dma_start3A_149 = tpu.memref_slice %arg4[%add3A_148, %mul3A_0] : memref<327680x128xf32, #tpu.memory_space<hbm>> -> memref<128x64xf32, #tpu.memory_space<hbm>>
          %dma_start3A_150 = tpu.memref_slice %arg4[%add3A_148, %mul3A_0] : memref<327680x128xf32, #tpu.memory_space<hbm>> -> memref<128x64xf32, #tpu.memory_space<hbm>>
          tpu.enqueue_dma source(%dma_start3A_150 : memref<128x64xf32, #tpu.memory_space<hbm>>) target(%arg15 : memref<128x64xf32, #tpu.memory_space<vmem>>) target_semaphore(%arg21 : memref<!tpu.dma_semaphore, #tpu.memory_space<semaphore_mem>>)
        } else {
        }
        %dma_start3A_128 = arith.constant 0 : i32
        %dma_start3A_129 = tpu.memref_slice %arg11[%add3A_98, %dma_start3A_128] : memref<160x128xi32, #tpu.memory_space<vmem>> -> memref<1x128xi32, #tpu.memory_space<vmem>>
        %dma_start3A_130 = tpu.memref_squeeze %dma_start3A_129 : memref<1x128xi32, #tpu.memory_space<vmem>> -> memref<128xi32, #tpu.memory_space<vmem>>
        %dma_start3A_131 = arith.constant 0 : i32
        %dma_start3A_132 = arith.constant 0 : i32
        %dma_start3A_133 = tpu.memref_slice %arg24[%dma_start3A_131, %dma_start3A_132] : memref<10240x64xf32, #tpu.memory_space<vmem_shared>> -> memref<10240x64xf32, #tpu.memory_space<vmem_shared>>
        tpu.enqueue_indirect_dma source(%arg17 : memref<128x64xf32, #tpu.memory_space<vmem>>) target(%dma_start3A_133 : memref<10240x64xf32, #tpu.memory_space<vmem_shared>>) offsets(%dma_start3A_130 : memref<128xi32, #tpu.memory_space<vmem>>) semaphore(%arg23 : memref<!tpu.dma_semaphore, #tpu.memory_space<semaphore_mem>>) {add = true}
      }
      %scan3A_42 = arith.constant 80 : i32
      %dma_wait3A = arith.constant 158 : i32
      %dma_wait3A_43 = arith.constant 0 : i32
      %dma_wait3A_44 = tpu.memref_slice %arg11[%dma_wait3A, %dma_wait3A_43] : memref<160x128xi32, #tpu.memory_space<vmem>> -> memref<1x128xi32, #tpu.memory_space<vmem>>
      %dma_wait3A_45 = tpu.memref_squeeze %dma_wait3A_44 : memref<1x128xi32, #tpu.memory_space<vmem>> -> memref<128xi32, #tpu.memory_space<vmem>>
      %dma_wait3A_46 = arith.constant 0 : i32
      %dma_wait3A_47 = arith.constant 0 : i32
      %dma_wait3A_48 = tpu.memref_slice %arg24[%dma_wait3A_46, %dma_wait3A_47] : memref<10240x64xf32, #tpu.memory_space<vmem_shared>> -> memref<10240x64xf32, #tpu.memory_space<vmem_shared>>
      tpu.wait_indirect_dma semaphore(%arg22 : memref<!tpu.dma_semaphore, #tpu.memory_space<semaphore_mem>>) src(%arg16 : memref<128x64xf32, #tpu.memory_space<vmem>>) dst(%dma_wait3A_48 : memref<10240x64xf32, #tpu.memory_space<vmem_shared>>)
      %dma_wait3A_49 = arith.constant 159 : i32
      %dma_wait3A_50 = arith.constant 0 : i32
      %dma_wait3A_51 = tpu.memref_slice %arg11[%dma_wait3A_49, %dma_wait3A_50] : memref<160x128xi32, #tpu.memory_space<vmem>> -> memref<1x128xi32, #tpu.memory_space<vmem>>
      %dma_wait3A_52 = tpu.memref_squeeze %dma_wait3A_51 : memref<1x128xi32, #tpu.memory_space<vmem>> -> memref<128xi32, #tpu.memory_space<vmem>>
      %dma_wait3A_53 = arith.constant 0 : i32
      %dma_wait3A_54 = arith.constant 0 : i32
      %dma_wait3A_55 = tpu.memref_slice %arg24[%dma_wait3A_53, %dma_wait3A_54] : memref<10240x64xf32, #tpu.memory_space<vmem_shared>> -> memref<10240x64xf32, #tpu.memory_space<vmem_shared>>
      tpu.wait_indirect_dma semaphore(%arg23 : memref<!tpu.dma_semaphore, #tpu.memory_space<semaphore_mem>>) src(%arg17 : memref<128x64xf32, #tpu.memory_space<vmem>>) dst(%dma_wait3A_55 : memref<10240x64xf32, #tpu.memory_space<vmem_shared>>)
      %barrier3A_56 = arith.constant 0 : index
      tpu.barrier barrier_id(%barrier3A_56)
      "tpu.region"() ({
        %run_scoped3A = tpu.sem_alloc : memref<!tpu.dma_semaphore, #tpu.memory_space<semaphore_mem>>
        %dma_start3A_57 = arith.constant 0 : i32
        %dma_start3A_58 = tpu.memref_slice %arg8[%mul3A_2, %dma_start3A_57] : memref<10240x64xf32, #tpu.memory_space<hbm>> -> memref<640x64xf32, #tpu.memory_space<hbm>>
        %dma_start3A_59 = arith.constant 0 : i32
        %dma_start3A_60 = tpu.memref_slice %arg24[%mul3A_2, %dma_start3A_59] : memref<10240x64xf32, #tpu.memory_space<vmem_shared>> -> memref<640x64xf32, #tpu.memory_space<vmem_shared>>
        tpu.enqueue_dma source(%dma_start3A_60 : memref<640x64xf32, #tpu.memory_space<vmem_shared>>) target(%dma_start3A_58 : memref<640x64xf32, #tpu.memory_space<hbm>>) target_semaphore(%run_scoped3A : memref<!tpu.dma_semaphore, #tpu.memory_space<semaphore_mem>>)
        %dma_wait3A_61 = arith.constant 0 : i32
        %dma_wait3A_62 = tpu.memref_slice %arg8[%mul3A_2, %dma_wait3A_61] : memref<10240x64xf32, #tpu.memory_space<hbm>> -> memref<640x64xf32, #tpu.memory_space<hbm>>
        %dma_wait3A_63 = arith.constant 0 : i32
        %dma_wait3A_64 = tpu.memref_slice %arg24[%mul3A_2, %dma_wait3A_63] : memref<10240x64xf32, #tpu.memory_space<vmem_shared>> -> memref<640x64xf32, #tpu.memory_space<vmem_shared>>
        tpu.wait_dma2 semaphore(%run_scoped3A : memref<!tpu.dma_semaphore, #tpu.memory_space<semaphore_mem>>) src(%dma_wait3A_64 : memref<640x64xf32, #tpu.memory_space<vmem_shared>>) dst(%dma_wait3A_62 : memref<640x64xf32, #tpu.memory_space<hbm>>)
        tpu.yield
      }) : () -> ()
    } else {
    }
    %eq3A_9 = arith.constant 1 : i32
    %eq3A_10 = arith.cmpi eq, %arg0, %eq3A_9 : i32
    %convert_element_type3A_11 = arith.extui %eq3A_10 : i1 to i32
    %cond3A_12 = arith.constant 0 : i32
    %cond3A_13 = arith.cmpi ne, %convert_element_type3A_11, %cond3A_12 : i32
    scf.if %cond3A_13 {
      %dma_start3A = arith.constant 0 : i32
      %dma_start3A_14 = arith.constant 0 : i32
      %dma_start3A_15 = tpu.memref_slice %arg10[%dma_start3A, %dma_start3A_14] : memref<160x128xi32, #tpu.memory_space<vmem>> -> memref<1x128xi32, #tpu.memory_space<vmem>>
      %dma_start3A_16 = tpu.memref_squeeze %dma_start3A_15 : memref<1x128xi32, #tpu.memory_space<vmem>> -> memref<128xi32, #tpu.memory_space<vmem>>
      %dma_start3A_17 = arith.constant 0 : i32
      %dma_start3A_18 = arith.constant 0 : i32
      %dma_start3A_19 = tpu.memref_slice %arg3[%dma_start3A_17, %dma_start3A_18] : memref<10240x64xf32, #tpu.memory_space<hbm>> -> memref<10240x64xf32, #tpu.memory_space<hbm>>
      tpu.enqueue_indirect_dma source(%dma_start3A_19 : memref<10240x64xf32, #tpu.memory_space<hbm>>) target(%arg12 : memref<128x64xf32, #tpu.memory_space<vmem>>) offsets(%dma_start3A_16 : memref<128xi32, #tpu.memory_space<vmem>>) semaphore(%arg18 : memref<!tpu.dma_semaphore, #tpu.memory_space<semaphore_mem>>)
      %mul3A_20 = arith.constant 20480 : i32
      %mul3A_21 = arith.muli %arg1, %mul3A_20 : i32
      %add3A = arith.constant 0 : i32
      %add3A_22 = arith.addi %mul3A_21, %add3A : i32
      %dma_start3A_23 = tpu.memref_slice %arg4[%add3A_22, %mul3A_0] : memref<327680x128xf32, #tpu.memory_space<hbm>> -> memref<128x64xf32, #tpu.memory_space<hbm>>
      %dma_start3A_24 = tpu.memref_slice %arg4[%add3A_22, %mul3A_0] : memref<327680x128xf32, #tpu.memory_space<hbm>> -> memref<128x64xf32, #tpu.memory_space<hbm>>
      tpu.enqueue_dma source(%dma_start3A_24 : memref<128x64xf32, #tpu.memory_space<hbm>>) target(%arg14 : memref<128x64xf32, #tpu.memory_space<vmem>>) target_semaphore(%arg20 : memref<!tpu.dma_semaphore, #tpu.memory_space<semaphore_mem>>)
      %dma_start3A_25 = arith.constant 1 : i32
      %dma_start3A_26 = arith.constant 0 : i32
      %dma_start3A_27 = tpu.memref_slice %arg10[%dma_start3A_25, %dma_start3A_26] : memref<160x128xi32, #tpu.memory_space<vmem>> -> memref<1x128xi32, #tpu.memory_space<vmem>>
      %dma_start3A_28 = tpu.memref_squeeze %dma_start3A_27 : memref<1x128xi32, #tpu.memory_space<vmem>> -> memref<128xi32, #tpu.memory_space<vmem>>
      %dma_start3A_29 = arith.constant 0 : i32
      %dma_start3A_30 = arith.constant 0 : i32
      %dma_start3A_31 = tpu.memref_slice %arg3[%dma_start3A_29, %dma_start3A_30] : memref<10240x64xf32, #tpu.memory_space<hbm>> -> memref<10240x64xf32, #tpu.memory_space<hbm>>
      tpu.enqueue_indirect_dma source(%dma_start3A_31 : memref<10240x64xf32, #tpu.memory_space<hbm>>) target(%arg13 : memref<128x64xf32, #tpu.memory_space<vmem>>) offsets(%dma_start3A_28 : memref<128xi32, #tpu.memory_space<vmem>>) semaphore(%arg19 : memref<!tpu.dma_semaphore, #tpu.memory_space<semaphore_mem>>)
      %mul3A_32 = arith.constant 20480 : i32
      %mul3A_33 = arith.muli %arg1, %mul3A_32 : i32
      %add3A_34 = arith.constant 128 : i32
      %add3A_35 = arith.addi %mul3A_33, %add3A_34 : i32
      %dma_start3A_36 = tpu.memref_slice %arg4[%add3A_35, %mul3A_0] : memref<327680x128xf32, #tpu.memory_space<hbm>> -> memref<128x64xf32, #tpu.memory_space<hbm>>
      %dma_start3A_37 = tpu.memref_slice %arg4[%add3A_35, %mul3A_0] : memref<327680x128xf32, #tpu.memory_space<hbm>> -> memref<128x64xf32, #tpu.memory_space<hbm>>
      tpu.enqueue_dma source(%dma_start3A_37 : memref<128x64xf32, #tpu.memory_space<hbm>>) target(%arg15 : memref<128x64xf32, #tpu.memory_space<vmem>>) target_semaphore(%arg21 : memref<!tpu.dma_semaphore, #tpu.memory_space<semaphore_mem>>)
      %scan3A = arith.constant 0 : i32
      %scan3A_38 = arith.constant 0 : i32
      %scan3A_39 = arith.constant 80 : i32
      %scan3A_40 = arith.addi %scan3A_38, %scan3A_39 : i32
      %scan3A_41 = arith.constant 1 : i32
      scf.for %scan3A_57 = %scan3A_38 to %scan3A_40 step %scan3A_41  : i32 {
        %mul3A_58 = arith.constant 2 : i32
        %mul3A_59 = arith.muli %mul3A_58, %scan3A_57 : i32
        %add3A_60 = arith.constant 0 : i32
        %add3A_61 = arith.addi %mul3A_59, %add3A_60 : i32
        %dma_wait3A_62 = arith.constant 0 : i32
        %dma_wait3A_63 = tpu.memref_slice %arg10[%add3A_61, %dma_wait3A_62] : memref<160x128xi32, #tpu.memory_space<vmem>> -> memref<1x128xi32, #tpu.memory_space<vmem>>
        %dma_wait3A_64 = tpu.memref_squeeze %dma_wait3A_63 : memref<1x128xi32, #tpu.memory_space<vmem>> -> memref<128xi32, #tpu.memory_space<vmem>>
        %dma_wait3A_65 = arith.constant 0 : i32
        %dma_wait3A_66 = arith.constant 0 : i32
        %dma_wait3A_67 = tpu.memref_slice %arg3[%dma_wait3A_65, %dma_wait3A_66] : memref<10240x64xf32, #tpu.memory_space<hbm>> -> memref<10240x64xf32, #tpu.memory_space<hbm>>
        tpu.wait_indirect_dma semaphore(%arg18 : memref<!tpu.dma_semaphore, #tpu.memory_space<semaphore_mem>>) src(%dma_wait3A_67 : memref<10240x64xf32, #tpu.memory_space<hbm>>) dst(%arg12 : memref<128x64xf32, #tpu.memory_space<vmem>>)
        %mul3A_68 = arith.constant 20480 : i32
        %mul3A_69 = arith.muli %arg1, %mul3A_68 : i32
        %mul3A_70 = arith.constant 128 : i32
        %mul3A_71 = arith.muli %add3A_61, %mul3A_70 : i32
        %add3A_72 = arith.addi %mul3A_69, %mul3A_71 : i32
        %dma_wait3A_73 = tpu.memref_slice %arg4[%add3A_72, %mul3A_0] : memref<327680x128xf32, #tpu.memory_space<hbm>> -> memref<128x64xf32, #tpu.memory_space<hbm>>
        %dma_wait3A_74 = tpu.memref_slice %arg4[%add3A_72, %mul3A_0] : memref<327680x128xf32, #tpu.memory_space<hbm>> -> memref<128x64xf32, #tpu.memory_space<hbm>>
        tpu.wait_dma2 semaphore(%arg20 : memref<!tpu.dma_semaphore, #tpu.memory_space<semaphore_mem>>) src(%dma_wait3A_74 : memref<128x64xf32, #tpu.memory_space<hbm>>) dst(%arg14 : memref<128x64xf32, #tpu.memory_space<vmem>>)
        %gt3A = arith.constant 0 : i32
        %gt3A_75 = arith.cmpi sgt, %scan3A_57, %gt3A : i32
        %convert_element_type3A_76 = arith.extui %gt3A_75 : i1 to i32
        %cond3A_77 = arith.constant 0 : i32
        %cond3A_78 = arith.cmpi ne, %convert_element_type3A_76, %cond3A_77 : i32
        scf.if %cond3A_78 {
          %sub3A = arith.constant 2 : i32
          %sub3A_134 = arith.subi %add3A_61, %sub3A : i32
          %dma_wait3A_135 = arith.constant 0 : i32
          %dma_wait3A_136 = tpu.memref_slice %arg11[%sub3A_134, %dma_wait3A_135] : memref<160x128xi32, #tpu.memory_space<vmem>> -> memref<1x128xi32, #tpu.memory_space<vmem>>
          %dma_wait3A_137 = tpu.memref_squeeze %dma_wait3A_136 : memref<1x128xi32, #tpu.memory_space<vmem>> -> memref<128xi32, #tpu.memory_space<vmem>>
          %dma_wait3A_138 = arith.constant 0 : i32
          %dma_wait3A_139 = arith.constant 0 : i32
          %dma_wait3A_140 = tpu.memref_slice %arg24[%dma_wait3A_138, %dma_wait3A_139] : memref<10240x64xf32, #tpu.memory_space<vmem_shared>> -> memref<10240x64xf32, #tpu.memory_space<vmem_shared>>
          tpu.wait_indirect_dma semaphore(%arg22 : memref<!tpu.dma_semaphore, #tpu.memory_space<semaphore_mem>>) src(%arg16 : memref<128x64xf32, #tpu.memory_space<vmem>>) dst(%dma_wait3A_140 : memref<10240x64xf32, #tpu.memory_space<vmem_shared>>)
        } else {
        }
        %scan3A_79 = arith.constant 0 : i32
        %scan3A_80 = arith.constant 0 : i32
        %scan3A_81 = arith.constant 64 : i32
        %scan3A_82 = arith.addi %scan3A_80, %scan3A_81 : i32
        %scan3A_83 = arith.constant 1 : i32
        scf.for %scan3A_134 = %scan3A_80 to %scan3A_82 step %scan3A_83  : i32 {
          %mul3A_135 = arith.constant 2 : i32
          %mul3A_136 = arith.muli %scan3A_134, %mul3A_135 : i32
          %add3A_137 = arith.constant 0 : i32
          %add3A_138 = arith.addi %mul3A_136, %add3A_137 : i32
          %get3A = arith.index_cast %add3A_138 : i32 to index
          %get3A_139 = arith.constant 0 : index
          %get3A_140 = tpu.vector_load %arg12[%get3A, %get3A_139] {strides = array<i32>} : memref<128x64xf32, #tpu.memory_space<vmem>>, vector<16xf32>,
          %get3A_141 = arith.index_cast %add3A_138 : i32 to index
          %get3A_142 = arith.constant 0 : index
          %get3A_143 = tpu.vector_load %arg14[%get3A_141, %get3A_142] {strides = array<i32>} : memref<128x64xf32, #tpu.memory_space<vmem>>, vector<16xf32>,
          %mul3A_144 = arith.mulf %get3A_140, %get3A_143 : vector<16xf32>
          %swap3A = arith.index_cast %add3A_138 : i32 to index
          %swap3A_145 = arith.constant 0 : index
          %swap3A_146 = tpu.vector_load %arg16[%swap3A, %swap3A_145] {strides = array<i32>} : memref<128x64xf32, #tpu.memory_space<vmem>>, vector<16xf32>,
          tpu.vector_store %arg16[%swap3A, %swap3A_145], %mul3A_144 {strides = array<i32>} : memref<128x64xf32, #tpu.memory_space<vmem>>, vector<16xf32>,
          %get3A_147 = arith.index_cast %add3A_138 : i32 to index
          %get3A_148 = arith.constant 16 : index
          %get3A_149 = tpu.vector_load %arg12[%get3A_147, %get3A_148] {strides = array<i32>} : memref<128x64xf32, #tpu.memory_space<vmem>>, vector<16xf32>,
          %get3A_150 = arith.index_cast %add3A_138 : i32 to index
          %get3A_151 = arith.constant 16 : index
          %get3A_152 = tpu.vector_load %arg14[%get3A_150, %get3A_151] {strides = array<i32>} : memref<128x64xf32, #tpu.memory_space<vmem>>, vector<16xf32>,
          %mul3A_153 = arith.mulf %get3A_149, %get3A_152 : vector<16xf32>
          %swap3A_154 = arith.index_cast %add3A_138 : i32 to index
          %swap3A_155 = arith.constant 16 : index
          %swap3A_156 = tpu.vector_load %arg16[%swap3A_154, %swap3A_155] {strides = array<i32>} : memref<128x64xf32, #tpu.memory_space<vmem>>, vector<16xf32>,
          tpu.vector_store %arg16[%swap3A_154, %swap3A_155], %mul3A_153 {strides = array<i32>} : memref<128x64xf32, #tpu.memory_space<vmem>>, vector<16xf32>,
          %get3A_157 = arith.index_cast %add3A_138 : i32 to index
          %get3A_158 = arith.constant 32 : index
          %get3A_159 = tpu.vector_load %arg12[%get3A_157, %get3A_158] {strides = array<i32>} : memref<128x64xf32, #tpu.memory_space<vmem>>, vector<16xf32>,
          %get3A_160 = arith.index_cast %add3A_138 : i32 to index
          %get3A_161 = arith.constant 32 : index
          %get3A_162 = tpu.vector_load %arg14[%get3A_160, %get3A_161] {strides = array<i32>} : memref<128x64xf32, #tpu.memory_space<vmem>>, vector<16xf32>,
          %mul3A_163 = arith.mulf %get3A_159, %get3A_162 : vector<16xf32>
          %swap3A_164 = arith.index_cast %add3A_138 : i32 to index
          %swap3A_165 = arith.constant 32 : index
          %swap3A_166 = tpu.vector_load %arg16[%swap3A_164, %swap3A_165] {strides = array<i32>} : memref<128x64xf32, #tpu.memory_space<vmem>>, vector<16xf32>,
          tpu.vector_store %arg16[%swap3A_164, %swap3A_165], %mul3A_163 {strides = array<i32>} : memref<128x64xf32, #tpu.memory_space<vmem>>, vector<16xf32>,
          %get3A_167 = arith.index_cast %add3A_138 : i32 to index
          %get3A_168 = arith.constant 48 : index
          %get3A_169 = tpu.vector_load %arg12[%get3A_167, %get3A_168] {strides = array<i32>} : memref<128x64xf32, #tpu.memory_space<vmem>>, vector<16xf32>,
          %get3A_170 = arith.index_cast %add3A_138 : i32 to index
          %get3A_171 = arith.constant 48 : index
          %get3A_172 = tpu.vector_load %arg14[%get3A_170, %get3A_171] {strides = array<i32>} : memref<128x64xf32, #tpu.memory_space<vmem>>, vector<16xf32>,
          %mul3A_173 = arith.mulf %get3A_169, %get3A_172 : vector<16xf32>
          %swap3A_174 = arith.index_cast %add3A_138 : i32 to index
          %swap3A_175 = arith.constant 48 : index
          %swap3A_176 = tpu.vector_load %arg16[%swap3A_174, %swap3A_175] {strides = array<i32>} : memref<128x64xf32, #tpu.memory_space<vmem>>, vector<16xf32>,
          tpu.vector_store %arg16[%swap3A_174, %swap3A_175], %mul3A_173 {strides = array<i32>} : memref<128x64xf32, #tpu.memory_space<vmem>>, vector<16xf32>,
          %mul3A_177 = arith.constant 2 : i32
          %mul3A_178 = arith.muli %scan3A_134, %mul3A_177 : i32
          %add3A_179 = arith.constant 1 : i32
          %add3A_180 = arith.addi %mul3A_178, %add3A_179 : i32
          %get3A_181 = arith.index_cast %add3A_180 : i32 to index
          %get3A_182 = arith.constant 0 : index
          %get3A_183 = tpu.vector_load %arg12[%get3A_181, %get3A_182] {strides = array<i32>} : memref<128x64xf32, #tpu.memory_space<vmem>>, vector<16xf32>,
          %get3A_184 = arith.index_cast %add3A_180 : i32 to index
          %get3A_185 = arith.constant 0 : index
          %get3A_186 = tpu.vector_load %arg14[%get3A_184, %get3A_185] {strides = array<i32>} : memref<128x64xf32, #tpu.memory_space<vmem>>, vector<16xf32>,
          %mul3A_187 = arith.mulf %get3A_183, %get3A_186 : vector<16xf32>
          %swap3A_188 = arith.index_cast %add3A_180 : i32 to index
          %swap3A_189 = arith.constant 0 : index
          %swap3A_190 = tpu.vector_load %arg16[%swap3A_188, %swap3A_189] {strides = array<i32>} : memref<128x64xf32, #tpu.memory_space<vmem>>, vector<16xf32>,
          tpu.vector_store %arg16[%swap3A_188, %swap3A_189], %mul3A_187 {strides = array<i32>} : memref<128x64xf32, #tpu.memory_space<vmem>>, vector<16xf32>,
          %get3A_191 = arith.index_cast %add3A_180 : i32 to index
          %get3A_192 = arith.constant 16 : index
          %get3A_193 = tpu.vector_load %arg12[%get3A_191, %get3A_192] {strides = array<i32>} : memref<128x64xf32, #tpu.memory_space<vmem>>, vector<16xf32>,
          %get3A_194 = arith.index_cast %add3A_180 : i32 to index
          %get3A_195 = arith.constant 16 : index
          %get3A_196 = tpu.vector_load %arg14[%get3A_194, %get3A_195] {strides = array<i32>} : memref<128x64xf32, #tpu.memory_space<vmem>>, vector<16xf32>,
          %mul3A_197 = arith.mulf %get3A_193, %get3A_196 : vector<16xf32>
          %swap3A_198 = arith.index_cast %add3A_180 : i32 to index
          %swap3A_199 = arith.constant 16 : index
          %swap3A_200 = tpu.vector_load %arg16[%swap3A_198, %swap3A_199] {strides = array<i32>} : memref<128x64xf32, #tpu.memory_space<vmem>>, vector<16xf32>,
          tpu.vector_store %arg16[%swap3A_198, %swap3A_199], %mul3A_197 {strides = array<i32>} : memref<128x64xf32, #tpu.memory_space<vmem>>, vector<16xf32>,
          %get3A_201 = arith.index_cast %add3A_180 : i32 to index
          %get3A_202 = arith.constant 32 : index
          %get3A_203 = tpu.vector_load %arg12[%get3A_201, %get3A_202] {strides = array<i32>} : memref<128x64xf32, #tpu.memory_space<vmem>>, vector<16xf32>,
          %get3A_204 = arith.index_cast %add3A_180 : i32 to index
          %get3A_205 = arith.constant 32 : index
          %get3A_206 = tpu.vector_load %arg14[%get3A_204, %get3A_205] {strides = array<i32>} : memref<128x64xf32, #tpu.memory_space<vmem>>, vector<16xf32>,
          %mul3A_207 = arith.mulf %get3A_203, %get3A_206 : vector<16xf32>
          %swap3A_208 = arith.index_cast %add3A_180 : i32 to index
          %swap3A_209 = arith.constant 32 : index
          %swap3A_210 = tpu.vector_load %arg16[%swap3A_208, %swap3A_209] {strides = array<i32>} : memref<128x64xf32, #tpu.memory_space<vmem>>, vector<16xf32>,
          tpu.vector_store %arg16[%swap3A_208, %swap3A_209], %mul3A_207 {strides = array<i32>} : memref<128x64xf32, #tpu.memory_space<vmem>>, vector<16xf32>,
          %get3A_211 = arith.index_cast %add3A_180 : i32 to index
          %get3A_212 = arith.constant 48 : index
          %get3A_213 = tpu.vector_load %arg12[%get3A_211, %get3A_212] {strides = array<i32>} : memref<128x64xf32, #tpu.memory_space<vmem>>, vector<16xf32>,
          %get3A_214 = arith.index_cast %add3A_180 : i32 to index
          %get3A_215 = arith.constant 48 : index
          %get3A_216 = tpu.vector_load %arg14[%get3A_214, %get3A_215] {strides = array<i32>} : memref<128x64xf32, #tpu.memory_space<vmem>>, vector<16xf32>,
          %mul3A_217 = arith.mulf %get3A_213, %get3A_216 : vector<16xf32>
          %swap3A_218 = arith.index_cast %add3A_180 : i32 to index
          %swap3A_219 = arith.constant 48 : index
          %swap3A_220 = tpu.vector_load %arg16[%swap3A_218, %swap3A_219] {strides = array<i32>} : memref<128x64xf32, #tpu.memory_space<vmem>>, vector<16xf32>,
          tpu.vector_store %arg16[%swap3A_218, %swap3A_219], %mul3A_217 {strides = array<i32>} : memref<128x64xf32, #tpu.memory_space<vmem>>, vector<16xf32>,
        }
        %scan3A_84 = arith.constant 64 : i32
        %lt3A = arith.constant 79 : i32
        %lt3A_85 = arith.cmpi slt, %scan3A_57, %lt3A : i32
        %convert_element_type3A_86 = arith.extui %lt3A_85 : i1 to i32
        %cond3A_87 = arith.constant 0 : i32
        %cond3A_88 = arith.cmpi ne, %convert_element_type3A_86, %cond3A_87 : i32
        scf.if %cond3A_88 {
          %add3A_134 = arith.constant 2 : i32
          %add3A_135 = arith.addi %add3A_61, %add3A_134 : i32
          %dma_start3A_136 = arith.constant 0 : i32
          %dma_start3A_137 = tpu.memref_slice %arg10[%add3A_135, %dma_start3A_136] : memref<160x128xi32, #tpu.memory_space<vmem>> -> memref<1x128xi32, #tpu.memory_space<vmem>>
          %dma_start3A_138 = tpu.memref_squeeze %dma_start3A_137 : memref<1x128xi32, #tpu.memory_space<vmem>> -> memref<128xi32, #tpu.memory_space<vmem>>
          %dma_start3A_139 = arith.constant 0 : i32
          %dma_start3A_140 = arith.constant 0 : i32
          %dma_start3A_141 = tpu.memref_slice %arg3[%dma_start3A_139, %dma_start3A_140] : memref<10240x64xf32, #tpu.memory_space<hbm>> -> memref<10240x64xf32, #tpu.memory_space<hbm>>
          tpu.enqueue_indirect_dma source(%dma_start3A_141 : memref<10240x64xf32, #tpu.memory_space<hbm>>) target(%arg12 : memref<128x64xf32, #tpu.memory_space<vmem>>) offsets(%dma_start3A_138 : memref<128xi32, #tpu.memory_space<vmem>>) semaphore(%arg18 : memref<!tpu.dma_semaphore, #tpu.memory_space<semaphore_mem>>)
          %add3A_142 = arith.constant 2 : i32
          %add3A_143 = arith.addi %add3A_61, %add3A_142 : i32
          %mul3A_144 = arith.constant 20480 : i32
          %mul3A_145 = arith.muli %arg1, %mul3A_144 : i32
          %mul3A_146 = arith.constant 128 : i32
          %mul3A_147 = arith.muli %add3A_143, %mul3A_146 : i32
          %add3A_148 = arith.addi %mul3A_145, %mul3A_147 : i32
          %dma_start3A_149 = tpu.memref_slice %arg4[%add3A_148, %mul3A_0] : memref<327680x128xf32, #tpu.memory_space<hbm>> -> memref<128x64xf32, #tpu.memory_space<hbm>>
          %dma_start3A_150 = tpu.memref_slice %arg4[%add3A_148, %mul3A_0] : memref<327680x128xf32, #tpu.memory_space<hbm>> -> memref<128x64xf32, #tpu.memory_space<hbm>>
          tpu.enqueue_dma source(%dma_start3A_150 : memref<128x64xf32, #tpu.memory_space<hbm>>) target(%arg14 : memref<128x64xf32, #tpu.memory_space<vmem>>) target_semaphore(%arg20 : memref<!tpu.dma_semaphore, #tpu.memory_space<semaphore_mem>>)
        } else {
        }
        %dma_start3A_89 = arith.constant 0 : i32
        %dma_start3A_90 = tpu.memref_slice %arg11[%add3A_61, %dma_start3A_89] : memref<160x128xi32, #tpu.memory_space<vmem>> -> memref<1x128xi32, #tpu.memory_space<vmem>>
        %dma_start3A_91 = tpu.memref_squeeze %dma_start3A_90 : memref<1x128xi32, #tpu.memory_space<vmem>> -> memref<128xi32, #tpu.memory_space<vmem>>
        %dma_start3A_92 = arith.constant 0 : i32
        %dma_start3A_93 = arith.constant 0 : i32
        %dma_start3A_94 = tpu.memref_slice %arg24[%dma_start3A_92, %dma_start3A_93] : memref<10240x64xf32, #tpu.memory_space<vmem_shared>> -> memref<10240x64xf32, #tpu.memory_space<vmem_shared>>
        tpu.enqueue_indirect_dma source(%arg16 : memref<128x64xf32, #tpu.memory_space<vmem>>) target(%dma_start3A_94 : memref<10240x64xf32, #tpu.memory_space<vmem_shared>>) offsets(%dma_start3A_91 : memref<128xi32, #tpu.memory_space<vmem>>) semaphore(%arg22 : memref<!tpu.dma_semaphore, #tpu.memory_space<semaphore_mem>>) {add = true}
        %mul3A_95 = arith.constant 2 : i32
        %mul3A_96 = arith.muli %mul3A_95, %scan3A_57 : i32
        %add3A_97 = arith.constant 1 : i32
        %add3A_98 = arith.addi %mul3A_96, %add3A_97 : i32
        %dma_wait3A_99 = arith.constant 0 : i32
        %dma_wait3A_100 = tpu.memref_slice %arg10[%add3A_98, %dma_wait3A_99] : memref<160x128xi32, #tpu.memory_space<vmem>> -> memref<1x128xi32, #tpu.memory_space<vmem>>
        %dma_wait3A_101 = tpu.memref_squeeze %dma_wait3A_100 : memref<1x128xi32, #tpu.memory_space<vmem>> -> memref<128xi32, #tpu.memory_space<vmem>>
        %dma_wait3A_102 = arith.constant 0 : i32
        %dma_wait3A_103 = arith.constant 0 : i32
        %dma_wait3A_104 = tpu.memref_slice %arg3[%dma_wait3A_102, %dma_wait3A_103] : memref<10240x64xf32, #tpu.memory_space<hbm>> -> memref<10240x64xf32, #tpu.memory_space<hbm>>
        tpu.wait_indirect_dma semaphore(%arg19 : memref<!tpu.dma_semaphore, #tpu.memory_space<semaphore_mem>>) src(%dma_wait3A_104 : memref<10240x64xf32, #tpu.memory_space<hbm>>) dst(%arg13 : memref<128x64xf32, #tpu.memory_space<vmem>>)
        %mul3A_105 = arith.constant 20480 : i32
        %mul3A_106 = arith.muli %arg1, %mul3A_105 : i32
        %mul3A_107 = arith.constant 128 : i32
        %mul3A_108 = arith.muli %add3A_98, %mul3A_107 : i32
        %add3A_109 = arith.addi %mul3A_106, %mul3A_108 : i32
        %dma_wait3A_110 = tpu.memref_slice %arg4[%add3A_109, %mul3A_0] : memref<327680x128xf32, #tpu.memory_space<hbm>> -> memref<128x64xf32, #tpu.memory_space<hbm>>
        %dma_wait3A_111 = tpu.memref_slice %arg4[%add3A_109, %mul3A_0] : memref<327680x128xf32, #tpu.memory_space<hbm>> -> memref<128x64xf32, #tpu.memory_space<hbm>>
        tpu.wait_dma2 semaphore(%arg21 : memref<!tpu.dma_semaphore, #tpu.memory_space<semaphore_mem>>) src(%dma_wait3A_111 : memref<128x64xf32, #tpu.memory_space<hbm>>) dst(%arg15 : memref<128x64xf32, #tpu.memory_space<vmem>>)
        %gt3A_112 = arith.constant 0 : i32
        %gt3A_113 = arith.cmpi sgt, %scan3A_57, %gt3A_112 : i32
        %convert_element_type3A_114 = arith.extui %gt3A_113 : i1 to i32
        %cond3A_115 = arith.constant 0 : i32
        %cond3A_116 = arith.cmpi ne, %convert_element_type3A_114, %cond3A_115 : i32
        scf.if %cond3A_116 {
          %sub3A = arith.constant 2 : i32
          %sub3A_134 = arith.subi %add3A_98, %sub3A : i32
          %dma_wait3A_135 = arith.constant 0 : i32
          %dma_wait3A_136 = tpu.memref_slice %arg11[%sub3A_134, %dma_wait3A_135] : memref<160x128xi32, #tpu.memory_space<vmem>> -> memref<1x128xi32, #tpu.memory_space<vmem>>
          %dma_wait3A_137 = tpu.memref_squeeze %dma_wait3A_136 : memref<1x128xi32, #tpu.memory_space<vmem>> -> memref<128xi32, #tpu.memory_space<vmem>>
          %dma_wait3A_138 = arith.constant 0 : i32
          %dma_wait3A_139 = arith.constant 0 : i32
          %dma_wait3A_140 = tpu.memref_slice %arg24[%dma_wait3A_138, %dma_wait3A_139] : memref<10240x64xf32, #tpu.memory_space<vmem_shared>> -> memref<10240x64xf32, #tpu.memory_space<vmem_shared>>
          tpu.wait_indirect_dma semaphore(%arg23 : memref<!tpu.dma_semaphore, #tpu.memory_space<semaphore_mem>>) src(%arg17 : memref<128x64xf32, #tpu.memory_space<vmem>>) dst(%dma_wait3A_140 : memref<10240x64xf32, #tpu.memory_space<vmem_shared>>)
        } else {
        }
        %scan3A_117 = arith.constant 0 : i32
        %scan3A_118 = arith.constant 0 : i32
        %scan3A_119 = arith.constant 64 : i32
        %scan3A_120 = arith.addi %scan3A_118, %scan3A_119 : i32
        %scan3A_121 = arith.constant 1 : i32
        scf.for %scan3A_134 = %scan3A_118 to %scan3A_120 step %scan3A_121  : i32 {
          %mul3A_135 = arith.constant 2 : i32
          %mul3A_136 = arith.muli %scan3A_134, %mul3A_135 : i32
          %add3A_137 = arith.constant 0 : i32
          %add3A_138 = arith.addi %mul3A_136, %add3A_137 : i32
          %get3A = arith.index_cast %add3A_138 : i32 to index
          %get3A_139 = arith.constant 0 : index
          %get3A_140 = tpu.vector_load %arg13[%get3A, %get3A_139] {strides = array<i32>} : memref<128x64xf32, #tpu.memory_space<vmem>>, vector<16xf32>,
          %get3A_141 = arith.index_cast %add3A_138 : i32 to index
          %get3A_142 = arith.constant 0 : index
          %get3A_143 = tpu.vector_load %arg15[%get3A_141, %get3A_142] {strides = array<i32>} : memref<128x64xf32, #tpu.memory_space<vmem>>, vector<16xf32>,
          %mul3A_144 = arith.mulf %get3A_140, %get3A_143 : vector<16xf32>
          %swap3A = arith.index_cast %add3A_138 : i32 to index
          %swap3A_145 = arith.constant 0 : index
          %swap3A_146 = tpu.vector_load %arg17[%swap3A, %swap3A_145] {strides = array<i32>} : memref<128x64xf32, #tpu.memory_space<vmem>>, vector<16xf32>,
          tpu.vector_store %arg17[%swap3A, %swap3A_145], %mul3A_144 {strides = array<i32>} : memref<128x64xf32, #tpu.memory_space<vmem>>, vector<16xf32>,
          %get3A_147 = arith.index_cast %add3A_138 : i32 to index
          %get3A_148 = arith.constant 16 : index
          %get3A_149 = tpu.vector_load %arg13[%get3A_147, %get3A_148] {strides = array<i32>} : memref<128x64xf32, #tpu.memory_space<vmem>>, vector<16xf32>,
          %get3A_150 = arith.index_cast %add3A_138 : i32 to index
          %get3A_151 = arith.constant 16 : index
          %get3A_152 = tpu.vector_load %arg15[%get3A_150, %get3A_151] {strides = array<i32>} : memref<128x64xf32, #tpu.memory_space<vmem>>, vector<16xf32>,
          %mul3A_153 = arith.mulf %get3A_149, %get3A_152 : vector<16xf32>
          %swap3A_154 = arith.index_cast %add3A_138 : i32 to index
          %swap3A_155 = arith.constant 16 : index
          %swap3A_156 = tpu.vector_load %arg17[%swap3A_154, %swap3A_155] {strides = array<i32>} : memref<128x64xf32, #tpu.memory_space<vmem>>, vector<16xf32>,
          tpu.vector_store %arg17[%swap3A_154, %swap3A_155], %mul3A_153 {strides = array<i32>} : memref<128x64xf32, #tpu.memory_space<vmem>>, vector<16xf32>,
          %get3A_157 = arith.index_cast %add3A_138 : i32 to index
          %get3A_158 = arith.constant 32 : index
          %get3A_159 = tpu.vector_load %arg13[%get3A_157, %get3A_158] {strides = array<i32>} : memref<128x64xf32, #tpu.memory_space<vmem>>, vector<16xf32>,
          %get3A_160 = arith.index_cast %add3A_138 : i32 to index
          %get3A_161 = arith.constant 32 : index
          %get3A_162 = tpu.vector_load %arg15[%get3A_160, %get3A_161] {strides = array<i32>} : memref<128x64xf32, #tpu.memory_space<vmem>>, vector<16xf32>,
          %mul3A_163 = arith.mulf %get3A_159, %get3A_162 : vector<16xf32>
          %swap3A_164 = arith.index_cast %add3A_138 : i32 to index
          %swap3A_165 = arith.constant 32 : index
          %swap3A_166 = tpu.vector_load %arg17[%swap3A_164, %swap3A_165] {strides = array<i32>} : memref<128x64xf32, #tpu.memory_space<vmem>>, vector<16xf32>,
          tpu.vector_store %arg17[%swap3A_164, %swap3A_165], %mul3A_163 {strides = array<i32>} : memref<128x64xf32, #tpu.memory_space<vmem>>, vector<16xf32>,
          %get3A_167 = arith.index_cast %add3A_138 : i32 to index
          %get3A_168 = arith.constant 48 : index
          %get3A_169 = tpu.vector_load %arg13[%get3A_167, %get3A_168] {strides = array<i32>} : memref<128x64xf32, #tpu.memory_space<vmem>>, vector<16xf32>,
          %get3A_170 = arith.index_cast %add3A_138 : i32 to index
          %get3A_171 = arith.constant 48 : index
          %get3A_172 = tpu.vector_load %arg15[%get3A_170, %get3A_171] {strides = array<i32>} : memref<128x64xf32, #tpu.memory_space<vmem>>, vector<16xf32>,
          %mul3A_173 = arith.mulf %get3A_169, %get3A_172 : vector<16xf32>
          %swap3A_174 = arith.index_cast %add3A_138 : i32 to index
          %swap3A_175 = arith.constant 48 : index
          %swap3A_176 = tpu.vector_load %arg17[%swap3A_174, %swap3A_175] {strides = array<i32>} : memref<128x64xf32, #tpu.memory_space<vmem>>, vector<16xf32>,
          tpu.vector_store %arg17[%swap3A_174, %swap3A_175], %mul3A_173 {strides = array<i32>} : memref<128x64xf32, #tpu.memory_space<vmem>>, vector<16xf32>,
          %mul3A_177 = arith.constant 2 : i32
          %mul3A_178 = arith.muli %scan3A_134, %mul3A_177 : i32
          %add3A_179 = arith.constant 1 : i32
          %add3A_180 = arith.addi %mul3A_178, %add3A_179 : i32
          %get3A_181 = arith.index_cast %add3A_180 : i32 to index
          %get3A_182 = arith.constant 0 : index
          %get3A_183 = tpu.vector_load %arg13[%get3A_181, %get3A_182] {strides = array<i32>} : memref<128x64xf32, #tpu.memory_space<vmem>>, vector<16xf32>,
          %get3A_184 = arith.index_cast %add3A_180 : i32 to index
          %get3A_185 = arith.constant 0 : index
          %get3A_186 = tpu.vector_load %arg15[%get3A_184, %get3A_185] {strides = array<i32>} : memref<128x64xf32, #tpu.memory_space<vmem>>, vector<16xf32>,
          %mul3A_187 = arith.mulf %get3A_183, %get3A_186 : vector<16xf32>
          %swap3A_188 = arith.index_cast %add3A_180 : i32 to index
          %swap3A_189 = arith.constant 0 : index
          %swap3A_190 = tpu.vector_load %arg17[%swap3A_188, %swap3A_189] {strides = array<i32>} : memref<128x64xf32, #tpu.memory_space<vmem>>, vector<16xf32>,
          tpu.vector_store %arg17[%swap3A_188, %swap3A_189], %mul3A_187 {strides = array<i32>} : memref<128x64xf32, #tpu.memory_space<vmem>>, vector<16xf32>,
          %get3A_191 = arith.index_cast %add3A_180 : i32 to index
          %get3A_192 = arith.constant 16 : index
          %get3A_193 = tpu.vector_load %arg13[%get3A_191, %get3A_192] {strides = array<i32>} : memref<128x64xf32, #tpu.memory_space<vmem>>, vector<16xf32>,
          %get3A_194 = arith.index_cast %add3A_180 : i32 to index
          %get3A_195 = arith.constant 16 : index
          %get3A_196 = tpu.vector_load %arg15[%get3A_194, %get3A_195] {strides = array<i32>} : memref<128x64xf32, #tpu.memory_space<vmem>>, vector<16xf32>,
          %mul3A_197 = arith.mulf %get3A_193, %get3A_196 : vector<16xf32>
          %swap3A_198 = arith.index_cast %add3A_180 : i32 to index
          %swap3A_199 = arith.constant 16 : index
          %swap3A_200 = tpu.vector_load %arg17[%swap3A_198, %swap3A_199] {strides = array<i32>} : memref<128x64xf32, #tpu.memory_space<vmem>>, vector<16xf32>,
          tpu.vector_store %arg17[%swap3A_198, %swap3A_199], %mul3A_197 {strides = array<i32>} : memref<128x64xf32, #tpu.memory_space<vmem>>, vector<16xf32>,
          %get3A_201 = arith.index_cast %add3A_180 : i32 to index
          %get3A_202 = arith.constant 32 : index
          %get3A_203 = tpu.vector_load %arg13[%get3A_201, %get3A_202] {strides = array<i32>} : memref<128x64xf32, #tpu.memory_space<vmem>>, vector<16xf32>,
          %get3A_204 = arith.index_cast %add3A_180 : i32 to index
          %get3A_205 = arith.constant 32 : index
          %get3A_206 = tpu.vector_load %arg15[%get3A_204, %get3A_205] {strides = array<i32>} : memref<128x64xf32, #tpu.memory_space<vmem>>, vector<16xf32>,
          %mul3A_207 = arith.mulf %get3A_203, %get3A_206 : vector<16xf32>
          %swap3A_208 = arith.index_cast %add3A_180 : i32 to index
          %swap3A_209 = arith.constant 32 : index
          %swap3A_210 = tpu.vector_load %arg17[%swap3A_208, %swap3A_209] {strides = array<i32>} : memref<128x64xf32, #tpu.memory_space<vmem>>, vector<16xf32>,
          tpu.vector_store %arg17[%swap3A_208, %swap3A_209], %mul3A_207 {strides = array<i32>} : memref<128x64xf32, #tpu.memory_space<vmem>>, vector<16xf32>,
          %get3A_211 = arith.index_cast %add3A_180 : i32 to index
          %get3A_212 = arith.constant 48 : index
          %get3A_213 = tpu.vector_load %arg13[%get3A_211, %get3A_212] {strides = array<i32>} : memref<128x64xf32, #tpu.memory_space<vmem>>, vector<16xf32>,
          %get3A_214 = arith.index_cast %add3A_180 : i32 to index
          %get3A_215 = arith.constant 48 : index
          %get3A_216 = tpu.vector_load %arg15[%get3A_214, %get3A_215] {strides = array<i32>} : memref<128x64xf32, #tpu.memory_space<vmem>>, vector<16xf32>,
          %mul3A_217 = arith.mulf %get3A_213, %get3A_216 : vector<16xf32>
          %swap3A_218 = arith.index_cast %add3A_180 : i32 to index
          %swap3A_219 = arith.constant 48 : index
          %swap3A_220 = tpu.vector_load %arg17[%swap3A_218, %swap3A_219] {strides = array<i32>} : memref<128x64xf32, #tpu.memory_space<vmem>>, vector<16xf32>,
          tpu.vector_store %arg17[%swap3A_218, %swap3A_219], %mul3A_217 {strides = array<i32>} : memref<128x64xf32, #tpu.memory_space<vmem>>, vector<16xf32>,
        }
        %scan3A_122 = arith.constant 64 : i32
        %lt3A_123 = arith.constant 79 : i32
        %lt3A_124 = arith.cmpi slt, %scan3A_57, %lt3A_123 : i32
        %convert_element_type3A_125 = arith.extui %lt3A_124 : i1 to i32
        %cond3A_126 = arith.constant 0 : i32
        %cond3A_127 = arith.cmpi ne, %convert_element_type3A_125, %cond3A_126 : i32
        scf.if %cond3A_127 {
          %add3A_134 = arith.constant 2 : i32
          %add3A_135 = arith.addi %add3A_98, %add3A_134 : i32
          %dma_start3A_136 = arith.constant 0 : i32
          %dma_start3A_137 = tpu.memref_slice %arg10[%add3A_135, %dma_start3A_136] : memref<160x128xi32, #tpu.memory_space<vmem>> -> memref<1x128xi32, #tpu.memory_space<vmem>>
          %dma_start3A_138 = tpu.memref_squeeze %dma_start3A_137 : memref<1x128xi32, #tpu.memory_space<vmem>> -> memref<128xi32, #tpu.memory_space<vmem>>
          %dma_start3A_139 = arith.constant 0 : i32
          %dma_start3A_140 = arith.constant 0 : i32
          %dma_start3A_141 = tpu.memref_slice %arg3[%dma_start3A_139, %dma_start3A_140] : memref<10240x64xf32, #tpu.memory_space<hbm>> -> memref<10240x64xf32, #tpu.memory_space<hbm>>
          tpu.enqueue_indirect_dma source(%dma_start3A_141 : memref<10240x64xf32, #tpu.memory_space<hbm>>) target(%arg13 : memref<128x64xf32, #tpu.memory_space<vmem>>) offsets(%dma_start3A_138 : memref<128xi32, #tpu.memory_space<vmem>>) semaphore(%arg19 : memref<!tpu.dma_semaphore, #tpu.memory_space<semaphore_mem>>)
          %add3A_142 = arith.constant 2 : i32
          %add3A_143 = arith.addi %add3A_98, %add3A_142 : i32
          %mul3A_144 = arith.constant 20480 : i32
          %mul3A_145 = arith.muli %arg1, %mul3A_144 : i32
          %mul3A_146 = arith.constant 128 : i32
          %mul3A_147 = arith.muli %add3A_143, %mul3A_146 : i32
          %add3A_148 = arith.addi %mul3A_145, %mul3A_147 : i32
          %dma_start3A_149 = tpu.memref_slice %arg4[%add3A_148, %mul3A_0] : memref<327680x128xf32, #tpu.memory_space<hbm>> -> memref<128x64xf32, #tpu.memory_space<hbm>>
          %dma_start3A_150 = tpu.memref_slice %arg4[%add3A_148, %mul3A_0] : memref<327680x128xf32, #tpu.memory_space<hbm>> -> memref<128x64xf32, #tpu.memory_space<hbm>>
          tpu.enqueue_dma source(%dma_start3A_150 : memref<128x64xf32, #tpu.memory_space<hbm>>) target(%arg15 : memref<128x64xf32, #tpu.memory_space<vmem>>) target_semaphore(%arg21 : memref<!tpu.dma_semaphore, #tpu.memory_space<semaphore_mem>>)
        } else {
        }
        %dma_start3A_128 = arith.constant 0 : i32
        %dma_start3A_129 = tpu.memref_slice %arg11[%add3A_98, %dma_start3A_128] : memref<160x128xi32, #tpu.memory_space<vmem>> -> memref<1x128xi32, #tpu.memory_space<vmem>>
        %dma_start3A_130 = tpu.memref_squeeze %dma_start3A_129 : memref<1x128xi32, #tpu.memory_space<vmem>> -> memref<128xi32, #tpu.memory_space<vmem>>
        %dma_start3A_131 = arith.constant 0 : i32
        %dma_start3A_132 = arith.constant 0 : i32
        %dma_start3A_133 = tpu.memref_slice %arg24[%dma_start3A_131, %dma_start3A_132] : memref<10240x64xf32, #tpu.memory_space<vmem_shared>> -> memref<10240x64xf32, #tpu.memory_space<vmem_shared>>
        tpu.enqueue_indirect_dma source(%arg17 : memref<128x64xf32, #tpu.memory_space<vmem>>) target(%dma_start3A_133 : memref<10240x64xf32, #tpu.memory_space<vmem_shared>>) offsets(%dma_start3A_130 : memref<128xi32, #tpu.memory_space<vmem>>) semaphore(%arg23 : memref<!tpu.dma_semaphore, #tpu.memory_space<semaphore_mem>>) {add = true}
      }
      %scan3A_42 = arith.constant 80 : i32
      %dma_wait3A = arith.constant 158 : i32
      %dma_wait3A_43 = arith.constant 0 : i32
      %dma_wait3A_44 = tpu.memref_slice %arg11[%dma_wait3A, %dma_wait3A_43] : memref<160x128xi32, #tpu.memory_space<vmem>> -> memref<1x128xi32, #tpu.memory_space<vmem>>
      %dma_wait3A_45 = tpu.memref_squeeze %dma_wait3A_44 : memref<1x128xi32, #tpu.memory_space<vmem>> -> memref<128xi32, #tpu.memory_space<vmem>>
      %dma_wait3A_46 = arith.constant 0 : i32
      %dma_wait3A_47 = arith.constant 0 : i32
      %dma_wait3A_48 = tpu.memref_slice %arg24[%dma_wait3A_46, %dma_wait3A_47] : memref<10240x64xf32, #tpu.memory_space<vmem_shared>> -> memref<10240x64xf32, #tpu.memory_space<vmem_shared>>
      tpu.wait_indirect_dma semaphore(%arg22 : memref<!tpu.dma_semaphore, #tpu.memory_space<semaphore_mem>>) src(%arg16 : memref<128x64xf32, #tpu.memory_space<vmem>>) dst(%dma_wait3A_48 : memref<10240x64xf32, #tpu.memory_space<vmem_shared>>)
      %dma_wait3A_49 = arith.constant 159 : i32
      %dma_wait3A_50 = arith.constant 0 : i32
      %dma_wait3A_51 = tpu.memref_slice %arg11[%dma_wait3A_49, %dma_wait3A_50] : memref<160x128xi32, #tpu.memory_space<vmem>> -> memref<1x128xi32, #tpu.memory_space<vmem>>
      %dma_wait3A_52 = tpu.memref_squeeze %dma_wait3A_51 : memref<1x128xi32, #tpu.memory_space<vmem>> -> memref<128xi32, #tpu.memory_space<vmem>>
      %dma_wait3A_53 = arith.constant 0 : i32
      %dma_wait3A_54 = arith.constant 0 : i32
      %dma_wait3A_55 = tpu.memref_slice %arg24[%dma_wait3A_53, %dma_wait3A_54] : memref<10240x64xf32, #tpu.memory_space<vmem_shared>> -> memref<10240x64xf32, #tpu.memory_space<vmem_shared>>
      tpu.wait_indirect_dma semaphore(%arg23 : memref<!tpu.dma_semaphore, #tpu.memory_space<semaphore_mem>>) src(%arg17 : memref<128x64xf32, #tpu.memory_space<vmem>>) dst(%dma_wait3A_55 : memref<10240x64xf32, #tpu.memory_space<vmem_shared>>)
      %barrier3A_56 = arith.constant 0 : index
      tpu.barrier barrier_id(%barrier3A_56)
      "tpu.region"() ({
        %run_scoped3A = tpu.sem_alloc : memref<!tpu.dma_semaphore, #tpu.memory_space<semaphore_mem>>
        %dma_start3A_57 = arith.constant 0 : i32
        %dma_start3A_58 = tpu.memref_slice %arg9[%mul3A_2, %dma_start3A_57] : memref<10240x64xf32, #tpu.memory_space<hbm>> -> memref<640x64xf32, #tpu.memory_space<hbm>>
        %dma_start3A_59 = arith.constant 0 : i32
        %dma_start3A_60 = tpu.memref_slice %arg24[%mul3A_2, %dma_start3A_59] : memref<10240x64xf32, #tpu.memory_space<vmem_shared>> -> memref<640x64xf32, #tpu.memory_space<vmem_shared>>
        tpu.enqueue_dma source(%dma_start3A_60 : memref<640x64xf32, #tpu.memory_space<vmem_shared>>) target(%dma_start3A_58 : memref<640x64xf32, #tpu.memory_space<hbm>>) target_semaphore(%run_scoped3A : memref<!tpu.dma_semaphore, #tpu.memory_space<semaphore_mem>>)
        %dma_wait3A_61 = arith.constant 0 : i32
        %dma_wait3A_62 = tpu.memref_slice %arg9[%mul3A_2, %dma_wait3A_61] : memref<10240x64xf32, #tpu.memory_space<hbm>> -> memref<640x64xf32, #tpu.memory_space<hbm>>
        %dma_wait3A_63 = arith.constant 0 : i32
        %dma_wait3A_64 = tpu.memref_slice %arg24[%mul3A_2, %dma_wait3A_63] : memref<10240x64xf32, #tpu.memory_space<vmem_shared>> -> memref<640x64xf32, #tpu.memory_space<vmem_shared>>
        tpu.wait_dma2 semaphore(%run_scoped3A : memref<!tpu.dma_semaphore, #tpu.memory_space<semaphore_mem>>) src(%dma_wait3A_64 : memref<640x64xf32, #tpu.memory_space<vmem_shared>>) dst(%dma_wait3A_62 : memref<640x64xf32, #tpu.memory_space<hbm>>)
        tpu.yield
      }) : () -> ()
    } else {
    }
    return
  }
}

module attributes {stable_mosaic.version = 14 : i64} {
  func.func @_h0_body(%arg0: memref<10240x1xi32, #tpu.memory_space<vmem>>, %arg1: memref<2x128xf32, #tpu.memory_space<vmem>>, %arg2: memref<10240x128xf32, #tpu.memory_space<vmem>>) attributes {dimension_semantics = [], scalar_prefetch = 0 : i64, scratch_operands = 0 : i64, tpu.core_type = #tpu.core_type<tc>} {
    %get3A = arith.constant 0 : index
    %get3A_0 = arith.constant 0 : index
    %get3A_1 = vector.load %arg0[%get3A, %get3A_0] : memref<10240x1xi32, #tpu.memory_space<vmem>>, vector<10240x1xi32>
    %eq3A = arith.constant 0 : i32
    %eq3A_2 = vector.broadcast %eq3A : i32 to vector<10240x1xi32>
    %eq3A_3 = arith.cmpi eq, %get3A_1, %eq3A_2 : vector<10240x1xi32>
    %get3A_4 = arith.constant 0 : index
    %get3A_5 = arith.constant 0 : index
    %get3A_6 = vector.load %arg1[%get3A_4, %get3A_5] : memref<2x128xf32, #tpu.memory_space<vmem>>, vector<1x128xf32>
    %get3A_7 = arith.constant 1 : index
    %get3A_8 = arith.constant 0 : index
    %get3A_9 = vector.load %arg1[%get3A_7, %get3A_8] : memref<2x128xf32, #tpu.memory_space<vmem>>, vector<1x128xf32>
    %broadcast_in_dim3A = vector.shape_cast %eq3A_3 : vector<10240x1xi1> to vector<10240x1xi1>
    %broadcast_in_dim3A_10 = vector.broadcast %broadcast_in_dim3A : vector<10240x1xi1> to vector<10240x128xi1>
    %broadcast_in_dim3A_11 = vector.shape_cast %get3A_6 : vector<1x128xf32> to vector<1x128xf32>
    %broadcast_in_dim3A_12 = vector.broadcast %broadcast_in_dim3A_11 : vector<1x128xf32> to vector<10240x128xf32>
    %broadcast_in_dim3A_13 = vector.shape_cast %get3A_9 : vector<1x128xf32> to vector<1x128xf32>
    %broadcast_in_dim3A_14 = vector.broadcast %broadcast_in_dim3A_13 : vector<1x128xf32> to vector<10240x128xf32>
    %select_n3A = arith.select %broadcast_in_dim3A_10, %broadcast_in_dim3A_12, %broadcast_in_dim3A_14 : vector<10240x128xi1>, vector<10240x128xf32>
    %swap3A = arith.constant 0 : index
    %swap3A_15 = arith.constant 0 : index
    %swap3A_16 = vector.load %arg2[%swap3A, %swap3A_15] : memref<10240x128xf32, #tpu.memory_space<vmem>>, vector<10240x128xf32>
    tpu.vector_store %arg2[%swap3A, %swap3A_15], %select_n3A {strides = array<i32>} : memref<10240x128xf32, #tpu.memory_space<vmem>>, vector<10240x128xf32>,
    return
  }
}

module attributes {stable_mosaic.version = 14 : i64} {
  func.func @_edge_filters1_body(%arg0: i32, %arg1: memref<1x1x1024xf32, #tpu.memory_space<vmem>>, %arg2: memref<16x128xf32, #tpu.memory_space<vmem>>, %arg3: memref<1024x128xf32, #tpu.memory_space<vmem>>, %arg4: memref<16x1024xf32, #tpu.memory_space<vmem>>) attributes {dimension_semantics = [#tpu.dimension_semantics<arbitrary>], iteration_bounds = array<i64: 320>, scalar_prefetch = 0 : i64, scratch_operands = 0 : i64, tpu.core_type = #tpu.core_type<tc>, window_params = [{transform_indices = @transform_0, window_bounds = array<i64: 1, 1, 1024>}, {pipeline_mode = #tpu.pipeline_mode<synchronous>, transform_indices = @transform_1, window_bounds = array<i64: 16, 128>}, {transform_indices = @transform_2, window_bounds = array<i64: 1024, 128>}, {transform_indices = @transform_3, window_bounds = array<i64: 16, 1024>}]} {
    %get3A = arith.constant 0 : index
    %get3A_0 = arith.constant 0 : index
    %get3A_1 = arith.constant 0 : index
    %get3A_2 = vector.load %arg1[%get3A, %get3A_0, %get3A_1] : memref<1x1x1024xf32, #tpu.memory_space<vmem>>, vector<1x1x1024xf32>
    %reshape3A = vector.shape_cast %get3A_2 : vector<1x1x1024xf32> to vector<1x1024xf32>
    %add3A = arith.constant 9.99999996E-13 : f32
    %add3A_3 = vector.broadcast %add3A : f32 to vector<1x1024xf32>
    %add3A_4 = arith.addf %reshape3A, %add3A_3 : vector<1x1024xf32>
    %sqrt3A = math.sqrt %add3A_4 : vector<1x1024xf32>
    %mul3A = arith.constant 1.000000e-01 : f32
    %mul3A_5 = vector.broadcast %mul3A : f32 to vector<1x1024xf32>
    %mul3A_6 = arith.mulf %sqrt3A, %mul3A_5 : vector<1x1024xf32>
    %jit3A = arith.constant 0.000000e+00 : f32
    %jit3A_7 = arith.constant 1.000000e+00 : f32
    %max3A = vector.broadcast %jit3A : f32 to vector<1x1024xf32>
    %max3A_8 = arith.maximumf %max3A, %mul3A_6 : vector<1x1024xf32>
    %min3A = vector.broadcast %jit3A_7 : f32 to vector<1x1024xf32>
    %min3A_9 = arith.minimumf %min3A, %max3A_8 : vector<1x1024xf32>
    %mul3A_10 = arith.constant 3.14159274 : f32
    %mul3A_11 = vector.broadcast %mul3A_10 : f32 to vector<1x1024xf32>
    %mul3A_12 = arith.mulf %mul3A_11, %min3A_9 : vector<1x1024xf32>
    %cos3A = math.cos %mul3A_12 : vector<1x1024xf32>
    %add3A_13 = arith.constant 1.000000e+00 : f32
    %add3A_14 = vector.broadcast %add3A_13 : f32 to vector<1x1024xf32>
    %add3A_15 = arith.addf %cos3A, %add3A_14 : vector<1x1024xf32>
    %mul3A_16 = arith.constant 5.000000e-01 : f32
    %mul3A_17 = vector.broadcast %mul3A_16 : f32 to vector<1x1024xf32>
    %mul3A_18 = arith.mulf %mul3A_17, %add3A_15 : vector<1x1024xf32>
    %mul3A_19 = arith.constant 1024 : i32
    %mul3A_20 = arith.muli %arg0, %mul3A_19 : i32
    %iota3A = tpu.iota {dimensions = array<i32: 1>} : vector<1x1024xi32>
    %add3A_21 = vector.broadcast %mul3A_20 : i32 to vector<1x1024xi32>
    %add3A_22 = arith.addi %add3A_21, %iota3A : vector<1x1024xi32>
    %lt3A = arith.constant 320000 : i32
    %lt3A_23 = vector.broadcast %lt3A : i32 to vector<1x1024xi32>
    %lt3A_24 = arith.cmpi slt, %add3A_22, %lt3A_23 : vector<1x1024xi32>
    %jit3A_25 = arith.constant 0.000000e+00 : f32
    %broadcast_in_dim3A = vector.broadcast %jit3A_25 : f32 to vector<1x1024xf32>
    %select_n3A = arith.select %lt3A_24, %mul3A_18, %broadcast_in_dim3A : vector<1x1024xi1>, vector<1x1024xf32>
    %sub3A = arith.constant 0.000000e+00 : f32
    %sub3A_26 = vector.broadcast %sub3A : f32 to vector<1x1024xf32>
    %sub3A_27 = arith.subf %sqrt3A, %sub3A_26 : vector<1x1024xf32>
    %sub3A_28 = arith.constant 0.000000e+00 : f32
    %sub3A_29 = vector.broadcast %sub3A_28 : f32 to vector<1x1024xf32>
    %sub3A_30 = arith.subf %sqrt3A, %sub3A_29 : vector<1x1024xf32>
    %mul3A_31 = arith.mulf %sub3A_27, %sub3A_30 : vector<1x1024xf32>
    %mul3A_32 = arith.constant -2.000000e+00 : f32
    %mul3A_33 = vector.broadcast %mul3A_32 : f32 to vector<1x1024xf32>
    %mul3A_34 = arith.mulf %mul3A_31, %mul3A_33 : vector<1x1024xf32>
    %exp3A = math.exp %mul3A_34 : vector<1x1024xf32>
    %mul3A_35 = arith.mulf %exp3A, %select_n3A : vector<1x1024xf32>
    %sub3A_36 = arith.constant 0.666666686 : f32
    %sub3A_37 = vector.broadcast %sub3A_36 : f32 to vector<1x1024xf32>
    %sub3A_38 = arith.subf %sqrt3A, %sub3A_37 : vector<1x1024xf32>
    %sub3A_39 = arith.constant 0.666666686 : f32
    %sub3A_40 = vector.broadcast %sub3A_39 : f32 to vector<1x1024xf32>
    %sub3A_41 = arith.subf %sqrt3A, %sub3A_40 : vector<1x1024xf32>
    %mul3A_42 = arith.mulf %sub3A_38, %sub3A_41 : vector<1x1024xf32>
    %mul3A_43 = arith.constant -2.000000e+00 : f32
    %mul3A_44 = vector.broadcast %mul3A_43 : f32 to vector<1x1024xf32>
    %mul3A_45 = arith.mulf %mul3A_42, %mul3A_44 : vector<1x1024xf32>
    %exp3A_46 = math.exp %mul3A_45 : vector<1x1024xf32>
    %mul3A_47 = arith.mulf %exp3A_46, %select_n3A : vector<1x1024xf32>
    %sub3A_48 = arith.constant 1.33333337 : f32
    %sub3A_49 = vector.broadcast %sub3A_48 : f32 to vector<1x1024xf32>
    %sub3A_50 = arith.subf %sqrt3A, %sub3A_49 : vector<1x1024xf32>
    %sub3A_51 = arith.constant 1.33333337 : f32
    %sub3A_52 = vector.broadcast %sub3A_51 : f32 to vector<1x1024xf32>
    %sub3A_53 = arith.subf %sqrt3A, %sub3A_52 : vector<1x1024xf32>
    %mul3A_54 = arith.mulf %sub3A_50, %sub3A_53 : vector<1x1024xf32>
    %mul3A_55 = arith.constant -2.000000e+00 : f32
    %mul3A_56 = vector.broadcast %mul3A_55 : f32 to vector<1x1024xf32>
    %mul3A_57 = arith.mulf %mul3A_54, %mul3A_56 : vector<1x1024xf32>
    %exp3A_58 = math.exp %mul3A_57 : vector<1x1024xf32>
    %mul3A_59 = arith.mulf %exp3A_58, %select_n3A : vector<1x1024xf32>
    %sub3A_60 = arith.constant 2.000000e+00 : f32
    %sub3A_61 = vector.broadcast %sub3A_60 : f32 to vector<1x1024xf32>
    %sub3A_62 = arith.subf %sqrt3A, %sub3A_61 : vector<1x1024xf32>
    %sub3A_63 = arith.constant 2.000000e+00 : f32
    %sub3A_64 = vector.broadcast %sub3A_63 : f32 to vector<1x1024xf32>
    %sub3A_65 = arith.subf %sqrt3A, %sub3A_64 : vector<1x1024xf32>
    %mul3A_66 = arith.mulf %sub3A_62, %sub3A_65 : vector<1x1024xf32>
    %mul3A_67 = arith.constant -2.000000e+00 : f32
    %mul3A_68 = vector.broadcast %mul3A_67 : f32 to vector<1x1024xf32>
    %mul3A_69 = arith.mulf %mul3A_66, %mul3A_68 : vector<1x1024xf32>
    %exp3A_70 = math.exp %mul3A_69 : vector<1x1024xf32>
    %mul3A_71 = arith.mulf %exp3A_70, %select_n3A : vector<1x1024xf32>
    %sub3A_72 = arith.constant 2.66666675 : f32
    %sub3A_73 = vector.broadcast %sub3A_72 : f32 to vector<1x1024xf32>
    %sub3A_74 = arith.subf %sqrt3A, %sub3A_73 : vector<1x1024xf32>
    %sub3A_75 = arith.constant 2.66666675 : f32
    %sub3A_76 = vector.broadcast %sub3A_75 : f32 to vector<1x1024xf32>
    %sub3A_77 = arith.subf %sqrt3A, %sub3A_76 : vector<1x1024xf32>
    %mul3A_78 = arith.mulf %sub3A_74, %sub3A_77 : vector<1x1024xf32>
    %mul3A_79 = arith.constant -2.000000e+00 : f32
    %mul3A_80 = vector.broadcast %mul3A_79 : f32 to vector<1x1024xf32>
    %mul3A_81 = arith.mulf %mul3A_78, %mul3A_80 : vector<1x1024xf32>
    %exp3A_82 = math.exp %mul3A_81 : vector<1x1024xf32>
    %mul3A_83 = arith.mulf %exp3A_82, %select_n3A : vector<1x1024xf32>
    %sub3A_84 = arith.constant 3.33333325 : f32
    %sub3A_85 = vector.broadcast %sub3A_84 : f32 to vector<1x1024xf32>
    %sub3A_86 = arith.subf %sqrt3A, %sub3A_85 : vector<1x1024xf32>
    %sub3A_87 = arith.constant 3.33333325 : f32
    %sub3A_88 = vector.broadcast %sub3A_87 : f32 to vector<1x1024xf32>
    %sub3A_89 = arith.subf %sqrt3A, %sub3A_88 : vector<1x1024xf32>
    %mul3A_90 = arith.mulf %sub3A_86, %sub3A_89 : vector<1x1024xf32>
    %mul3A_91 = arith.constant -2.000000e+00 : f32
    %mul3A_92 = vector.broadcast %mul3A_91 : f32 to vector<1x1024xf32>
    %mul3A_93 = arith.mulf %mul3A_90, %mul3A_92 : vector<1x1024xf32>
    %exp3A_94 = math.exp %mul3A_93 : vector<1x1024xf32>
    %mul3A_95 = arith.mulf %exp3A_94, %select_n3A : vector<1x1024xf32>
    %sub3A_96 = arith.constant 4.000000e+00 : f32
    %sub3A_97 = vector.broadcast %sub3A_96 : f32 to vector<1x1024xf32>
    %sub3A_98 = arith.subf %sqrt3A, %sub3A_97 : vector<1x1024xf32>
    %sub3A_99 = arith.constant 4.000000e+00 : f32
    %sub3A_100 = vector.broadcast %sub3A_99 : f32 to vector<1x1024xf32>
    %sub3A_101 = arith.subf %sqrt3A, %sub3A_100 : vector<1x1024xf32>
    %mul3A_102 = arith.mulf %sub3A_98, %sub3A_101 : vector<1x1024xf32>
    %mul3A_103 = arith.constant -2.000000e+00 : f32
    %mul3A_104 = vector.broadcast %mul3A_103 : f32 to vector<1x1024xf32>
    %mul3A_105 = arith.mulf %mul3A_102, %mul3A_104 : vector<1x1024xf32>
    %exp3A_106 = math.exp %mul3A_105 : vector<1x1024xf32>
    %mul3A_107 = arith.mulf %exp3A_106, %select_n3A : vector<1x1024xf32>
    %sub3A_108 = arith.constant 4.66666651 : f32
    %sub3A_109 = vector.broadcast %sub3A_108 : f32 to vector<1x1024xf32>
    %sub3A_110 = arith.subf %sqrt3A, %sub3A_109 : vector<1x1024xf32>
    %sub3A_111 = arith.constant 4.66666651 : f32
    %sub3A_112 = vector.broadcast %sub3A_111 : f32 to vector<1x1024xf32>
    %sub3A_113 = arith.subf %sqrt3A, %sub3A_112 : vector<1x1024xf32>
    %mul3A_114 = arith.mulf %sub3A_110, %sub3A_113 : vector<1x1024xf32>
    %mul3A_115 = arith.constant -2.000000e+00 : f32
    %mul3A_116 = vector.broadcast %mul3A_115 : f32 to vector<1x1024xf32>
    %mul3A_117 = arith.mulf %mul3A_114, %mul3A_116 : vector<1x1024xf32>
    %exp3A_118 = math.exp %mul3A_117 : vector<1x1024xf32>
    %mul3A_119 = arith.mulf %exp3A_118, %select_n3A : vector<1x1024xf32>
    %sub3A_120 = arith.constant 5.33333349 : f32
    %sub3A_121 = vector.broadcast %sub3A_120 : f32 to vector<1x1024xf32>
    %sub3A_122 = arith.subf %sqrt3A, %sub3A_121 : vector<1x1024xf32>
    %sub3A_123 = arith.constant 5.33333349 : f32
    %sub3A_124 = vector.broadcast %sub3A_123 : f32 to vector<1x1024xf32>
    %sub3A_125 = arith.subf %sqrt3A, %sub3A_124 : vector<1x1024xf32>
    %mul3A_126 = arith.mulf %sub3A_122, %sub3A_125 : vector<1x1024xf32>
    %mul3A_127 = arith.constant -2.000000e+00 : f32
    %mul3A_128 = vector.broadcast %mul3A_127 : f32 to vector<1x1024xf32>
    %mul3A_129 = arith.mulf %mul3A_126, %mul3A_128 : vector<1x1024xf32>
    %exp3A_130 = math.exp %mul3A_129 : vector<1x1024xf32>
    %mul3A_131 = arith.mulf %exp3A_130, %select_n3A : vector<1x1024xf32>
    %sub3A_132 = arith.constant 6.000000e+00 : f32
    %sub3A_133 = vector.broadcast %sub3A_132 : f32 to vector<1x1024xf32>
    %sub3A_134 = arith.subf %sqrt3A, %sub3A_133 : vector<1x1024xf32>
    %sub3A_135 = arith.constant 6.000000e+00 : f32
    %sub3A_136 = vector.broadcast %sub3A_135 : f32 to vector<1x1024xf32>
    %sub3A_137 = arith.subf %sqrt3A, %sub3A_136 : vector<1x1024xf32>
    %mul3A_138 = arith.mulf %sub3A_134, %sub3A_137 : vector<1x1024xf32>
    %mul3A_139 = arith.constant -2.000000e+00 : f32
    %mul3A_140 = vector.broadcast %mul3A_139 : f32 to vector<1x1024xf32>
    %mul3A_141 = arith.mulf %mul3A_138, %mul3A_140 : vector<1x1024xf32>
    %exp3A_142 = math.exp %mul3A_141 : vector<1x1024xf32>
    %mul3A_143 = arith.mulf %exp3A_142, %select_n3A : vector<1x1024xf32>
    %sub3A_144 = arith.constant 6.66666651 : f32
    %sub3A_145 = vector.broadcast %sub3A_144 : f32 to vector<1x1024xf32>
    %sub3A_146 = arith.subf %sqrt3A, %sub3A_145 : vector<1x1024xf32>
    %sub3A_147 = arith.constant 6.66666651 : f32
    %sub3A_148 = vector.broadcast %sub3A_147 : f32 to vector<1x1024xf32>
    %sub3A_149 = arith.subf %sqrt3A, %sub3A_148 : vector<1x1024xf32>
    %mul3A_150 = arith.mulf %sub3A_146, %sub3A_149 : vector<1x1024xf32>
    %mul3A_151 = arith.constant -2.000000e+00 : f32
    %mul3A_152 = vector.broadcast %mul3A_151 : f32 to vector<1x1024xf32>
    %mul3A_153 = arith.mulf %mul3A_150, %mul3A_152 : vector<1x1024xf32>
    %exp3A_154 = math.exp %mul3A_153 : vector<1x1024xf32>
    %mul3A_155 = arith.mulf %exp3A_154, %select_n3A : vector<1x1024xf32>
    %sub3A_156 = arith.constant 7.33333349 : f32
    %sub3A_157 = vector.broadcast %sub3A_156 : f32 to vector<1x1024xf32>
    %sub3A_158 = arith.subf %sqrt3A, %sub3A_157 : vector<1x1024xf32>
    %sub3A_159 = arith.constant 7.33333349 : f32
    %sub3A_160 = vector.broadcast %sub3A_159 : f32 to vector<1x1024xf32>
    %sub3A_161 = arith.subf %sqrt3A, %sub3A_160 : vector<1x1024xf32>
    %mul3A_162 = arith.mulf %sub3A_158, %sub3A_161 : vector<1x1024xf32>
    %mul3A_163 = arith.constant -2.000000e+00 : f32
    %mul3A_164 = vector.broadcast %mul3A_163 : f32 to vector<1x1024xf32>
    %mul3A_165 = arith.mulf %mul3A_162, %mul3A_164 : vector<1x1024xf32>
    %exp3A_166 = math.exp %mul3A_165 : vector<1x1024xf32>
    %mul3A_167 = arith.mulf %exp3A_166, %select_n3A : vector<1x1024xf32>
    %sub3A_168 = arith.constant 8.000000e+00 : f32
    %sub3A_169 = vector.broadcast %sub3A_168 : f32 to vector<1x1024xf32>
    %sub3A_170 = arith.subf %sqrt3A, %sub3A_169 : vector<1x1024xf32>
    %sub3A_171 = arith.constant 8.000000e+00 : f32
    %sub3A_172 = vector.broadcast %sub3A_171 : f32 to vector<1x1024xf32>
    %sub3A_173 = arith.subf %sqrt3A, %sub3A_172 : vector<1x1024xf32>
    %mul3A_174 = arith.mulf %sub3A_170, %sub3A_173 : vector<1x1024xf32>
    %mul3A_175 = arith.constant -2.000000e+00 : f32
    %mul3A_176 = vector.broadcast %mul3A_175 : f32 to vector<1x1024xf32>
    %mul3A_177 = arith.mulf %mul3A_174, %mul3A_176 : vector<1x1024xf32>
    %exp3A_178 = math.exp %mul3A_177 : vector<1x1024xf32>
    %mul3A_179 = arith.mulf %exp3A_178, %select_n3A : vector<1x1024xf32>
    %sub3A_180 = arith.constant 8.66666698 : f32
    %sub3A_181 = vector.broadcast %sub3A_180 : f32 to vector<1x1024xf32>
    %sub3A_182 = arith.subf %sqrt3A, %sub3A_181 : vector<1x1024xf32>
    %sub3A_183 = arith.constant 8.66666698 : f32
    %sub3A_184 = vector.broadcast %sub3A_183 : f32 to vector<1x1024xf32>
    %sub3A_185 = arith.subf %sqrt3A, %sub3A_184 : vector<1x1024xf32>
    %mul3A_186 = arith.mulf %sub3A_182, %sub3A_185 : vector<1x1024xf32>
    %mul3A_187 = arith.constant -2.000000e+00 : f32
    %mul3A_188 = vector.broadcast %mul3A_187 : f32 to vector<1x1024xf32>
    %mul3A_189 = arith.mulf %mul3A_186, %mul3A_188 : vector<1x1024xf32>
    %exp3A_190 = math.exp %mul3A_189 : vector<1x1024xf32>
    %mul3A_191 = arith.mulf %exp3A_190, %select_n3A : vector<1x1024xf32>
    %sub3A_192 = arith.constant 9.33333301 : f32
    %sub3A_193 = vector.broadcast %sub3A_192 : f32 to vector<1x1024xf32>
    %sub3A_194 = arith.subf %sqrt3A, %sub3A_193 : vector<1x1024xf32>
    %sub3A_195 = arith.constant 9.33333301 : f32
    %sub3A_196 = vector.broadcast %sub3A_195 : f32 to vector<1x1024xf32>
    %sub3A_197 = arith.subf %sqrt3A, %sub3A_196 : vector<1x1024xf32>
    %mul3A_198 = arith.mulf %sub3A_194, %sub3A_197 : vector<1x1024xf32>
    %mul3A_199 = arith.constant -2.000000e+00 : f32
    %mul3A_200 = vector.broadcast %mul3A_199 : f32 to vector<1x1024xf32>
    %mul3A_201 = arith.mulf %mul3A_198, %mul3A_200 : vector<1x1024xf32>
    %exp3A_202 = math.exp %mul3A_201 : vector<1x1024xf32>
    %mul3A_203 = arith.mulf %exp3A_202, %select_n3A : vector<1x1024xf32>
    %sub3A_204 = arith.constant 1.000000e+01 : f32
    %sub3A_205 = vector.broadcast %sub3A_204 : f32 to vector<1x1024xf32>
    %sub3A_206 = arith.subf %sqrt3A, %sub3A_205 : vector<1x1024xf32>
    %sub3A_207 = arith.constant 1.000000e+01 : f32
    %sub3A_208 = vector.broadcast %sub3A_207 : f32 to vector<1x1024xf32>
    %sub3A_209 = arith.subf %sqrt3A, %sub3A_208 : vector<1x1024xf32>
    %mul3A_210 = arith.mulf %sub3A_206, %sub3A_209 : vector<1x1024xf32>
    %mul3A_211 = arith.constant -2.000000e+00 : f32
    %mul3A_212 = vector.broadcast %mul3A_211 : f32 to vector<1x1024xf32>
    %mul3A_213 = arith.mulf %mul3A_210, %mul3A_212 : vector<1x1024xf32>
    %exp3A_214 = math.exp %mul3A_213 : vector<1x1024xf32>
    %mul3A_215 = arith.mulf %exp3A_214, %select_n3A : vector<1x1024xf32>
    %concatenate3A = tpu.concatenate %mul3A_35, %mul3A_47, %mul3A_59, %mul3A_71, %mul3A_83, %mul3A_95, %mul3A_107, %mul3A_119, %mul3A_131, %mul3A_143, %mul3A_155, %mul3A_167, %mul3A_179, %mul3A_191, %mul3A_203, %mul3A_215 in 0 : vector<1x1024xf32>, vector<1x1024xf32>, vector<1x1024xf32>, vector<1x1024xf32>, vector<1x1024xf32>, vector<1x1024xf32>, vector<1x1024xf32>, vector<1x1024xf32>, vector<1x1024xf32>, vector<1x1024xf32>, vector<1x1024xf32>, vector<1x1024xf32>, vector<1x1024xf32>, vector<1x1024xf32>, vector<1x1024xf32>, vector<1x1024xf32> -> vector<16x1024xf32>
    %swap3A = arith.constant 0 : index
    %swap3A_216 = arith.constant 0 : index
    %swap3A_217 = vector.load %arg4[%swap3A, %swap3A_216] : memref<16x1024xf32, #tpu.memory_space<vmem>>, vector<16x1024xf32>
    tpu.vector_store %arg4[%swap3A, %swap3A_216], %concatenate3A {strides = array<i32>} : memref<16x1024xf32, #tpu.memory_space<vmem>>, vector<16x1024xf32>,
    %get3A_218 = arith.constant 0 : index
    %get3A_219 = arith.constant 0 : index
    %get3A_220 = vector.load %arg2[%get3A_218, %get3A_219] : memref<16x128xf32, #tpu.memory_space<vmem>>, vector<16x128xf32>
    %dot_general3A = arith.constant dense<0.000000e+00> : vector<1024x128xf32>
    %dot_general3A_221 = tpu.matmul %concatenate3A, %get3A_220, %dot_general3A {dimension_numbers = #tpu.dot_dimension_numbers<[0], [0], [1], [1], [0, 1, 1, 1], [], []>, transpose_lhs_hint = false} : vector<16x1024xf32>, vector<16x128xf32>, vector<1024x128xf32> -> vector<1024x128xf32>
    %swap3A_222 = arith.constant 0 : index
    %swap3A_223 = arith.constant 0 : index
    %swap3A_224 = vector.load %arg3[%swap3A_222, %swap3A_223] : memref<1024x128xf32, #tpu.memory_space<vmem>>, vector<1024x128xf32>
    tpu.vector_store %arg3[%swap3A_222, %swap3A_223], %dot_general3A_221 {strides = array<i32>} : memref<1024x128xf32, #tpu.memory_space<vmem>>, vector<1024x128xf32>,
    return
  }
  func.func @transform_0(%arg0: i32) -> (i32, i32, i32) {
    %c0_i32 = arith.constant 0 : i32
    %c0_i32_0 = arith.constant 0 : i32
    %c0_i32_1 = arith.constant 0 : i32
    return %arg0, %c0_i32, %c0_i32_0 : i32, i32, i32
  }
  func.func @transform_1(%arg0: i32) -> (i32, i32) {
    %c0_i32 = arith.constant 0 : i32
    %c0_i32_0 = arith.constant 0 : i32
    %c0_i32_1 = arith.constant 0 : i32
    return %c0_i32, %c0_i32_0 : i32, i32
  }
  func.func @transform_2(%arg0: i32) -> (i32, i32) {
    %c0_i32 = arith.constant 0 : i32
    %c0_i32_0 = arith.constant 0 : i32
    return %arg0, %c0_i32 : i32, i32
  }
  func.func @transform_3(%arg0: i32) -> (i32, i32) {
    %c0_i32 = arith.constant 0 : i32
    %c0_i32_0 = arith.constant 0 : i32
    return %c0_i32, %arg0 : i32, i32
  }
}

module attributes {stable_mosaic.version = 14 : i64} {
  func.func @_edge_filters2_body(%arg0: i32, %arg1: memref<16x1024xf32, #tpu.memory_space<vmem>>, %arg2: memref<16x128xf32, #tpu.memory_space<vmem>>, %arg3: memref<1024x128xf32, #tpu.memory_space<vmem>>) attributes {dimension_semantics = [#tpu.dimension_semantics<arbitrary>], iteration_bounds = array<i64: 320>, scalar_prefetch = 0 : i64, scratch_operands = 0 : i64, tpu.core_type = #tpu.core_type<tc>, window_params = [{transform_indices = @transform_0, window_bounds = array<i64: 16, 1024>}, {pipeline_mode = #tpu.pipeline_mode<synchronous>, transform_indices = @transform_1, window_bounds = array<i64: 16, 128>}, {transform_indices = @transform_2, window_bounds = array<i64: 1024, 128>}]} {
    %get3A = arith.constant 0 : index
    %get3A_0 = arith.constant 0 : index
    %get3A_1 = vector.load %arg1[%get3A, %get3A_0] : memref<16x1024xf32, #tpu.memory_space<vmem>>, vector<16x1024xf32>
    %get3A_2 = arith.constant 0 : index
    %get3A_3 = arith.constant 0 : index
    %get3A_4 = vector.load %arg2[%get3A_2, %get3A_3] : memref<16x128xf32, #tpu.memory_space<vmem>>, vector<16x128xf32>
    %dot_general3A = arith.constant dense<0.000000e+00> : vector<1024x128xf32>
    %dot_general3A_5 = tpu.matmul %get3A_1, %get3A_4, %dot_general3A {dimension_numbers = #tpu.dot_dimension_numbers<[0], [0], [1], [1], [0, 1, 1, 1], [], []>, transpose_lhs_hint = false} : vector<16x1024xf32>, vector<16x128xf32>, vector<1024x128xf32> -> vector<1024x128xf32>
    %swap3A = arith.constant 0 : index
    %swap3A_6 = arith.constant 0 : index
    %swap3A_7 = vector.load %arg3[%swap3A, %swap3A_6] : memref<1024x128xf32, #tpu.memory_space<vmem>>, vector<1024x128xf32>
    tpu.vector_store %arg3[%swap3A, %swap3A_6], %dot_general3A_5 {strides = array<i32>} : memref<1024x128xf32, #tpu.memory_space<vmem>>, vector<1024x128xf32>,
    return
  }
  func.func @transform_0(%arg0: i32) -> (i32, i32) {
    %c0_i32 = arith.constant 0 : i32
    %c0_i32_0 = arith.constant 0 : i32
    return %c0_i32, %arg0 : i32, i32
  }
  func.func @transform_1(%arg0: i32) -> (i32, i32) {
    %c0_i32 = arith.constant 0 : i32
    %c0_i32_0 = arith.constant 0 : i32
    %c0_i32_1 = arith.constant 0 : i32
    return %c0_i32, %c0_i32_0 : i32, i32
  }
  func.func @transform_2(%arg0: i32) -> (i32, i32) {
    %c0_i32 = arith.constant 0 : i32
    %c0_i32_0 = arith.constant 0 : i32
    return %arg0, %c0_i32 : i32, i32
  }
}

module attributes {stable_mosaic.version = 14 : i64} {
  func.func @_node_update_body(%arg0: i32, %arg1: memref<1024x64xf32, #tpu.memory_space<vmem>>, %arg2: memref<1024x64xf32, #tpu.memory_space<vmem>>, %arg3: memref<1024x128xf32, #tpu.memory_space<vmem>>, %arg4: memref<128x128xf32, #tpu.memory_space<vmem>>, %arg5: memref<1x128xf32, #tpu.memory_space<vmem>>, %arg6: memref<1024x128xf32, #tpu.memory_space<vmem>>) attributes {dimension_semantics = [#tpu.dimension_semantics<arbitrary>], iteration_bounds = array<i64: 10>, scalar_prefetch = 0 : i64, scratch_operands = 0 : i64, tpu.core_type = #tpu.core_type<tc>, window_params = [{transform_indices = @transform_0, window_bounds = array<i64: 1024, 64>}, {transform_indices = @transform_1, window_bounds = array<i64: 1024, 64>}, {transform_indices = @transform_2, window_bounds = array<i64: 1024, 128>}, {pipeline_mode = #tpu.pipeline_mode<synchronous>, transform_indices = @transform_3, window_bounds = array<i64: 128, 128>}, {pipeline_mode = #tpu.pipeline_mode<synchronous>, transform_indices = @transform_4, window_bounds = array<i64: 1, 128>}, {transform_indices = @transform_5, window_bounds = array<i64: 1024, 128>}]} {
    %get3A = arith.constant 0 : index
    %get3A_0 = arith.constant 0 : index
    %get3A_1 = vector.load %arg1[%get3A, %get3A_0] : memref<1024x64xf32, #tpu.memory_space<vmem>>, vector<1024x64xf32>
    %get3A_2 = arith.constant 0 : index
    %get3A_3 = arith.constant 0 : index
    %get3A_4 = vector.load %arg2[%get3A_2, %get3A_3] : memref<1024x64xf32, #tpu.memory_space<vmem>>, vector<1024x64xf32>
    %concatenate3A = tpu.concatenate %get3A_1, %get3A_4 in 1 : vector<1024x64xf32>, vector<1024x64xf32> -> vector<1024x128xf32>
    %get3A_5 = arith.constant 0 : index
    %get3A_6 = arith.constant 0 : index
    %get3A_7 = vector.load %arg4[%get3A_5, %get3A_6] : memref<128x128xf32, #tpu.memory_space<vmem>>, vector<128x128xf32>
    %dot_general3A = arith.constant dense<0.000000e+00> : vector<1024x128xf32>
    %dot_general3A_8 = tpu.matmul %concatenate3A, %get3A_7, %dot_general3A {dimension_numbers = #tpu.dot_dimension_numbers<[1], [0], [0], [1], [0, 0, 1, 1], [], []>, transpose_lhs_hint = false} : vector<1024x128xf32>, vector<128x128xf32>, vector<1024x128xf32> -> vector<1024x128xf32>
    %get3A_9 = arith.constant 0 : index
    %get3A_10 = arith.constant 0 : index
    %get3A_11 = vector.load %arg5[%get3A_9, %get3A_10] : memref<1x128xf32, #tpu.memory_space<vmem>>, vector<1x128xf32>
    %add3A = vector.broadcast %get3A_11 : vector<1x128xf32> to vector<1024x128xf32>
    %add3A_12 = arith.addf %dot_general3A_8, %add3A : vector<1024x128xf32>
    %get3A_13 = arith.constant 0 : index
    %get3A_14 = arith.constant 0 : index
    %get3A_15 = vector.load %arg3[%get3A_13, %get3A_14] : memref<1024x128xf32, #tpu.memory_space<vmem>>, vector<1024x128xf32>
    %logistic3A = arith.negf %add3A_12 : vector<1024x128xf32>
    %logistic3A_16 = math.exp %logistic3A : vector<1024x128xf32>
    %logistic3A_17 = arith.constant 1.000000e+00 : f32
    %logistic3A_18 = vector.broadcast %logistic3A_17 : f32 to vector<1024x128xf32>
    %logistic3A_19 = arith.addf %logistic3A_18, %logistic3A_16 : vector<1024x128xf32>
    %logistic3A_20 = arith.divf %logistic3A_18, %logistic3A_19 : vector<1024x128xf32>
    %mul3A = arith.mulf %add3A_12, %logistic3A_20 : vector<1024x128xf32>
    %add3A_21 = arith.addf %get3A_15, %mul3A : vector<1024x128xf32>
    %swap3A = arith.constant 0 : index
    %swap3A_22 = arith.constant 0 : index
    %swap3A_23 = vector.load %arg6[%swap3A, %swap3A_22] : memref<1024x128xf32, #tpu.memory_space<vmem>>, vector<1024x128xf32>
    tpu.vector_store %arg6[%swap3A, %swap3A_22], %add3A_21 {strides = array<i32>} : memref<1024x128xf32, #tpu.memory_space<vmem>>, vector<1024x128xf32>,
    return
  }
  func.func @transform_0(%arg0: i32) -> (i32, i32) {
    %c0_i32 = arith.constant 0 : i32
    %c0_i32_0 = arith.constant 0 : i32
    return %arg0, %c0_i32 : i32, i32
  }
  func.func @transform_1(%arg0: i32) -> (i32, i32) {
    %c0_i32 = arith.constant 0 : i32
    %c0_i32_0 = arith.constant 0 : i32
    return %arg0, %c0_i32 : i32, i32
  }
  func.func @transform_2(%arg0: i32) -> (i32, i32) {
    %c0_i32 = arith.constant 0 : i32
    %c0_i32_0 = arith.constant 0 : i32
    return %arg0, %c0_i32 : i32, i32
  }
  func.func @transform_3(%arg0: i32) -> (i32, i32) {
    %c0_i32 = arith.constant 0 : i32
    %c0_i32_0 = arith.constant 0 : i32
    %c0_i32_1 = arith.constant 0 : i32
    return %c0_i32, %c0_i32_0 : i32, i32
  }
  func.func @transform_4(%arg0: i32) -> (i32, i32) {
    %c0_i32 = arith.constant 0 : i32
    %c0_i32_0 = arith.constant 0 : i32
    %c0_i32_1 = arith.constant 0 : i32
    return %c0_i32, %c0_i32_0 : i32, i32
  }
  func.func @transform_5(%arg0: i32) -> (i32, i32) {
    %c0_i32 = arith.constant 0 : i32
    %c0_i32_0 = arith.constant 0 : i32
    return %arg0, %c0_i32 : i32, i32
  }
}

</mosaic_0001>

<sc_bundles>
// kernel: kernel.10.cloned.1.call-start
scs
__scs_entry_jumppad:
0x0: {  	(pc) =	sbr.rel $0x88, $3  }
0x1: {  	(tag) =	ssettag $0x0;
	lr =	simm.s32 $0x1  }
0x2: {  	[smem:$0x3F97] =	sst lr;
	_ =	strace $0xD0000000  }
0x3: {  	_ = 	snop  }
0x4: {  	_ = 	snop  }
0x5: {  	_ = 	snop  }
0x6: {  	_ = 	snop  }
0x7: {  	_ = 	snop  }
__scs_overlays_trampoline_lowered:
0x8: {  	[smem:$0x3FA6] =	sst s0  }
0x9: {  	[smem:$0x3FA7] =	sst s1  }
0xa: {  	[smem:$0x3FA8] =	sst s2  }
0xb: {  	[smem:$0x3FA9] =	sst s3  }
0xc: {  	[smem:$0x3FAA] =	sst s4  }
0xd: {  	[smem:$0x3FAB] =	sst s5  }
0xe: {  	[smem:$0x3FAC] =	sst s6  }
0xf: {  	[smem:$0x3FAD] =	sst s7  }
0x10: {  	[smem:$0x3FAE] =	sst s8  }
0x11: {  	[smem:$0x3FAF] =	sst s9;
	s0 =	simm.s32 @!p0 $0x0  }
0x12: {  	s1 =	sld [smem:$0x3F95];
	s0 =	simm.s32 @p0 $0x1  }
0x13: {  	[smem:$0x3FB0] =	sst s0;
	s0 =	simm.s32 @!p1 $0x0  }
0x14: {  	s2 =	sld [smem:$0x3F94];
	s0 =	simm.s32 @p1 $0x1  }
0x15: {  	[smem:$0x3FB1] =	sst s0;
	s0 =	simm.s32 @!p2 $0x0  }
0x16: {  	s3 =	sld [smem:$0x3FDB];
	s0 =	simm.s32 @p2 $0x1  }
0x17: {  	s4 =	simm.s32 $0x1BF5;
	[smem:$0x3FB3] =	sst s0  }
0x18: {  	s0 =	sld [smem:$0x3F96];
	_ =	swait.ge [sflag:s4], $0x0  }
0x19: {  	s7 =	sld [smem:$0x3F97]  }
0x1a: {  	s8 =	sadd.s32 $0xFFFFE003, lr  }
0x1b: {  	s9 =	sadd.s32 $0xFFFFFEF7, lr;
	s5 =	simm.s32 $0xFFFFFFFF;
	p2 =	slt.u32 s8, $0xFFFFF086  }
0x1c: {  	p1 =	slt.u32 s9, $0xF7A;
	s5 =	simm.s32 @!p2 $0x0  }
0x1d: {  	s5 =	simm.s32 @p1 $0x1;
	p0 =	seq.s32 s7, s2  }
0x1e: {  	s7 =	smul.u32 @!p0 $0xF7A, s2;
	p2 =	seq.s32 @!p0 s5, $0x0  }
0x1f: {  	s9 =	smul.u32 $0xF7A, s1;
	s8 =	simm.s32 @!p0 $0x1BF5;
	p2 =	por !p2, p0  }
0x20: {  	[sflag:s8] =	ssyncset.s32 @!p0 $0xFFFFF086;
	s6 =	sadd.s32 @!p0 s3, s7;
	s7 =	simm.s32 @!p0 $0x108  }
0x21: {  	s3 =	sadd.s32 s3, s9;
	s6 =	sadd.s32 @!p0 $0x88, s6;
	s7 =	simm.s32 @p2 $0x1082  }
0x22: {  	[simem:s7], [sflag:s8] =	dma.local @!p0 [hbm:s6], $0xF7A  }
0x23: {  	s9 =	sor.u32 $0xD0000000, s2;
	s6 =	simm.s32 $0x108;
	_ =	swait.ge @!p0 [sflag:s8], $0x0  }
0x24: {  	s3 =	sadd.s32 $0x88, s3;
	s6 =	simm.s32 @!p1 $0x1082;
	[sflag:s4] =	ssyncset.s32 $0xFFFFF086  }
0x25: {  	[simem:s6], [sflag:s4] =	dma.local [hbm:s3], $0xF7A  }
0x26: {  	[smem:$0x3F97] =	sst s1;
	(tag) =	ssettag s2;
	_ =	strace s9  }
0x27: {  	s1 =	sld [smem:$0x3FA7]  }
0x28: {  	s2 =	sld [smem:$0x3FA8]  }
0x29: {  	s4 =	sld [smem:$0x3FAA]  }
0x2a: {  	p0 =	seq.s32 s5, $0x0;
	s5 =	sld [smem:$0x3FAB]  }
0x2b: {  	s6 =	sld [smem:$0x3FAC]  }
0x2c: {  	s7 =	sld [smem:$0x3FAD]  }
0x2d: {  	s3 =	simm.s32 $0x108;
	s8 =	sld [smem:$0x3FAE]  }
0x2e: {  	s3 =	simm.s32 @!p0 $0x1082;
	s9 =	sld [smem:$0x3FAF]  }
0x2f: {  	lr =	sadd.s32 s0, s3;
	s0 =	sld [smem:$0x3FA6]  }
0x30: {  	s3 =	sld [smem:$0x3FA9]  }
0x31: {  	[smem:$0x3FB2] =	sst s10  }
0x32: {  	s10 =	sld [smem:$0x3FB0];
	_ =	sdelay $0x3  }
0x33: {  	p0 =	seq.s32 s10, $0x1;
	s10 =	sld [smem:$0x3FB2];
	_ =	sdelay $0x3  }
0x34: {  	[smem:$0x3FB2] =	sst s10  }
0x35: {  	s10 =	sld [smem:$0x3FB1];
	_ =	sdelay $0x3  }
0x36: {  	p1 =	seq.s32 s10, $0x1;
	s10 =	sld [smem:$0x3FB2];
	_ =	sdelay $0x3  }
0x37: {  	[smem:$0x3FB2] =	sst s10  }
0x38: {  	s10 =	sld [smem:$0x3FB3]  }
0x39: {  	_ = 	snop;
	(pc) =	sbr.ind lr, $3  }
0x3a: {  	_ = 	snop  }
0x3b: {  	_ = 	snop  }
0x3c: {  	p2 =	seq.s32 s10, $0x1;
	s10 =	sld [smem:$0x3FB2]  }
0x3d: {  	_ =	shalt  }
0x3e: {  	_ =	shalt  }
0x3f: {  	_ =	shalt  }
0x40: {  	_ =	shalt  }
0x41: {  	_ =	shalt  }
0x42: {  	_ =	shalt  }
0x43: {  	_ =	shalt  }
0x44: {  	_ =	shalt  }
0x45: {  	_ =	shalt  }
0x46: {  	_ =	shalt  }
0x47: {  	_ =	shalt  }
0x48: {  	_ =	shalt  }
0x49: {  	_ =	shalt  }
0x4a: {  	_ =	shalt  }
0x4b: {  	_ =	shalt  }
0x4c: {  	_ =	shalt  }
0x4d: {  	_ =	shalt  }
0x4e: {  	_ =	shalt  }
0x4f: {  	_ =	shalt  }
0x50: {  	_ =	shalt  }
0x51: {  	_ =	shalt  }
0x52: {  	_ =	shalt  }
0x53: {  	_ =	shalt  }
0x54: {  	_ =	shalt  }
0x55: {  	_ =	shalt  }
0x56: {  	_ =	shalt  }
0x57: {  	_ =	shalt  }
0x58: {  	_ =	shalt  }
0x59: {  	_ =	shalt  }
0x5a: {  	_ =	shalt  }
0x5b: {  	_ =	shalt  }
0x5c: {  	_ =	shalt  }
0x5d: {  	_ =	shalt  }
0x5e: {  	_ =	shalt  }
0x5f: {  	_ =	shalt  }
0x60: {  	_ =	shalt  }
0x61: {  	_ =	shalt  }
0x62: {  	_ =	shalt  }
0x63: {  	_ =	shalt  }
0x64: {  	_ =	shalt  }
0x65: {  	_ =	shalt  }
0x66: {  	_ =	shalt  }
0x67: {  	_ =	shalt  }
0x68: {  	_ =	shalt  }
0x69: {  	_ =	shalt  }
0x6a: {  	_ =	shalt  }
0x6b: {  	_ =	shalt  }
0x6c: {  	_ =	shalt  }
0x6d: {  	_ =	shalt  }
0x6e: {  	_ =	shalt  }
0x6f: {  	_ =	shalt  }
0x70: {  	_ =	shalt  }
0x71: {  	_ =	shalt  }
0x72: {  	_ =	shalt  }
0x73: {  	_ =	shalt  }
0x74: {  	_ =	shalt  }
0x75: {  	_ =	shalt  }
0x76: {  	_ =	shalt  }
0x77: {  	_ =	shalt  }
0x78: {  	_ =	shalt  }
0x79: {  	_ =	shalt  }
0x7a: {  	_ =	shalt  }
0x7b: {  	_ =	shalt  }
0x7c: {  	_ =	shalt  }
0x7d: {  	_ =	shalt  }
0x7e: {  	_ =	shalt  }
0x7f: {  	_ =	shalt  }
0x80: {  	_ =	shalt  }
0x81: {  	_ =	shalt  }
0x82: {  	_ =	shalt  }
0x83: {  	_ =	shalt  }
0x84: {  	_ =	shalt  }
0x85: {  	_ =	shalt  }
0x86: {  	_ =	shalt  }
0x87: {  	_ =	shalt  }
.Lfunc_end0:
.L_simem_size_0:
called_computation_lowered:
.L_overlay_start_0:
0x88: {  	s2 =	sld [smem:$0x3FD9]  }
0x89: {  	s3 =	sld [smem:$0x3FFE];
	_ =	sdelay $0x1  }
0x8a: {  	s1 =	srdreg.scid  }
0x8b: {  	s0 =	sand.u32 $0x1, s1  }
0x8c: {  	s16 =	sshll.u32 s0, $0xA;
	s2 =	sadd.s32 s3, s2  }
0x8d: {  	s2 =	sadd.s32 s2, s16  }
0x8e: {  	[smem:$0x3FBE] =	sst s2  }
0x8f: {  	_ = 	snop  }
0x90: {  	(tm) =	ssettm $0x1  }
0x91: {  	s17 =	sld [smem:$0x3FFB];
	_ =	sdelay $0x3  }
0x92: {  	_ =	strace s17  }
0x93: {  	s2 =	sld [smem:$0x3FFC];
	_ =	sdelay $0x3  }
0x94: {  	_ =	strace s2  }
0x95: {  	s2 =	sld [smem:$0x3FFD];
	_ =	sdelay $0x3  }
0x96: {  	_ =	strace s2  }
0x97: {  	_ =	strace $0x8FFFFFFF  }
0x98: {  	s18 =	sld [smem:$0x3FDB];
	_ =	sdelay $0x1  }
0x99: {  	s19 =	simm.s32 $_scs_section_size  }
0x9a: {  	s4 =	simm.s32 $_size__tile_overlayer_lowered;
	s5 =	simm.s32 $_tile_overlayer_lowered  }
0x9b: {  	s22 =	simm.s32 $0x1BFF;
	s21 =	sshll.u32 s5, $0x1;
	s2 =	sadd.s32 s19, s18  }
0x9c: {  	s6 =	simm.s32 $0x0;
	s20 =	sshll.u32 s4, $0x1;
	s4 =	sadd.s32 s21, s2  }
0x9d: {  	[timem:s6], [sflag:s22] =	dma.local [hbm:s4], s20  }
0x9e: {  	_ =	swait.ge [sflag:s22], s20  }
0x9f: {  	s3 =	ssub.s32 $0x0, s20;
	[sflag:s22] =	ssyncset.done $0x0  }
0xa0: {  	[sflag:s22] =	ssyncadd.s32 s3;
	_ =	sdelay $0x1  }
0xa1: {  	s23 =	simm.s32 $0x1B8B  }
0xa2: {  	_ =	swait.ge [sflag:s23], $0x1  }
0xa3: {  	[sflag:s23] =	ssyncset.done $0x0  }
0xa4: {  	s25 =	simm.s32 $0x1B8E;
	s24 =	sld [smem:$0x3FFE];
	[sflag:s23] =	ssyncadd.s32 $0xFFFFFFFF  }
0xa5: {  	s26 =	simm.s32 $execute0_lowered;
	[smem:$0x3FD2] =	sst s25  }
0xa6: {  	s4 =	sshll.u32 s26, $0x1;
	_ =	strace $0x80000046;
	[dreg:$0x1] =	wrdreg $0xFFFFFFFF  }
0xa7: {  	s28 =	simm.s32 $_size_execute0_lowered;
	s2 =	sadd.s32 s2, s4;
	[dreg:$0x0] =	wrdreg $0x0  }
0xa8: {  	s4 =	sshll.u32 s28, $0x1;
	[dreg:$0x2] =	wrdreg s2  }
0xa9: {  	[dreg:$0x3] =	wrdreg s4  }
0xaa: {  	[dreg:$0x4] =	wrdreg $0xC0  }
0xab: {  	_ =	task [dreg:s6], $0x5FFFF  }
0xac: {  	[dreg:$0x1] =	wrdreg $0xFFFFFFFF  }
0xad: {  	[dreg:$0x0] =	wrdreg $0x60  }
0xae: {  	[dreg:$0x2] =	wrdreg s24  }
0xaf: {  	[dreg:$0x3] =	wrdreg $0x9  }
0xb0: {  	_ =	task.clear_ibuf [dreg:s6], $0x4FFFF;
	_ =	strace $0x90000046  }
0xb1: {  	s29 =	simm.s32 $0x9;
	_ =	strace $0x80000048  }
0xb2: {  	_ =	swait.ge [sflag:s29], $0x1  }
0xb3: {  	[sflag:s29] =	ssyncadd.s32 $0xFFFFFFFF  }
0xb4: {  	_ =	strace $0x90000048  }
0xb5: {  	_ =	sfence  }
0xb6: {  	s30 =	sld [smem:$0x0];
	_ =	sdelay $0x2  }
0xb7: {  	s31 =	sshll.u32 s1, $0xD;
	s1 =	sshrl.u32 s1, $0x2  }
0xb8: {  	s3 =	sand.u32 $0x4000, s31;
	s1 =	sadd.s32 s1, s30  }
0xb9: {  	s0 =	sor.u32 s3, s0;
	s1 =	sshll.u32 s1, $0x11  }
0xba: {  	s0 =	sor.u32 s1, s0  }
0xbb: {  	s0 =	sadd.s32 $0x8F2B, s0  }
0xbc: {  	[sflag:s0] =	ssyncadd.remote.s32 $0x1  }
0xbd: {  	_ =	sfence.sel $0xFFFF  }
0xbe: {  	[dreg:$0x0] =	wrdreg $0xFFFFFFFF;
	(pc) =	sbr.abs _section_cstart, $3  }
0xbf: {  	[dreg:$0x1] =	wrdreg $0xFFFFFFFF  }
0xc0: {  	_ =	task.clear_ibuf [dreg:s6], $0x2FFFF;
	_ =	strace $0x9FFFFFFF  }
0xc1: {  	(tm) =	ssettm $0x7FFFFFFF  }
tec
execute0_lowered:
.L_overlay_start_1:
0x0: {  	(tag) =	ssettag $0x1  }
0x1: {  	s0 =	srdreg.scid  }
0x2: {  	s4 =	rddreg [dreg:$0x0];
	s1 =	stileid.u32;
	s3 =	sand.u32 $0x1, s0  }
0x3: {  	s2 =	simm.s32 $0x0;
	s9 =	simm.s32 $0x7530;
	s5 =	sshll.u32 s3, $0x4  }
0x4: {  	s10 =	simm.s32 $0x9D30;
	s11 =	simm.s32 $0xC530;
	s5 =	sor.u32 s1, s5  }
0x5: {  	s0 =	rddreg [dreg:$0x1];
	s6 =	ssub.s32 $0x2, s3;
	s5 =	smul.u32 $0x500, s5  }
0x6: {  	s12 =	simm.s32 $0x0;
	[smem:$0x7FF] =	sst s2;
	s7 =	sshrl.u32 s6, $0x1  }
0x7: {  	_ =	strace $0x80000047;
	s7 =	ssub.s32 s6, s7;
	s8 =	sadd.s32 s5, s4  }
0x8: {  	s3 =	sadd.s32 $0x4000, s4;
	s7 =	smax.u32 s7, $0x1;
	s4 =	sadd.s32 $0xF000, s8  }
0x9: {  	s5 =	sadd.s32 $0x5000, s8;
	s6 =	sadd.s32 $0x19000, s8;
	s8 =	simm.s32 $0x1  }
.LBB2_1:
0xa: {  	[tilespmem:s2], [sflag:$0x1] =	stream.linear.gather [hbm4b:s3+s2], $0x7530, $0x38;
	[tilespmem:$0xED30] =	vst v63  }
0xb: {  	_ =	swait.ge [sflag:s8], $0x7530  }
0xc: {  	[sflag:s8] =	ssyncset.done $0x0  }
0xd: {  	[sflag:s8] =	ssyncadd.s32 $0xFFFF8AD0  }
0xe: {  	[tilespmem:s9], [sflag:$0x1] =	stream.linear.gather [hbm4b:s4+s2], $0x2800, $0x38;
	[tilespmem:$0xED30] =	vst v63  }
0xf: {  	_ =	swait.ge [sflag:s8], $0x2800  }
0x10: {  	[sflag:s8] =	ssyncset.done $0x0  }
0x11: {  	[sflag:s8] =	ssyncadd.s32 $0xFFFFD800  }
0x12: {  	[tilespmem:s10], [sflag:$0x1] =	stream.linear.gather [hbm4b:s5+s2], $0x2800, $0x38;
	[tilespmem:$0xED30] =	vst v63  }
0x13: {  	_ =	swait.ge [sflag:s8], $0x2800  }
0x14: {  	[sflag:s8] =	ssyncset.done $0x0  }
0x15: {  	s13 =	simm.s32 $0x0;
	[sflag:s8] =	ssyncadd.s32 $0xFFFFD800  }
0x16: {  	v0 =	vld [tilespmem:s13+$0x7530]  }
0x17: {  	v1 =	vld [tilespmem:s13+$0x9D30];
	_ =	sdelay $0x4  }
0x18: {  	v2 =	vadd.s32 $0x2710, v0  }
0x19: {  	v3 =	vadd.s32 $0x2710, v1  }
0x1a: {  	v4 =	vadd.s32 $0x4E20, v0  }
0x1b: {  	v5 =	vld.idx.msk [tilespmem:v1+s2+$0x0], $0xffff;
	v1 =	vadd.s32 $0x4E20, v1  }
0x1c: {  	v6 =	vld.idx.msk [tilespmem:v0+s2+$0x0], $0xffff  }
0x1d: {  	v7 =	vld.idx.msk [tilespmem:v2+s2+$0x0], $0xffff  }
0x1e: {  	v8 =	vld.idx.msk [tilespmem:v3+s2+$0x0], $0xffff  }
0x1f: {  	v2 =	vld.idx.msk [tilespmem:v4+s2+$0x0], $0xffff  }
0x20: {  	v3 =	vld.idx.msk [tilespmem:v1+s2+$0x0], $0xffff;
	_ =	sdelay $0x1  }
0x21: {  	s14 =	simm.s32 $0x10  }
0x22: {  	v0 =	vld [tilespmem:s14+$0x7530];
	v4 =	vsub.f32 v6, v5;
	v5 =	vsub.f32 v7, v8  }
0x23: {  	s15 =	simm.s32 $0x80;
	v1 =	vld [tilespmem:s14+$0x9D30]  }
.LBB2_2:
0x24: {  	p0 =	sne.s32 s15, $0x9FC0;
	v2 =	vsub.f32 v2, v3;
	v3 =	vmul.f32 v4, v4;
	v4 =	vmul.f32 v5, v5;
	_ =	sdelay $0x1  }
0x25: {  	v3 =	vadd.f32 v4, v3;
	v2 =	vmul.f32 v2, v2;
	_ =	sdelay $0x1  }
0x26: {  	v4 =	vadd.s32 $0x2710, v0;
	v2 =	vadd.f32 v2, v3  }
0x27: {  	v3 =	vadd.s32 $0x2710, v1  }
0x28: {  	v5 =	vadd.s32 $0x4E20, v0;
	[tilespmem:s13+$0xC530] =	vst v2;
	s13 =	smov.u32 s14  }
0x29: {  	v6 =	vld.idx.msk [tilespmem:v1+s2+$0x0], $0xffff;
	v1 =	vadd.s32 $0x4E20, v1  }
0x2a: {  	v7 =	vld.idx.msk [tilespmem:v0+s2+$0x0], $0xffff  }
0x2b: {  	v8 =	vld.idx.msk [tilespmem:v4+s2+$0x0], $0xffff  }
0x2c: {  	v9 =	vld.idx.msk [tilespmem:v3+s2+$0x0], $0xffff  }
0x2d: {  	v2 =	vld.idx.msk [tilespmem:v5+s2+$0x0], $0xffff  }
0x2e: {  	v3 =	vld.idx.msk [tilespmem:v1+s2+$0x0], $0xffff  }
.Ltmp0:
0x2f: {  	(pc) =	sbr.rel @p0 .LBB2_2-.Ltmp0, $4  }
0x30: {  	_ = 	snop  }
0x31: {  	s14 =	sshra.s32 s15, $0x2  }
0x32: {  	v4 =	vsub.f32 v7, v6;
	v5 =	vsub.f32 v8, v9;
	v0 =	vld [tilespmem:s14+$0x7530]  }
0x33: {  	s15 =	sadd.s32 $0x40, s15;
	v1 =	vld [tilespmem:s14+$0x9D30]  }
0x34: {  	_ = 	snop  }
0x35: {  	v2 =	vsub.f32 v2, v3;
	v56 =	vmul.f32 v4, v4;
	v57 =	vmul.f32 v5, v5;
	_ =	sdelay $0x1  }
0x36: {  	v3 =	vadd.f32 v57, v56;
	v2 =	vmul.f32 v2, v2;
	_ =	sdelay $0x1  }
0x37: {  	v58 =	vadd.s32 $0x2710, v0;
	v2 =	vadd.f32 v2, v3  }
0x38: {  	v59 =	vadd.s32 $0x2710, v1  }
0x39: {  	v60 =	vadd.s32 $0x4E20, v0;
	[tilespmem:s13+$0xC530] =	vst v2  }
0x3a: {  	v61 =	vadd.s32 $0x4E20, v1;
	v2 =	vld.idx.msk [tilespmem:v1+s2+$0x0], $0xffff  }
0x3b: {  	v62 =	vld.idx.msk [tilespmem:v0+s2+$0x0], $0xffff  }
0x3c: {  	v4 =	vld.idx.msk [tilespmem:v58+s2+$0x0], $0xffff  }
0x3d: {  	v3 =	vld.idx.msk [tilespmem:v59+s2+$0x0], $0xffff  }
0x3e: {  	v5 =	vld.idx.msk [tilespmem:v60+s2+$0x0], $0xffff  }
0x3f: {  	v1 =	vld.idx.msk [tilespmem:v61+s2+$0x0], $0xffff;
	_ =	sdelay $0x2  }
0x40: {  	v0 =	vsub.f32 v62, v2;
	v63 =	vsub.f32 v4, v3;
	_ =	sdelay $0x1  }
0x41: {  	v1 =	vsub.f32 v5, v1;
	v0 =	vmul.f32 v0, v0;
	v2 =	vmul.f32 v63, v63;
	_ =	sdelay $0x1  }
0x42: {  	v1 =	vmul.f32 v1, v1;
	v0 =	vadd.f32 v2, v0;
	_ =	sdelay $0x1  }
0x43: {  	s12 =	sadd.s32 $0x1, s12;
	v0 =	vadd.f32 v1, v0  }
0x44: {  	p0 =	sne.s32 s12, s7  }
.Ltmp1:
0x45: {  	[tilespmem:s14+$0xC530] =	vst v0;
	(pc) =	sbr.rel @p0 .LBB2_1-.Ltmp1, $4  }
0x46: {  	[hbm4b:s6+s2] =	stream.linear.scatter [tilespmem:s11], [sflag:$0x1], $0x2800, $0x38;
	[tilespmem:$0xED30] =	vst v63  }
0x47: {  	_ =	swait.ge [sflag:s8], $0x2800  }
0x48: {  	[sflag:s8] =	ssyncset.done $0x0  }
0x49: {  	[sflag:s8] =	ssyncadd.s32 $0xFFFFD800  }
0x4a: {  	_ =	sfence.sel $0x180000  }
0x4b: {  	[bflag:$0x0] =	sbarrier.arrive $0xFFFF  }
0x4c: {  	p0 =	sne.s32 s1, $0x0;
	_ =	strace $0x90000047  }
0x4d: {  	s0 =	sadd.s32 @!p0 $0x100000, s0;
	[bflag:$0x2] =	sbarrier.arrive $0xFFFF  }
0x4e: {  	[sflag:s0] =	ssyncadd.tile.s32 @!p0 $0x1;
	_ =	shalt  }
.Lfunc_end2:
_tile_overlayer_lowered:
.L_overlay_start_2:
0x4f: {  	(tag) =	ssettag $0x2  }
0x50: {  	s0 =	rddreg [dreg:$0x0];
	s2 =	stileid.u32  }
0x51: {  	s1 =	rddreg [dreg:$0x1];
	p0 =	sne.s32 s2, $0x0  }
0x52: {  	s3 =	rddreg [dreg:$0x2];
	[bflag:$0x3] =	sbarrier.arrive $0xFFFF;
	s2 =	simm.s32 @!p0 $0x1C01  }
0x53: {  	[timem:s3], [sflag:s2] =	dma.local @!p0 [hbm:s0], s1  }
0x54: {  	s0 =	simm.s32 @!p0 $0x1  }
0x55: {  	_ =	swait.ge @!p0 [sflag:s0], s1  }
0x56: {  	s1 =	ssub.s32 @!p0 $0x0, s1;
	[sflag:s0] =	ssyncset.done @!p0 $0x0  }
0x57: {  	[sflag:s0] =	ssyncadd.s32 @!p0 s1  }
0x58: {  	[bflag:$0x3] =	sbarrier.arrive $0xFFFF  }
0x59: {  	_ =	shalt  }

// kernel: kernel.13.cloned.1.call-start
scs
__scs_entry_jumppad:
0x0: {  	(pc) =	sbr.rel $0x88, $3  }
0x1: {  	(tag) =	ssettag $0x0;
	lr =	simm.s32 $0x1  }
0x2: {  	[smem:$0x3F97] =	sst lr;
	_ =	strace $0xD0000000  }
0x3: {  	_ = 	snop  }
0x4: {  	_ = 	snop  }
0x5: {  	_ = 	snop  }
0x6: {  	_ = 	snop  }
0x7: {  	_ = 	snop  }
__scs_overlays_trampoline_lowered:
0x8: {  	[smem:$0x3FA6] =	sst s0  }
0x9: {  	[smem:$0x3FA7] =	sst s1  }
0xa: {  	[smem:$0x3FA8] =	sst s2  }
0xb: {  	[smem:$0x3FA9] =	sst s3  }
0xc: {  	[smem:$0x3FAA] =	sst s4  }
0xd: {  	[smem:$0x3FAB] =	sst s5  }
0xe: {  	[smem:$0x3FAC] =	sst s6  }
0xf: {  	[smem:$0x3FAD] =	sst s7  }
0x10: {  	[smem:$0x3FAE] =	sst s8  }
0x11: {  	[smem:$0x3FAF] =	sst s9;
	s0 =	simm.s32 @!p0 $0x0  }
0x12: {  	s1 =	sld [smem:$0x3F95];
	s0 =	simm.s32 @p0 $0x1  }
0x13: {  	[smem:$0x3FB0] =	sst s0;
	s0 =	simm.s32 @!p1 $0x0  }
0x14: {  	s2 =	sld [smem:$0x3F94];
	s0 =	simm.s32 @p1 $0x1  }
0x15: {  	[smem:$0x3FB1] =	sst s0;
	s0 =	simm.s32 @!p2 $0x0  }
0x16: {  	s3 =	sld [smem:$0x3FDB];
	s0 =	simm.s32 @p2 $0x1  }
0x17: {  	s4 =	simm.s32 $0x1BF5;
	[smem:$0x3FB3] =	sst s0  }
0x18: {  	s0 =	sld [smem:$0x3F96];
	_ =	swait.ge [sflag:s4], $0x0  }
0x19: {  	s7 =	sld [smem:$0x3F97]  }
0x1a: {  	s8 =	sadd.s32 $0xFFFFE003, lr  }
0x1b: {  	s9 =	sadd.s32 $0xFFFFFEF7, lr;
	s5 =	simm.s32 $0xFFFFFFFF;
	p2 =	slt.u32 s8, $0xFFFFF086  }
0x1c: {  	p1 =	slt.u32 s9, $0xF7A;
	s5 =	simm.s32 @!p2 $0x0  }
0x1d: {  	s5 =	simm.s32 @p1 $0x1;
	p0 =	seq.s32 s7, s2  }
0x1e: {  	s7 =	smul.u32 @!p0 $0xF7A, s2;
	p2 =	seq.s32 @!p0 s5, $0x0  }
0x1f: {  	s9 =	smul.u32 $0xF7A, s1;
	s8 =	simm.s32 @!p0 $0x1BF5;
	p2 =	por !p2, p0  }
0x20: {  	[sflag:s8] =	ssyncset.s32 @!p0 $0xFFFFF086;
	s6 =	sadd.s32 @!p0 s3, s7;
	s7 =	simm.s32 @!p0 $0x108  }
0x21: {  	s3 =	sadd.s32 s3, s9;
	s6 =	sadd.s32 @!p0 $0x88, s6;
	s7 =	simm.s32 @p2 $0x1082  }
0x22: {  	[simem:s7], [sflag:s8] =	dma.local @!p0 [hbm:s6], $0xF7A  }
0x23: {  	s9 =	sor.u32 $0xD0000000, s2;
	s6 =	simm.s32 $0x108;
	_ =	swait.ge @!p0 [sflag:s8], $0x0  }
0x24: {  	s3 =	sadd.s32 $0x88, s3;
	s6 =	simm.s32 @!p1 $0x1082;
	[sflag:s4] =	ssyncset.s32 $0xFFFFF086  }
0x25: {  	[simem:s6], [sflag:s4] =	dma.local [hbm:s3], $0xF7A  }
0x26: {  	[smem:$0x3F97] =	sst s1;
	(tag) =	ssettag s2;
	_ =	strace s9  }
0x27: {  	s1 =	sld [smem:$0x3FA7]  }
0x28: {  	s2 =	sld [smem:$0x3FA8]  }
0x29: {  	s4 =	sld [smem:$0x3FAA]  }
0x2a: {  	p0 =	seq.s32 s5, $0x0;
	s5 =	sld [smem:$0x3FAB]  }
0x2b: {  	s6 =	sld [smem:$0x3FAC]  }
0x2c: {  	s7 =	sld [smem:$0x3FAD]  }
0x2d: {  	s3 =	simm.s32 $0x108;
	s8 =	sld [smem:$0x3FAE]  }
0x2e: {  	s3 =	simm.s32 @!p0 $0x1082;
	s9 =	sld [smem:$0x3FAF]  }
0x2f: {  	lr =	sadd.s32 s0, s3;
	s0 =	sld [smem:$0x3FA6]  }
0x30: {  	s3 =	sld [smem:$0x3FA9]  }
0x31: {  	[smem:$0x3FB2] =	sst s10  }
0x32: {  	s10 =	sld [smem:$0x3FB0];
	_ =	sdelay $0x3  }
0x33: {  	p0 =	seq.s32 s10, $0x1;
	s10 =	sld [smem:$0x3FB2];
	_ =	sdelay $0x3  }
0x34: {  	[smem:$0x3FB2] =	sst s10  }
0x35: {  	s10 =	sld [smem:$0x3FB1];
	_ =	sdelay $0x3  }
0x36: {  	p1 =	seq.s32 s10, $0x1;
	s10 =	sld [smem:$0x3FB2];
	_ =	sdelay $0x3  }
0x37: {  	[smem:$0x3FB2] =	sst s10  }
0x38: {  	s10 =	sld [smem:$0x3FB3]  }
0x39: {  	_ = 	snop;
	(pc) =	sbr.ind lr, $3  }
0x3a: {  	_ = 	snop  }
0x3b: {  	_ = 	snop  }
0x3c: {  	p2 =	seq.s32 s10, $0x1;
	s10 =	sld [smem:$0x3FB2]  }
0x3d: {  	_ =	shalt  }
0x3e: {  	_ =	shalt  }
0x3f: {  	_ =	shalt  }
0x40: {  	_ =	shalt  }
0x41: {  	_ =	shalt  }
0x42: {  	_ =	shalt  }
0x43: {  	_ =	shalt  }
0x44: {  	_ =	shalt  }
0x45: {  	_ =	shalt  }
0x46: {  	_ =	shalt  }
0x47: {  	_ =	shalt  }
0x48: {  	_ =	shalt  }
0x49: {  	_ =	shalt  }
0x4a: {  	_ =	shalt  }
0x4b: {  	_ =	shalt  }
0x4c: {  	_ =	shalt  }
0x4d: {  	_ =	shalt  }
0x4e: {  	_ =	shalt  }
0x4f: {  	_ =	shalt  }
0x50: {  	_ =	shalt  }
0x51: {  	_ =	shalt  }
0x52: {  	_ =	shalt  }
0x53: {  	_ =	shalt  }
0x54: {  	_ =	shalt  }
0x55: {  	_ =	shalt  }
0x56: {  	_ =	shalt  }
0x57: {  	_ =	shalt  }
0x58: {  	_ =	shalt  }
0x59: {  	_ =	shalt  }
0x5a: {  	_ =	shalt  }
0x5b: {  	_ =	shalt  }
0x5c: {  	_ =	shalt  }
0x5d: {  	_ =	shalt  }
0x5e: {  	_ =	shalt  }
0x5f: {  	_ =	shalt  }
0x60: {  	_ =	shalt  }
0x61: {  	_ =	shalt  }
0x62: {  	_ =	shalt  }
0x63: {  	_ =	shalt  }
0x64: {  	_ =	shalt  }
0x65: {  	_ =	shalt  }
0x66: {  	_ =	shalt  }
0x67: {  	_ =	shalt  }
0x68: {  	_ =	shalt  }
0x69: {  	_ =	shalt  }
0x6a: {  	_ =	shalt  }
0x6b: {  	_ =	shalt  }
0x6c: {  	_ =	shalt  }
0x6d: {  	_ =	shalt  }
0x6e: {  	_ =	shalt  }
0x6f: {  	_ =	shalt  }
0x70: {  	_ =	shalt  }
0x71: {  	_ =	shalt  }
0x72: {  	_ =	shalt  }
0x73: {  	_ =	shalt  }
0x74: {  	_ =	shalt  }
0x75: {  	_ =	shalt  }
0x76: {  	_ =	shalt  }
0x77: {  	_ =	shalt  }
0x78: {  	_ =	shalt  }
0x79: {  	_ =	shalt  }
0x7a: {  	_ =	shalt  }
0x7b: {  	_ =	shalt  }
0x7c: {  	_ =	shalt  }
0x7d: {  	_ =	shalt  }
0x7e: {  	_ =	shalt  }
0x7f: {  	_ =	shalt  }
0x80: {  	_ =	shalt  }
0x81: {  	_ =	shalt  }
0x82: {  	_ =	shalt  }
0x83: {  	_ =	shalt  }
0x84: {  	_ =	shalt  }
0x85: {  	_ =	shalt  }
0x86: {  	_ =	shalt  }
0x87: {  	_ =	shalt  }
.Lfunc_end0:
.L_simem_size_0:
called_computation.1_lowered:
.L_overlay_start_0:
0x88: {  	s2 =	sld [smem:$0x3FD9]  }
0x89: {  	s3 =	sld [smem:$0x3FFE];
	_ =	sdelay $0x1  }
0x8a: {  	s1 =	srdreg.scid  }
0x8b: {  	s0 =	sand.u32 $0x1, s1  }
0x8c: {  	s17 =	sshll.u32 s0, $0xA;
	s2 =	sadd.s32 s3, s2  }
0x8d: {  	s2 =	sadd.s32 s2, s17  }
0x8e: {  	[smem:$0x3FBE] =	sst s2  }
0x8f: {  	_ = 	snop  }
0x90: {  	s2 =	sld [smem:$0x3FD0];
	(tm) =	ssettm $0x1  }
0x91: {  	s18 =	sld [smem:$0x3FFB];
	_ =	sdelay $0x3  }
0x92: {  	_ =	strace s18  }
0x93: {  	s3 =	sld [smem:$0x3FFC];
	_ =	sdelay $0x3  }
0x94: {  	_ =	strace s3  }
0x95: {  	s3 =	sld [smem:$0x3FFD];
	_ =	sdelay $0x3  }
0x96: {  	_ =	strace s3  }
0x97: {  	_ =	strace $0x8FFFFFFF  }
0x98: {  	s19 =	sld [smem:$0x3FDB];
	_ =	sdelay $0x1  }
0x99: {  	s4 =	simm.s32 $_scs_section_size  }
0x9a: {  	s5 =	simm.s32 $_size__tile_overlayer_lowered;
	s6 =	simm.s32 $_tile_overlayer_lowered  }
0x9b: {  	s22 =	simm.s32 $0x1BFF;
	s21 =	sshll.u32 s6, $0x1;
	s3 =	sadd.s32 s4, s19  }
0x9c: {  	s7 =	simm.s32 $0x0;
	s20 =	sshll.u32 s5, $0x1;
	s5 =	sadd.s32 s21, s3  }
0x9d: {  	[timem:s7], [sflag:s22] =	dma.local [hbm:s5], s20  }
0x9e: {  	_ =	swait.ge [sflag:s22], s20  }
0x9f: {  	s4 =	ssub.s32 $0x0, s20;
	[sflag:s22] =	ssyncset.done $0x0  }
0xa0: {  	[sflag:s22] =	ssyncadd.s32 s4;
	_ =	sdelay $0x1  }
0xa1: {  	s23 =	simm.s32 $0x1B8B  }
0xa2: {  	_ =	swait.ge [sflag:s23], $0x1  }
0xa3: {  	[sflag:s23] =	ssyncset.done $0x0  }
0xa4: {  	s25 =	simm.s32 $0x1B8E;
	s24 =	sld [smem:$0x3FFE];
	[sflag:s23] =	ssyncadd.s32 $0xFFFFFFFF  }
0xa5: {  	s26 =	simm.s32 $execute0_lowered;
	[smem:$0x3FD2] =	sst s25  }
0xa6: {  	s5 =	sshll.u32 s26, $0x1;
	_ =	strace $0x80000049;
	[dreg:$0x1] =	wrdreg $0xFFFFFFFF  }
0xa7: {  	s28 =	simm.s32 $_size_execute0_lowered;
	s3 =	sadd.s32 s3, s5;
	[dreg:$0x0] =	wrdreg $0x0  }
0xa8: {  	s5 =	sshll.u32 s28, $0x1;
	[dreg:$0x2] =	wrdreg s3  }
0xa9: {  	[dreg:$0x3] =	wrdreg s5  }
0xaa: {  	[dreg:$0x4] =	wrdreg $0xC0  }
0xab: {  	_ =	task [dreg:s7], $0x5FFFF  }
0xac: {  	[dreg:$0x1] =	wrdreg $0xFFFFFFFF  }
0xad: {  	[dreg:$0x0] =	wrdreg $0x60  }
0xae: {  	[dreg:$0x2] =	wrdreg s2  }
0xaf: {  	[dreg:$0x3] =	wrdreg s24  }
0xb0: {  	[dreg:$0x4] =	wrdreg $0x160000  }
0xb1: {  	[dreg:$0x5] =	wrdreg $0x9  }
0xb2: {  	_ =	task.clear_ibuf [dreg:s7], $0x6FFFF;
	_ =	strace $0x90000049  }
0xb3: {  	s29 =	simm.s32 $0x9;
	_ =	strace $0x8000004B  }
0xb4: {  	_ =	swait.ge [sflag:s29], $0x1  }
0xb5: {  	[sflag:s29] =	ssyncadd.s32 $0xFFFFFFFF  }
0xb6: {  	_ =	strace $0x9000004B  }
0xb7: {  	_ =	sfence  }
0xb8: {  	s30 =	sld [smem:$0x0];
	_ =	sdelay $0x2  }
0xb9: {  	s31 =	sshll.u32 s1, $0xD;
	s1 =	sshrl.u32 s1, $0x2  }
0xba: {  	s3 =	sand.u32 $0x4000, s31;
	s1 =	sadd.s32 s1, s30  }
0xbb: {  	s0 =	sor.u32 s3, s0;
	s1 =	sshll.u32 s1, $0x11  }
0xbc: {  	s0 =	sor.u32 s1, s0  }
0xbd: {  	s0 =	sadd.s32 $0x8F2B, s0  }
0xbe: {  	[sflag:s0] =	ssyncadd.remote.s32 $0x1  }
0xbf: {  	_ =	sfence.sel $0xFFFF  }
0xc0: {  	[dreg:$0x0] =	wrdreg $0xFFFFFFFF;
	(pc) =	sbr.abs _section_cstart, $3  }
0xc1: {  	[dreg:$0x1] =	wrdreg $0xFFFFFFFF  }
0xc2: {  	_ =	task.clear_ibuf [dreg:s7], $0x2FFFF;
	_ =	strace $0x9FFFFFFF  }
0xc3: {  	(tm) =	ssettm $0x7FFFFFFF  }
tec
execute0_lowered:
.L_overlay_start_1:
0x0: {  	(tag) =	ssettag $0x1  }
0x1: {  	s1 =	rddreg [dreg:$0x0]  }
0x2: {  	s0 =	rddreg [dreg:$0x1]  }
0x3: {  	s3 =	rddreg [dreg:$0x2]  }
0x4: {  	s2 =	simm.s32 $0x0;
	s14 =	stileid.u32;
	s4 =	srdreg.scid  }
0x5: {  	s29 =	simm.s32 $0xC000;
	s30 =	simm.s32 $0x10000;
	s31 =	simm.s32 $0x1  }
0x6: {  	s28 =	simm.s32 $0x14000;
	s16 =	simm.s32 $0x0;
	s19 =	smul.u32 $0xA000, s14  }
0x7: {  	[smem:$0x7FF] =	sst s2;
	s5 =	sadd.s32 $0x4B000, s0;
	s8 =	smul.u32 $0xA00, s14  }
0x8: {  	s4 =	sand.u32 $0x1, s4;
	s6 =	sadd.s32 $0x5F000, s0;
	s12 =	sadd.s32 $0x627000, s0  }
0x9: {  	s20 =	sadd.s32 $0x613000, s0;
	s21 =	sshll.u32 s14, $0x6;
	s22 =	smul.u32 $0x50000, s14  }
0xa: {  	s15 =	smul.u32 $0x5000, s14;
	_ =	strace $0x8000004A;
	[dreg:$0x4] =	wrdreg s12  }
0xb: {  	s17 =	sadd.s32 $0x5F008, s0;
	s9 =	ssub.s32 $0x2, s4;
	[dreg:$0x5] =	wrdreg s20  }
0xc: {  	p0 =	seq.s32 s4, $0x1;
	s7 =	sshrl.u32 s19, $0x3;
	s8 =	sadd.s32 s8, s0  }
0xd: {  	s11 =	sshrl.u32 s9, $0x1;
	s2 =	sadd.s32 s19, s3;
	s24 =	sadd.s32 s6, s22  }
0xe: {  	s10 =	sadd.s32 s7, s0;
	s9 =	ssub.s32 s9, s11;
	s11 =	sor.u32 $0x1C07, s21  }
0xf: {  	s23 =	sadd.s32 $0xF000, s8;
	s13 =	sadd.s32 $0x5000, s8;
	s25 =	sadd.s32 $0x800, s24  }
0x10: {  	s0 =	sadd.s32 s22, s17;
	[dreg:$0x8] =	wrdreg s24;
	s26 =	sadd.s32 $0x808, s24  }
0x11: {  	s21 =	sshrl.u32 s2, $0x3;
	s22 =	simm.s32 $0x7;
	[dreg:$0x7] =	wrdreg s23  }
.Ltmp0:
0x12: {  	s24 =	simm.s32 $0x80;
	[dreg:$0x9] =	wrdreg s25;
	(pc) =	sbr.rel .LBB2_1-.Ltmp0, $4  }
0x13: {  	s2 =	simm.s32 $0x12000;
	s8 =	simm.s32 $0x5;
	[dreg:$0xa] =	wrdreg s0  }
0x14: {  	s10 =	sadd.s32 $0x5FF000, s10;
	[dreg:$0xb] =	wrdreg s26;
	s20 =	smax.u32 s9, $0x1  }
0x15: {  	s26 =	simm.s32 $0x40;
	s0 =	simm.s32 $0x3;
	s23 =	simm.s32 $0x2  }
0x16: {  	s25 =	simm.s32 $0x4;
	s9 =	simm.s32 $0x6;
	[dreg:$0x6] =	wrdreg s10  }
.LBB2_16:
0x17: {  	s4 =	rddreg [dreg:$0x5]  }
.LBB2_17:
0x18: {  	s10 =	sshrl.u32 s19, $0x2  }
0x19: {  	s10 =	sadd.s32 $0x5080, s10  }
0x1a: {  	[spmem:s3] =	stream.indirect.scatter.add.f32 [tilespmem:s28], [sflag:$0x6], $0x40, s10, s24, $0xb8;
	v63 =	vld [tilespmem:$0x0]  }
0x1b: {  	_ =	swait.ge [sflag:s8], $0x2000  }
0x1c: {  	[sflag:s8] =	ssyncset.done $0x0  }
0x1d: {  	[sflag:s8] =	ssyncadd.s32 $0xFFFFE000  }
0x1e: {  	_ =	swait.ge [sflag:s9], $0x2000  }
0x1f: {  	s16 =	sadd.s32 $0x1, s16;
	[sflag:s9] =	ssyncset.done $0x0  }
0x20: {  	p1 =	sne.s32 s16, s20;
	[sflag:s9] =	ssyncadd.s32 $0xFFFFE000  }
.Ltmp1:
0x21: {  	s4 =	sadd.s32 s4, s7;
	[bflag:$0x0] =	sbarrier.arrive $0xFFFF;
	(pc) =	sbr.rel @!p1 .LBB2_18-.Ltmp1, $4  }
0x22: {  	[hbm:s4], [sflag:s11] =	dma.local [spmem:s21], $0x1400  }
0x23: {  	_ =	swait.ge [sflag:s22], $0x1400  }
0x24: {  	[sflag:s22] =	ssyncset.done $0x0  }
0x25: {  	[sflag:s22] =	ssyncadd.s32 $0xFFFFEC00  }
.LBB2_1:
0x26: {  	s4 =	rddreg [dreg:$0x6]  }
0x27: {  	[spmem:s21], [sflag:s11] =	dma.local [hbm:s4], $0x1400  }
0x28: {  	_ =	swait.ge [sflag:s22], $0x1400  }
0x29: {  	[sflag:s22] =	ssyncset.done $0x0  }
0x2a: {  	s18 =	simm.s32 $0x0;
	s10 =	rddreg [dreg:$0x7];
	[sflag:s22] =	ssyncadd.s32 $0xFFFFEC00  }
0x2b: {  	[tilespmem:s18], [sflag:$0x7] =	stream.linear.gather [hbm4b:s10+s18], $0x5000, $0x38;
	v63 =	vld [tilespmem:$0x0]  }
0x2c: {  	_ =	swait.ge [sflag:s22], $0x5000  }
0x2d: {  	[sflag:s22] =	ssyncset.done $0x0  }
0x2e: {  	s19 =	simm.s32 $0x5000;
	[sflag:s22] =	ssyncadd.s32 $0xFFFFB000  }
0x2f: {  	[tilespmem:s19], [sflag:$0x7] =	stream.linear.gather [hbm4b:s13+s18], $0x5000, $0x38;
	v63 =	vld [tilespmem:$0x0]  }
.Ltmp2:
0x30: {  	_ =	swait.ge [sflag:s22], $0x5000;
	(pc) =	sbr.rel @!p0 .LBB2_2-.Ltmp2, $4  }
0x31: {  	[sflag:s22] =	ssyncset.done $0x0  }
0x32: {  	[sflag:s22] =	ssyncadd.s32 $0xFFFFB000  }
0x33: {  	[bflag:$0x0] =	sbarrier.arrive $0xFFFF  }
0x34: {  	s4 =	simm.s32 $0xA000;
	s18 =	simm.s32 $0x0  }
0x35: {  	[tilespmem:s4], [sflag:$0x1] =	stream.indirect.gather [hbm4b:s5+s24], $0x40, s18, s24, $0xb8;
	v63 =	vld [tilespmem:$0x0]  }
0x36: {  	s14 =	rddreg [dreg:$0xa];
	s10 =	simm.s32 $0xE000  }
0x37: {  	[tilespmem:s10], [sflag:$0x3] =	stream.strided.gather [hbm4b:s14+s26], $0x2000, s24, s26, $0x38;
	v63 =	vld [tilespmem:$0x0]  }
0x38: {  	_ = 	snop  }
0x39: {  	[tilespmem:s29], [sflag:$0x2] =	stream.indirect.gather [hbm4b:s5+s24], $0x40, s24, s24, $0xb8;
	v63 =	vld [tilespmem:$0x0]  }
0x3a: {  	s19 =	rddreg [dreg:$0xb]  }
0x3b: {  	[tilespmem:s30], [sflag:$0x4] =	stream.strided.gather [hbm4b:s19+s26], $0x2000, s24, s26, $0x38;
	v63 =	vld [tilespmem:$0x0]  }
.LBB2_11:
0x3c: {  	_ =	swait.ge [sflag:s31], $0x2000  }
0x3d: {  	[sflag:s31] =	ssyncset.done $0x0  }
0x3e: {  	[sflag:s31] =	ssyncadd.s32 $0xFFFFE000  }
0x3f: {  	_ =	swait.ge [sflag:s0], $0x2000  }
0x40: {  	p1 =	seq.s32 s18, $0x0;
	[sflag:s0] =	ssyncset.done $0x0  }
0x41: {  	s4 =	simm.s32 @!p1 $0x5;
	[sflag:s0] =	ssyncadd.s32 $0xFFFFE000  }
0x42: {  	_ =	swait.ge @!p1 [sflag:s4], $0x2000  }
0x43: {  	[sflag:s4] =	ssyncset.done @!p1 $0x0  }
0x44: {  	[sflag:s4] =	ssyncadd.s32 @!p1 $0xFFFFE000;
	s4 =	simm.s32 $0x0  }
0x45: {  	v0 =	vld [tilespmem:s4+$0xA070]  }
0x46: {  	v1 =	vld [tilespmem:s4+$0xE070]  }
0x47: {  	v2 =	vld [tilespmem:s4+$0xA000]  }
0x48: {  	v3 =	vld [tilespmem:s4+$0xE000]  }
0x49: {  	v4 =	vld [tilespmem:s4+$0xA010]  }
0x4a: {  	v5 =	vld [tilespmem:s4+$0xE010]  }
0x4b: {  	v6 =	vld [tilespmem:s4+$0xA020]  }
0x4c: {  	v7 =	vld [tilespmem:s4+$0xA030]  }
0x4d: {  	v0 =	vmul.f32 v1, v0;
	v1 =	vld [tilespmem:s4+$0xE020]  }
0x4e: {  	v8 =	vld [tilespmem:s4+$0xE030]  }
0x4f: {  	v9 =	vld [tilespmem:s4+$0xE040];
	v2 =	vmul.f32 v3, v2  }
0x50: {  	[tilespmem:s4+$0x12070] =	vst v0;
	v0 =	vmul.f32 v5, v4;
	v5 =	vld [tilespmem:s4+$0xA040]  }
0x51: {  	v3 =	vld [tilespmem:s4+$0xE050];
	[tilespmem:s4+$0x12000] =	vst v2  }
0x52: {  	v2 =	vld [tilespmem:s4+$0xA050];
	[tilespmem:s4+$0x12010] =	vst v0;
	v0 =	vmul.f32 v1, v6  }
0x53: {  	v4 =	vld [tilespmem:s4+$0xE060];
	v6 =	vmul.f32 v8, v7  }
0x54: {  	s14 =	simm.s32 $0x80;
	[tilespmem:s4+$0x12020] =	vst v0;
	v0 =	vld [tilespmem:s4+$0xA060]  }
0x55: {  	s10 =	simm.s32 $0x400;
	v5 =	vmul.f32 v9, v5;
	v1 =	vld [tilespmem:s14+$0xA070];
	[tilespmem:s4+$0x12030] =	vst v6  }
.LBB2_12:
0x56: {  	p2 =	sne.s32 s10, $0x7E00;
	v6 =	vld [tilespmem:s14+$0xE070]  }
0x57: {  	v7 =	vld [tilespmem:s14+$0xA000];
	[tilespmem:s4+$0x12040] =	vst v5;
	v2 =	vmul.f32 v3, v2  }
0x58: {  	v3 =	vld [tilespmem:s14+$0xE000]  }
0x59: {  	v5 =	vld [tilespmem:s14+$0xA010];
	[tilespmem:s4+$0x12050] =	vst v2;
	v0 =	vmul.f32 v4, v0  }
0x5a: {  	v2 =	vld [tilespmem:s14+$0xE010]  }
0x5b: {  	v4 =	vld [tilespmem:s14+$0xA020];
	v1 =	vmul.f32 v6, v1;
	[tilespmem:s4+$0x12060] =	vst v0;
	s4 =	smov.u32 s14  }
0x5c: {  	v0 =	vld [tilespmem:s4+$0xE020]  }
0x5d: {  	v3 =	vmul.f32 v3, v7;
	v6 =	vld [tilespmem:s4+$0xA030];
	[tilespmem:s4+$0x12070] =	vst v1  }
0x5e: {  	v1 =	vld [tilespmem:s4+$0xE030]  }
0x5f: {  	[tilespmem:s4+$0x12000] =	vst v3;
	v2 =	vmul.f32 v2, v5;
	v5 =	vld [tilespmem:s4+$0xA040]  }
0x60: {  	v7 =	vld [tilespmem:s4+$0xE040]  }
.Ltmp3:
0x61: {  	[tilespmem:s4+$0x12010] =	vst v2;
	v0 =	vmul.f32 v0, v4;
	v2 =	vld [tilespmem:s4+$0xA050];
	(pc) =	sbr.rel @p2 .LBB2_12-.Ltmp3, $4  }
0x62: {  	v3 =	vld [tilespmem:s4+$0xE050]  }
0x63: {  	[tilespmem:s4+$0x12020] =	vst v0;
	v6 =	vmul.f32 v1, v6;
	v0 =	vld [tilespmem:s4+$0xA060]  }
0x64: {  	s14 =	sshra.s32 s10, $0x2;
	v4 =	vld [tilespmem:s4+$0xE060]  }
0x65: {  	s10 =	sadd.s32 $0x200, s10;
	v1 =	vld [tilespmem:s14+$0xA070];
	[tilespmem:s4+$0x12030] =	vst v6;
	v5 =	vmul.f32 v7, v5  }
0x66: {  	v6 =	vld [tilespmem:s14+$0xE070]  }
0x67: {  	v7 =	vld [tilespmem:s14+$0xA000];
	[tilespmem:s4+$0x12040] =	vst v5;
	v2 =	vmul.f32 v3, v2  }
0x68: {  	v3 =	vld [tilespmem:s14+$0xE000]  }
0x69: {  	v5 =	vld [tilespmem:s14+$0xA010];
	[tilespmem:s4+$0x12050] =	vst v2;
	v0 =	vmul.f32 v4, v0  }
0x6a: {  	v2 =	vld [tilespmem:s14+$0xE010]  }
0x6b: {  	v4 =	vld [tilespmem:s14+$0xA020];
	[tilespmem:s4+$0x12060] =	vst v0  }
0x6c: {  	v0 =	vmul.f32 v6, v1;
	v1 =	vld [tilespmem:s14+$0xE020]  }
0x6d: {  	v6 =	vld [tilespmem:s14+$0xA030]  }
0x6e: {  	v3 =	vmul.f32 v3, v7;
	[tilespmem:s14+$0x12070] =	vst v0;
	v0 =	vld [tilespmem:s14+$0xE030]  }
0x6f: {  	v7 =	vld [tilespmem:s14+$0xE060]  }
0x70: {  	[tilespmem:s14+$0x12000] =	vst v3;
	v2 =	vmul.f32 v2, v5;
	v3 =	vld [tilespmem:s14+$0xA040]  }
0x71: {  	v5 =	vld [tilespmem:s14+$0xE040]  }
0x72: {  	[tilespmem:s14+$0x12010] =	vst v2;
	v1 =	vmul.f32 v1, v4;
	v2 =	vld [tilespmem:s14+$0xA050]  }
0x73: {  	v4 =	vld [tilespmem:s14+$0xE050]  }
0x74: {  	[tilespmem:s14+$0x12020] =	vst v1;
	v1 =	vld [tilespmem:s14+$0xA060];
	_ =	sdelay $0x1  }
0x75: {  	v0 =	vmul.f32 v0, v6  }
0x76: {  	v3 =	vmul.f32 v5, v3  }
0x77: {  	[tilespmem:s14+$0x12030] =	vst v0;
	v0 =	vmul.f32 v4, v2  }
0x78: {  	p2 =	seq.s32 s18, $0x4F;
	[tilespmem:s14+$0x12040] =	vst v3;
	v1 =	vmul.f32 v7, v1  }
0x79: {  	s4 =	sshll.u32 @!p2 s18, $0x8;
	[tilespmem:s14+$0x12050] =	vst v0  }
0x7a: {  	s10 =	simm.s32 @!p2 $0x80;
	s12 =	simm.s32 @!p2 $0xA000;
	s4 =	sadd.s32 @!p2 $0x100, s4;
	[tilespmem:s14+$0x12060] =	vst v1  }
0x7b: {  	[tilespmem:s12], [sflag:$0x1] =	stream.indirect.gather @!p2 [hbm4b:s5+s10], $0x40, s4, s10, $0xb8;
	v63 =	vld [tilespmem:$0x0]  }
0x7c: {  	s4 =	sadd.s32 @!p2 s15, s4  }
0x7d: {  	s19 =	sshll.u32 s18, $0xA;
	s4 =	sshll.u32 @!p2 s4, $0x4  }
0x7e: {  	s14 =	simm.s32 @!p2 $0xE000;
	s12 =	simm.s32 @!p2 $0x40;
	s4 =	sadd.s32 @!p2 s4, s17  }
0x7f: {  	[tilespmem:s14], [sflag:$0x3] =	stream.strided.gather @!p2 [hbm4b:s4+s12], $0x2000, s10, s12, $0x38;
	v63 =	vld [tilespmem:$0x0]  }
0x80: {  	s14 =	sshrl.u32 s19, $0x2  }
0x81: {  	s12 =	sadd.s32 $0x5000, s14  }
0x82: {  	[spmem:s3] =	stream.indirect.scatter.add.f32 [tilespmem:s2], [sflag:$0x5], $0x40, s12, s24, $0xb8;
	v63 =	vld [tilespmem:$0x0]  }
0x83: {  	_ =	swait.ge [sflag:s23], $0x2000  }
0x84: {  	[sflag:s23] =	ssyncset.done $0x0  }
0x85: {  	[sflag:s23] =	ssyncadd.s32 $0xFFFFE000  }
0x86: {  	_ =	swait.ge [sflag:s25], $0x2000  }
0x87: {  	[sflag:s25] =	ssyncset.done $0x0  }
0x88: {  	s4 =	simm.s32 @!p1 $0x6;
	[sflag:s25] =	ssyncadd.s32 $0xFFFFE000  }
0x89: {  	_ =	swait.ge @!p1 [sflag:s4], $0x2000  }
0x8a: {  	[sflag:s4] =	ssyncset.done @!p1 $0x0  }
0x8b: {  	[sflag:s4] =	ssyncadd.s32 @!p1 $0xFFFFE000;
	s4 =	simm.s32 $0x0  }
0x8c: {  	v0 =	vld [tilespmem:s4+$0xC070]  }
0x8d: {  	v1 =	vld [tilespmem:s4+$0x10070]  }
0x8e: {  	v2 =	vld [tilespmem:s4+$0xC000]  }
0x8f: {  	v3 =	vld [tilespmem:s4+$0x10000]  }
0x90: {  	v4 =	vld [tilespmem:s4+$0xC010]  }
0x91: {  	v5 =	vld [tilespmem:s4+$0x10010]  }
0x92: {  	v6 =	vld [tilespmem:s4+$0xC020]  }
0x93: {  	v7 =	vld [tilespmem:s4+$0xC030]  }
0x94: {  	v0 =	vmul.f32 v1, v0;
	v1 =	vld [tilespmem:s4+$0x10020]  }
0x95: {  	v8 =	vld [tilespmem:s4+$0x10030]  }
0x96: {  	v9 =	vld [tilespmem:s4+$0x10040];
	v2 =	vmul.f32 v3, v2  }
0x97: {  	[tilespmem:s4+$0x14070] =	vst v0;
	v0 =	vmul.f32 v5, v4;
	v5 =	vld [tilespmem:s4+$0xC040]  }
0x98: {  	v3 =	vld [tilespmem:s4+$0x10050];
	[tilespmem:s4+$0x14000] =	vst v2  }
0x99: {  	v2 =	vld [tilespmem:s4+$0xC050];
	[tilespmem:s4+$0x14010] =	vst v0;
	v0 =	vmul.f32 v1, v6  }
0x9a: {  	v4 =	vld [tilespmem:s4+$0x10060];
	v6 =	vmul.f32 v8, v7  }
0x9b: {  	s10 =	simm.s32 $0x80;
	[tilespmem:s4+$0x14020] =	vst v0;
	v0 =	vld [tilespmem:s4+$0xC060]  }
0x9c: {  	s12 =	simm.s32 $0x400;
	v5 =	vmul.f32 v9, v5;
	v1 =	vld [tilespmem:s10+$0xC070];
	[tilespmem:s4+$0x14030] =	vst v6  }
.LBB2_14:
0x9d: {  	p1 =	sne.s32 s12, $0x7E00;
	v6 =	vld [tilespmem:s10+$0x10070]  }
0x9e: {  	v7 =	vld [tilespmem:s10+$0xC000];
	[tilespmem:s4+$0x14040] =	vst v5;
	v2 =	vmul.f32 v3, v2  }
0x9f: {  	v3 =	vld [tilespmem:s10+$0x10000]  }
0xa0: {  	v5 =	vld [tilespmem:s10+$0xC010];
	[tilespmem:s4+$0x14050] =	vst v2;
	v0 =	vmul.f32 v4, v0  }
0xa1: {  	v2 =	vld [tilespmem:s10+$0x10010]  }
0xa2: {  	v4 =	vld [tilespmem:s10+$0xC020];
	v1 =	vmul.f32 v6, v1;
	[tilespmem:s4+$0x14060] =	vst v0;
	s4 =	smov.u32 s10  }
0xa3: {  	v0 =	vld [tilespmem:s4+$0x10020]  }
0xa4: {  	v3 =	vmul.f32 v3, v7;
	v6 =	vld [tilespmem:s4+$0xC030];
	[tilespmem:s4+$0x14070] =	vst v1  }
0xa5: {  	v1 =	vld [tilespmem:s4+$0x10030]  }
0xa6: {  	[tilespmem:s4+$0x14000] =	vst v3;
	v2 =	vmul.f32 v2, v5;
	v5 =	vld [tilespmem:s4+$0xC040]  }
0xa7: {  	v7 =	vld [tilespmem:s4+$0x10040]  }
.Ltmp4:
0xa8: {  	[tilespmem:s4+$0x14010] =	vst v2;
	v0 =	vmul.f32 v0, v4;
	v2 =	vld [tilespmem:s4+$0xC050];
	(pc) =	sbr.rel @p1 .LBB2_14-.Ltmp4, $4  }
0xa9: {  	v3 =	vld [tilespmem:s4+$0x10050]  }
0xaa: {  	[tilespmem:s4+$0x14020] =	vst v0;
	v6 =	vmul.f32 v1, v6;
	v0 =	vld [tilespmem:s4+$0xC060]  }
0xab: {  	s10 =	sshra.s32 s12, $0x2;
	v4 =	vld [tilespmem:s4+$0x10060]  }
0xac: {  	s12 =	sadd.s32 $0x200, s12;
	v1 =	vld [tilespmem:s10+$0xC070];
	[tilespmem:s4+$0x14030] =	vst v6;
	v5 =	vmul.f32 v7, v5  }
0xad: {  	v6 =	vld [tilespmem:s10+$0x10070]  }
0xae: {  	v7 =	vld [tilespmem:s10+$0xC000];
	[tilespmem:s4+$0x14040] =	vst v5;
	v2 =	vmul.f32 v3, v2  }
0xaf: {  	v50 =	vld [tilespmem:s10+$0x10000]  }
0xb0: {  	v5 =	vld [tilespmem:s10+$0xC010];
	[tilespmem:s4+$0x14050] =	vst v2;
	v0 =	vmul.f32 v4, v0  }
0xb1: {  	v2 =	vld [tilespmem:s10+$0x10010]  }
0xb2: {  	v51 =	vld [tilespmem:s10+$0xC020];
	[tilespmem:s4+$0x14060] =	vst v0  }
0xb3: {  	v53 =	vld [tilespmem:s10+$0x10020]  }
0xb4: {  	v54 =	vld [tilespmem:s10+$0xC030]  }
0xb5: {  	v55 =	vld [tilespmem:s10+$0x10030]  }
0xb6: {  	v56 =	vld [tilespmem:s10+$0xC040]  }
0xb7: {  	v57 =	vld [tilespmem:s10+$0x10040]  }
0xb8: {  	v58 =	vld [tilespmem:s10+$0xC050]  }
0xb9: {  	v52 =	vmul.f32 v6, v1;
	v59 =	vld [tilespmem:s10+$0x10050]  }
0xba: {  	v60 =	vld [tilespmem:s10+$0xC060];
	v3 =	vmul.f32 v50, v7  }
0xbb: {  	v61 =	vld [tilespmem:s10+$0x10060];
	[tilespmem:s10+$0x14070] =	vst v52;
	v2 =	vmul.f32 v2, v5  }
0xbc: {  	[tilespmem:s10+$0x14000] =	vst v3;
	v1 =	vmul.f32 v53, v51  }
0xbd: {  	[tilespmem:s10+$0x14010] =	vst v2;
	v0 =	vmul.f32 v55, v54  }
.Ltmp5:
0xbe: {  	v3 =	vmul.f32 v57, v56;
	[tilespmem:s10+$0x14020] =	vst v1;
	(pc) =	sbr.rel @p2 .LBB2_16-.Ltmp5, $4  }
0xbf: {  	v62 =	vmul.f32 v59, v58;
	[tilespmem:s10+$0x14030] =	vst v0  }
0xc0: {  	[tilespmem:s10+$0x14040] =	vst v3;
	v1 =	vmul.f32 v61, v60  }
0xc1: {  	[tilespmem:s10+$0x14050] =	vst v62  }
0xc2: {  	[tilespmem:s10+$0x14060] =	vst v1  }
0xc3: {  	s4 =	sshll.u32 s18, $0x8  }
0xc4: {  	s4 =	sadd.s32 $0x180, s4  }
0xc5: {  	[tilespmem:s29], [sflag:$0x2] =	stream.indirect.gather [hbm4b:s5+s24], $0x40, s4, s24, $0xb8;
	v63 =	vld [tilespmem:$0x0]  }
0xc6: {  	s4 =	sadd.s32 s15, s4  }
.Ltmp6:
0xc7: {  	s4 =	sshll.u32 s4, $0x4;
	(pc) =	sbr.rel .LBB2_11-.Ltmp6, $4  }
0xc8: {  	s4 =	sadd.s32 s4, s17  }
0xc9: {  	[tilespmem:s30], [sflag:$0x4] =	stream.strided.gather [hbm4b:s4+s26], $0x2000, s24, s26, $0x38;
	v63 =	vld [tilespmem:$0x0]  }
0xca: {  	s19 =	sadd.s32 $0x5080, s14;
	s18 =	sadd.s32 $0x1, s18  }
0xcb: {  	[spmem:s3] =	stream.indirect.scatter.add.f32 [tilespmem:s28], [sflag:$0x6], $0x40, s19, s24, $0xb8;
	v63 =	vld [tilespmem:$0x0]  }
.LBB2_2:
0xcc: {  	[tilespmem:s4], [sflag:$0x1] =	stream.indirect.gather [hbm4b:s1+s24], $0x40, s18, s24, $0xb8;
	v63 =	vld [tilespmem:$0x0]  }
0xcd: {  	s14 =	rddreg [dreg:$0x8];
	s10 =	simm.s32 $0xE000  }
0xce: {  	[tilespmem:s10], [sflag:$0x3] =	stream.strided.gather [hbm4b:s14+s26], $0x2000, s24, s26, $0x38;
	v63 =	vld [tilespmem:$0x0]  }
0xcf: {  	_ = 	snop  }
0xd0: {  	[tilespmem:s29], [sflag:$0x2] =	stream.indirect.gather [hbm4b:s1+s24], $0x40, s24, s24, $0xb8;
	v63 =	vld [tilespmem:$0x0]  }
0xd1: {  	s19 =	rddreg [dreg:$0x9]  }
0xd2: {  	[tilespmem:s30], [sflag:$0x4] =	stream.strided.gather [hbm4b:s19+s26], $0x2000, s24, s26, $0x38;
	v63 =	vld [tilespmem:$0x0]  }
.LBB2_3:
0xd3: {  	_ =	swait.ge [sflag:s31], $0x2000  }
0xd4: {  	[sflag:s31] =	ssyncset.done $0x0  }
0xd5: {  	[sflag:s31] =	ssyncadd.s32 $0xFFFFE000  }
0xd6: {  	_ =	swait.ge [sflag:s0], $0x2000  }
0xd7: {  	p1 =	seq.s32 s18, $0x0;
	[sflag:s0] =	ssyncset.done $0x0  }
0xd8: {  	s4 =	simm.s32 @!p1 $0x5;
	[sflag:s0] =	ssyncadd.s32 $0xFFFFE000  }
0xd9: {  	_ =	swait.ge @!p1 [sflag:s4], $0x2000  }
0xda: {  	[sflag:s4] =	ssyncset.done @!p1 $0x0  }
0xdb: {  	s14 =	simm.s32 $0x0;
	[sflag:s4] =	ssyncadd.s32 @!p1 $0xFFFFE000  }
0xdc: {  	v0 =	vld [tilespmem:s14+$0xA070]  }
0xdd: {  	v1 =	vld [tilespmem:s14+$0xE070]  }
0xde: {  	v2 =	vld [tilespmem:s14+$0xA000]  }
0xdf: {  	v3 =	vld [tilespmem:s14+$0xE000]  }
0xe0: {  	v4 =	vld [tilespmem:s14+$0xA010]  }
0xe1: {  	v5 =	vld [tilespmem:s14+$0xE010]  }
0xe2: {  	v6 =	vld [tilespmem:s14+$0xA020]  }
0xe3: {  	v7 =	vld [tilespmem:s14+$0xA030]  }
0xe4: {  	v0 =	vmul.f32 v1, v0;
	v1 =	vld [tilespmem:s14+$0xE020]  }
0xe5: {  	v8 =	vld [tilespmem:s14+$0xE030]  }
0xe6: {  	v9 =	vld [tilespmem:s14+$0xE040];
	v2 =	vmul.f32 v3, v2  }
0xe7: {  	[tilespmem:s14+$0x12070] =	vst v0;
	v0 =	vmul.f32 v5, v4;
	v5 =	vld [tilespmem:s14+$0xA040]  }
0xe8: {  	v3 =	vld [tilespmem:s14+$0xE050];
	[tilespmem:s14+$0x12000] =	vst v2  }
0xe9: {  	v2 =	vld [tilespmem:s14+$0xA050];
	[tilespmem:s14+$0x12010] =	vst v0;
	v0 =	vmul.f32 v1, v6  }
0xea: {  	v4 =	vld [tilespmem:s14+$0xE060];
	v6 =	vmul.f32 v8, v7  }
0xeb: {  	s4 =	simm.s32 $0x80;
	[tilespmem:s14+$0x12020] =	vst v0;
	v0 =	vld [tilespmem:s14+$0xA060]  }
0xec: {  	s10 =	simm.s32 $0x400;
	v5 =	vmul.f32 v9, v5;
	v1 =	vld [tilespmem:s4+$0xA070];
	[tilespmem:s14+$0x12030] =	vst v6  }
.LBB2_4:
0xed: {  	p2 =	sne.s32 s10, $0x7E00;
	v6 =	vld [tilespmem:s4+$0xE070]  }
0xee: {  	v7 =	vld [tilespmem:s4+$0xA000];
	[tilespmem:s14+$0x12040] =	vst v5;
	v2 =	vmul.f32 v3, v2  }
0xef: {  	v3 =	vld [tilespmem:s4+$0xE000]  }
0xf0: {  	v5 =	vld [tilespmem:s4+$0xA010];
	[tilespmem:s14+$0x12050] =	vst v2;
	v0 =	vmul.f32 v4, v0  }
0xf1: {  	v2 =	vld [tilespmem:s4+$0xE010]  }
0xf2: {  	v4 =	vld [tilespmem:s4+$0xA020];
	v1 =	vmul.f32 v6, v1;
	[tilespmem:s14+$0x12060] =	vst v0;
	s14 =	smov.u32 s4  }
0xf3: {  	v0 =	vld [tilespmem:s14+$0xE020]  }
0xf4: {  	v3 =	vmul.f32 v3, v7;
	v6 =	vld [tilespmem:s14+$0xA030];
	[tilespmem:s14+$0x12070] =	vst v1  }
0xf5: {  	v1 =	vld [tilespmem:s14+$0xE030]  }
0xf6: {  	[tilespmem:s14+$0x12000] =	vst v3;
	v2 =	vmul.f32 v2, v5;
	v5 =	vld [tilespmem:s14+$0xA040]  }
0xf7: {  	v7 =	vld [tilespmem:s14+$0xE040]  }
.Ltmp7:
0xf8: {  	[tilespmem:s14+$0x12010] =	vst v2;
	v0 =	vmul.f32 v0, v4;
	v2 =	vld [tilespmem:s14+$0xA050];
	(pc) =	sbr.rel @p2 .LBB2_4-.Ltmp7, $4  }
0xf9: {  	v3 =	vld [tilespmem:s14+$0xE050]  }
0xfa: {  	[tilespmem:s14+$0x12020] =	vst v0;
	v6 =	vmul.f32 v1, v6;
	v0 =	vld [tilespmem:s14+$0xA060]  }
0xfb: {  	s4 =	sshra.s32 s10, $0x2;
	v4 =	vld [tilespmem:s14+$0xE060]  }
0xfc: {  	s10 =	sadd.s32 $0x200, s10;
	v1 =	vld [tilespmem:s4+$0xA070];
	[tilespmem:s14+$0x12030] =	vst v6;
	v5 =	vmul.f32 v7, v5  }
0xfd: {  	v6 =	vld [tilespmem:s4+$0xE070]  }
0xfe: {  	v7 =	vld [tilespmem:s4+$0xA000];
	[tilespmem:s14+$0x12040] =	vst v5;
	v2 =	vmul.f32 v3, v2  }
0xff: {  	v3 =	vld [tilespmem:s4+$0xE000]  }
0x100: {  	v5 =	vld [tilespmem:s4+$0xA010];
	[tilespmem:s14+$0x12050] =	vst v2;
	v0 =	vmul.f32 v4, v0  }
0x101: {  	v2 =	vld [tilespmem:s4+$0xE010]  }
0x102: {  	v4 =	vld [tilespmem:s4+$0xA020];
	[tilespmem:s14+$0x12060] =	vst v0  }
0x103: {  	v0 =	vmul.f32 v6, v1;
	v1 =	vld [tilespmem:s4+$0xE020]  }
0x104: {  	v6 =	vld [tilespmem:s4+$0xA030]  }
0x105: {  	v3 =	vmul.f32 v3, v7;
	[tilespmem:s4+$0x12070] =	vst v0;
	v0 =	vld [tilespmem:s4+$0xE030]  }
0x106: {  	v7 =	vld [tilespmem:s4+$0xE060]  }
0x107: {  	[tilespmem:s4+$0x12000] =	vst v3;
	v2 =	vmul.f32 v2, v5;
	v3 =	vld [tilespmem:s4+$0xA040]  }
0x108: {  	v5 =	vld [tilespmem:s4+$0xE040]  }
0x109: {  	[tilespmem:s4+$0x12010] =	vst v2;
	v1 =	vmul.f32 v1, v4;
	v2 =	vld [tilespmem:s4+$0xA050]  }
0x10a: {  	v4 =	vld [tilespmem:s4+$0xE050]  }
0x10b: {  	[tilespmem:s4+$0x12020] =	vst v1;
	v1 =	vld [tilespmem:s4+$0xA060];
	_ =	sdelay $0x1  }
0x10c: {  	v0 =	vmul.f32 v0, v6  }
0x10d: {  	v3 =	vmul.f32 v5, v3  }
0x10e: {  	[tilespmem:s4+$0x12030] =	vst v0;
	v0 =	vmul.f32 v4, v2  }
0x10f: {  	p2 =	seq.s32 s18, $0x4F;
	[tilespmem:s4+$0x12040] =	vst v3;
	v1 =	vmul.f32 v7, v1  }
0x110: {  	s10 =	sshll.u32 @!p2 s18, $0x8;
	[tilespmem:s4+$0x12050] =	vst v0  }
0x111: {  	s12 =	simm.s32 @!p2 $0xA000;
	[tilespmem:s4+$0x12060] =	vst v1;
	s4 =	sadd.s32 @!p2 $0x100, s10;
	s10 =	simm.s32 @!p2 $0x80  }
0x112: {  	[tilespmem:s12], [sflag:$0x1] =	stream.indirect.gather @!p2 [hbm4b:s1+s10], $0x40, s4, s10, $0xb8;
	v63 =	vld [tilespmem:$0x0]  }
0x113: {  	s4 =	sadd.s32 @!p2 s15, s4  }
0x114: {  	s19 =	sshll.u32 s18, $0xA;
	s4 =	sshll.u32 @!p2 s4, $0x4  }
0x115: {  	s14 =	simm.s32 @!p2 $0xE000;
	s12 =	simm.s32 @!p2 $0x40;
	s4 =	sadd.s32 @!p2 s6, s4  }
0x116: {  	[tilespmem:s14], [sflag:$0x3] =	stream.strided.gather @!p2 [hbm4b:s4+s12], $0x2000, s10, s12, $0x38;
	v63 =	vld [tilespmem:$0x0]  }
0x117: {  	s14 =	sshrl.u32 s19, $0x2  }
0x118: {  	s12 =	sadd.s32 $0x5000, s14  }
0x119: {  	[spmem:s3] =	stream.indirect.scatter.add.f32 [tilespmem:s2], [sflag:$0x5], $0x40, s12, s24, $0xb8;
	v63 =	vld [tilespmem:$0x0]  }
0x11a: {  	_ =	swait.ge [sflag:s23], $0x2000  }
0x11b: {  	[sflag:s23] =	ssyncset.done $0x0  }
0x11c: {  	[sflag:s23] =	ssyncadd.s32 $0xFFFFE000  }
0x11d: {  	_ =	swait.ge [sflag:s25], $0x2000  }
0x11e: {  	[sflag:s25] =	ssyncset.done $0x0  }
0x11f: {  	s4 =	simm.s32 @!p1 $0x6;
	[sflag:s25] =	ssyncadd.s32 $0xFFFFE000  }
0x120: {  	_ =	swait.ge @!p1 [sflag:s4], $0x2000  }
0x121: {  	[sflag:s4] =	ssyncset.done @!p1 $0x0  }
0x122: {  	[sflag:s4] =	ssyncadd.s32 @!p1 $0xFFFFE000;
	s4 =	simm.s32 $0x0  }
0x123: {  	v0 =	vld [tilespmem:s4+$0xC070]  }
0x124: {  	v1 =	vld [tilespmem:s4+$0x10070]  }
0x125: {  	v2 =	vld [tilespmem:s4+$0xC000]  }
0x126: {  	v3 =	vld [tilespmem:s4+$0x10000]  }
0x127: {  	v4 =	vld [tilespmem:s4+$0xC010]  }
0x128: {  	v5 =	vld [tilespmem:s4+$0x10010]  }
0x129: {  	v6 =	vld [tilespmem:s4+$0xC020]  }
0x12a: {  	v7 =	vld [tilespmem:s4+$0xC030]  }
0x12b: {  	v0 =	vmul.f32 v1, v0;
	v1 =	vld [tilespmem:s4+$0x10020]  }
0x12c: {  	v8 =	vld [tilespmem:s4+$0x10030]  }
0x12d: {  	v9 =	vld [tilespmem:s4+$0x10040];
	v2 =	vmul.f32 v3, v2  }
0x12e: {  	[tilespmem:s4+$0x14070] =	vst v0;
	v0 =	vmul.f32 v5, v4;
	v5 =	vld [tilespmem:s4+$0xC040]  }
0x12f: {  	v3 =	vld [tilespmem:s4+$0x10050];
	[tilespmem:s4+$0x14000] =	vst v2  }
0x130: {  	v2 =	vld [tilespmem:s4+$0xC050];
	[tilespmem:s4+$0x14010] =	vst v0;
	v0 =	vmul.f32 v1, v6  }
0x131: {  	v4 =	vld [tilespmem:s4+$0x10060];
	v6 =	vmul.f32 v8, v7  }
0x132: {  	s10 =	simm.s32 $0x80;
	[tilespmem:s4+$0x14020] =	vst v0;
	v0 =	vld [tilespmem:s4+$0xC060]  }
0x133: {  	s12 =	simm.s32 $0x400;
	v5 =	vmul.f32 v9, v5;
	v1 =	vld [tilespmem:s10+$0xC070];
	[tilespmem:s4+$0x14030] =	vst v6  }
.LBB2_6:
0x134: {  	p1 =	sne.s32 s12, $0x7E00;
	v6 =	vld [tilespmem:s10+$0x10070]  }
0x135: {  	v7 =	vld [tilespmem:s10+$0xC000];
	[tilespmem:s4+$0x14040] =	vst v5;
	v2 =	vmul.f32 v3, v2  }
0x136: {  	v3 =	vld [tilespmem:s10+$0x10000]  }
0x137: {  	v5 =	vld [tilespmem:s10+$0xC010];
	[tilespmem:s4+$0x14050] =	vst v2;
	v0 =	vmul.f32 v4, v0  }
0x138: {  	v2 =	vld [tilespmem:s10+$0x10010]  }
0x139: {  	v4 =	vld [tilespmem:s10+$0xC020];
	v1 =	vmul.f32 v6, v1;
	[tilespmem:s4+$0x14060] =	vst v0;
	s4 =	smov.u32 s10  }
0x13a: {  	v0 =	vld [tilespmem:s4+$0x10020]  }
0x13b: {  	v3 =	vmul.f32 v3, v7;
	v6 =	vld [tilespmem:s4+$0xC030];
	[tilespmem:s4+$0x14070] =	vst v1  }
0x13c: {  	v1 =	vld [tilespmem:s4+$0x10030]  }
0x13d: {  	[tilespmem:s4+$0x14000] =	vst v3;
	v2 =	vmul.f32 v2, v5;
	v5 =	vld [tilespmem:s4+$0xC040]  }
0x13e: {  	v7 =	vld [tilespmem:s4+$0x10040]  }
.Ltmp8:
0x13f: {  	[tilespmem:s4+$0x14010] =	vst v2;
	v0 =	vmul.f32 v0, v4;
	v2 =	vld [tilespmem:s4+$0xC050];
	(pc) =	sbr.rel @p1 .LBB2_6-.Ltmp8, $4  }
0x140: {  	v3 =	vld [tilespmem:s4+$0x10050]  }
0x141: {  	[tilespmem:s4+$0x14020] =	vst v0;
	v6 =	vmul.f32 v1, v6;
	v0 =	vld [tilespmem:s4+$0xC060]  }
0x142: {  	s10 =	sshra.s32 s12, $0x2;
	v4 =	vld [tilespmem:s4+$0x10060]  }
0x143: {  	s12 =	sadd.s32 $0x200, s12;
	v1 =	vld [tilespmem:s10+$0xC070];
	[tilespmem:s4+$0x14030] =	vst v6;
	v5 =	vmul.f32 v7, v5  }
0x144: {  	v6 =	vld [tilespmem:s10+$0x10070]  }
0x145: {  	v7 =	vld [tilespmem:s10+$0xC000];
	[tilespmem:s4+$0x14040] =	vst v5;
	v2 =	vmul.f32 v3, v2  }
0x146: {  	v50 =	vld [tilespmem:s10+$0x10000]  }
0x147: {  	v5 =	vld [tilespmem:s10+$0xC010];
	[tilespmem:s4+$0x14050] =	vst v2;
	v0 =	vmul.f32 v4, v0  }
0x148: {  	v2 =	vld [tilespmem:s10+$0x10010]  }
0x149: {  	v51 =	vld [tilespmem:s10+$0xC020];
	[tilespmem:s4+$0x14060] =	vst v0  }
0x14a: {  	v53 =	vld [tilespmem:s10+$0x10020]  }
0x14b: {  	v54 =	vld [tilespmem:s10+$0xC030]  }
0x14c: {  	v55 =	vld [tilespmem:s10+$0x10030]  }
0x14d: {  	v56 =	vld [tilespmem:s10+$0xC040]  }
0x14e: {  	v57 =	vld [tilespmem:s10+$0x10040]  }
0x14f: {  	v58 =	vld [tilespmem:s10+$0xC050]  }
0x150: {  	v52 =	vmul.f32 v6, v1;
	v59 =	vld [tilespmem:s10+$0x10050]  }
0x151: {  	v60 =	vld [tilespmem:s10+$0xC060];
	v3 =	vmul.f32 v50, v7  }
0x152: {  	v61 =	vld [tilespmem:s10+$0x10060];
	[tilespmem:s10+$0x14070] =	vst v52;
	v2 =	vmul.f32 v2, v5  }
0x153: {  	[tilespmem:s10+$0x14000] =	vst v3;
	v1 =	vmul.f32 v53, v51  }
0x154: {  	[tilespmem:s10+$0x14010] =	vst v2;
	v0 =	vmul.f32 v55, v54  }
.Ltmp9:
0x155: {  	v3 =	vmul.f32 v57, v56;
	[tilespmem:s10+$0x14020] =	vst v1;
	(pc) =	sbr.rel @p2 .LBB2_8-.Ltmp9, $4  }
0x156: {  	v62 =	vmul.f32 v59, v58;
	[tilespmem:s10+$0x14030] =	vst v0  }
0x157: {  	[tilespmem:s10+$0x14040] =	vst v3;
	v1 =	vmul.f32 v61, v60  }
0x158: {  	[tilespmem:s10+$0x14050] =	vst v62  }
0x159: {  	[tilespmem:s10+$0x14060] =	vst v1  }
0x15a: {  	s4 =	sshll.u32 s18, $0x8  }
0x15b: {  	s4 =	sadd.s32 $0x180, s4  }
0x15c: {  	[tilespmem:s29], [sflag:$0x2] =	stream.indirect.gather [hbm4b:s1+s24], $0x40, s4, s24, $0xb8;
	v63 =	vld [tilespmem:$0x0]  }
0x15d: {  	s4 =	sadd.s32 s15, s4  }
.Ltmp10:
0x15e: {  	s4 =	sshll.u32 s4, $0x4;
	(pc) =	sbr.rel .LBB2_3-.Ltmp10, $4  }
0x15f: {  	s4 =	sadd.s32 s6, s4  }
0x160: {  	[tilespmem:s30], [sflag:$0x4] =	stream.strided.gather [hbm4b:s4+s26], $0x2000, s24, s26, $0x38;
	v63 =	vld [tilespmem:$0x0]  }
0x161: {  	s19 =	sadd.s32 $0x5080, s14;
	s18 =	sadd.s32 $0x1, s18  }
0x162: {  	[spmem:s3] =	stream.indirect.scatter.add.f32 [tilespmem:s28], [sflag:$0x6], $0x40, s19, s24, $0xb8;
	v63 =	vld [tilespmem:$0x0]  }
.LBB2_8:
.Ltmp11:
0x163: {  	(pc) =	sbr.rel .LBB2_17-.Ltmp11, $2  }
0x164: {  	_ =	sdelay $0x2  }
0x165: {  	s4 =	rddreg [dreg:$0x4]  }
.LBB2_18:
0x166: {  	_ =	sfence.sel $0x180000  }
0x167: {  	[bflag:$0x0] =	sbarrier.arrive $0xFFFF  }
0x168: {  	_ =	strace $0x9000004A  }
0x169: {  	s0 =	stileid.u32;
	[bflag:$0x2] =	sbarrier.arrive $0xFFFF  }
0x16a: {  	p0 =	sne.s32 s0, $0x0;
	s0 =	rddreg [dreg:$0x3]  }
0x16b: {  	s0 =	sadd.s32 @!p0 $0x100000, s0  }
0x16c: {  	[sflag:s0] =	ssyncadd.tile.s32 @!p0 $0x1;
	_ =	shalt  }
.Lfunc_end2:
_tile_overlayer_lowered:
.L_overlay_start_2:
0x16d: {  	(tag) =	ssettag $0x2  }
0x16e: {  	s0 =	rddreg [dreg:$0x0];
	s2 =	stileid.u32  }
0x16f: {  	s1 =	rddreg [dreg:$0x1];
	p0 =	sne.s32 s2, $0x0  }
0x170: {  	s3 =	rddreg [dreg:$0x2];
	[bflag:$0x3] =	sbarrier.arrive $0xFFFF;
	s2 =	simm.s32 @!p0 $0x1C07  }
0x171: {  	[timem:s3], [sflag:s2] =	dma.local @!p0 [hbm:s0], s1  }
0x172: {  	s0 =	simm.s32 @!p0 $0x7  }
0x173: {  	_ =	swait.ge @!p0 [sflag:s0], s1  }
0x174: {  	s1 =	ssub.s32 @!p0 $0x0, s1;
	[sflag:s0] =	ssyncset.done @!p0 $0x0  }
0x175: {  	[sflag:s0] =	ssyncadd.s32 @!p0 s1  }
0x176: {  	[bflag:$0x3] =	sbarrier.arrive $0xFFFF  }
0x177: {  	_ =	shalt  }

// kernel: kernel.16.cloned.1.call-start
scs
__scs_entry_jumppad:
0x0: {  	(pc) =	sbr.rel $0x88, $3  }
0x1: {  	(tag) =	ssettag $0x0;
	lr =	simm.s32 $0x1  }
0x2: {  	[smem:$0x3F97] =	sst lr;
	_ =	strace $0xD0000000  }
0x3: {  	_ = 	snop  }
0x4: {  	_ = 	snop  }
0x5: {  	_ = 	snop  }
0x6: {  	_ = 	snop  }
0x7: {  	_ = 	snop  }
__scs_overlays_trampoline_lowered:
0x8: {  	[smem:$0x3FA6] =	sst s0  }
0x9: {  	[smem:$0x3FA7] =	sst s1  }
0xa: {  	[smem:$0x3FA8] =	sst s2  }
0xb: {  	[smem:$0x3FA9] =	sst s3  }
0xc: {  	[smem:$0x3FAA] =	sst s4  }
0xd: {  	[smem:$0x3FAB] =	sst s5  }
0xe: {  	[smem:$0x3FAC] =	sst s6  }
0xf: {  	[smem:$0x3FAD] =	sst s7  }
0x10: {  	[smem:$0x3FAE] =	sst s8  }
0x11: {  	[smem:$0x3FAF] =	sst s9;
	s0 =	simm.s32 @!p0 $0x0  }
0x12: {  	s1 =	sld [smem:$0x3F95];
	s0 =	simm.s32 @p0 $0x1  }
0x13: {  	[smem:$0x3FB0] =	sst s0;
	s0 =	simm.s32 @!p1 $0x0  }
0x14: {  	s2 =	sld [smem:$0x3F94];
	s0 =	simm.s32 @p1 $0x1  }
0x15: {  	[smem:$0x3FB1] =	sst s0;
	s0 =	simm.s32 @!p2 $0x0  }
0x16: {  	s3 =	sld [smem:$0x3FDB];
	s0 =	simm.s32 @p2 $0x1  }
0x17: {  	s4 =	simm.s32 $0x1BF5;
	[smem:$0x3FB3] =	sst s0  }
0x18: {  	s0 =	sld [smem:$0x3F96];
	_ =	swait.ge [sflag:s4], $0x0  }
0x19: {  	s7 =	sld [smem:$0x3F97]  }
0x1a: {  	s8 =	sadd.s32 $0xFFFFE003, lr  }
0x1b: {  	s9 =	sadd.s32 $0xFFFFFEF7, lr;
	s5 =	simm.s32 $0xFFFFFFFF;
	p2 =	slt.u32 s8, $0xFFFFF086  }
0x1c: {  	p1 =	slt.u32 s9, $0xF7A;
	s5 =	simm.s32 @!p2 $0x0  }
0x1d: {  	s5 =	simm.s32 @p1 $0x1;
	p0 =	seq.s32 s7, s2  }
0x1e: {  	s7 =	smul.u32 @!p0 $0xF7A, s2;
	p2 =	seq.s32 @!p0 s5, $0x0  }
0x1f: {  	s9 =	smul.u32 $0xF7A, s1;
	s8 =	simm.s32 @!p0 $0x1BF5;
	p2 =	por !p2, p0  }
0x20: {  	[sflag:s8] =	ssyncset.s32 @!p0 $0xFFFFF086;
	s6 =	sadd.s32 @!p0 s3, s7;
	s7 =	simm.s32 @!p0 $0x108  }
0x21: {  	s3 =	sadd.s32 s3, s9;
	s6 =	sadd.s32 @!p0 $0x88, s6;
	s7 =	simm.s32 @p2 $0x1082  }
0x22: {  	[simem:s7], [sflag:s8] =	dma.local @!p0 [hbm:s6], $0xF7A  }
0x23: {  	s9 =	sor.u32 $0xD0000000, s2;
	s6 =	simm.s32 $0x108;
	_ =	swait.ge @!p0 [sflag:s8], $0x0  }
0x24: {  	s3 =	sadd.s32 $0x88, s3;
	s6 =	simm.s32 @!p1 $0x1082;
	[sflag:s4] =	ssyncset.s32 $0xFFFFF086  }
0x25: {  	[simem:s6], [sflag:s4] =	dma.local [hbm:s3], $0xF7A  }
0x26: {  	[smem:$0x3F97] =	sst s1;
	(tag) =	ssettag s2;
	_ =	strace s9  }
0x27: {  	s1 =	sld [smem:$0x3FA7]  }
0x28: {  	s2 =	sld [smem:$0x3FA8]  }
0x29: {  	s4 =	sld [smem:$0x3FAA]  }
0x2a: {  	p0 =	seq.s32 s5, $0x0;
	s5 =	sld [smem:$0x3FAB]  }
0x2b: {  	s6 =	sld [smem:$0x3FAC]  }
0x2c: {  	s7 =	sld [smem:$0x3FAD]  }
0x2d: {  	s3 =	simm.s32 $0x108;
	s8 =	sld [smem:$0x3FAE]  }
0x2e: {  	s3 =	simm.s32 @!p0 $0x1082;
	s9 =	sld [smem:$0x3FAF]  }
0x2f: {  	lr =	sadd.s32 s0, s3;
	s0 =	sld [smem:$0x3FA6]  }
0x30: {  	s3 =	sld [smem:$0x3FA9]  }
0x31: {  	[smem:$0x3FB2] =	sst s10  }
0x32: {  	s10 =	sld [smem:$0x3FB0];
	_ =	sdelay $0x3  }
0x33: {  	p0 =	seq.s32 s10, $0x1;
	s10 =	sld [smem:$0x3FB2];
	_ =	sdelay $0x3  }
0x34: {  	[smem:$0x3FB2] =	sst s10  }
0x35: {  	s10 =	sld [smem:$0x3FB1];
	_ =	sdelay $0x3  }
0x36: {  	p1 =	seq.s32 s10, $0x1;
	s10 =	sld [smem:$0x3FB2];
	_ =	sdelay $0x3  }
0x37: {  	[smem:$0x3FB2] =	sst s10  }
0x38: {  	s10 =	sld [smem:$0x3FB3]  }
0x39: {  	_ = 	snop;
	(pc) =	sbr.ind lr, $3  }
0x3a: {  	_ = 	snop  }
0x3b: {  	_ = 	snop  }
0x3c: {  	p2 =	seq.s32 s10, $0x1;
	s10 =	sld [smem:$0x3FB2]  }
0x3d: {  	_ =	shalt  }
0x3e: {  	_ =	shalt  }
0x3f: {  	_ =	shalt  }
0x40: {  	_ =	shalt  }
0x41: {  	_ =	shalt  }
0x42: {  	_ =	shalt  }
0x43: {  	_ =	shalt  }
0x44: {  	_ =	shalt  }
0x45: {  	_ =	shalt  }
0x46: {  	_ =	shalt  }
0x47: {  	_ =	shalt  }
0x48: {  	_ =	shalt  }
0x49: {  	_ =	shalt  }
0x4a: {  	_ =	shalt  }
0x4b: {  	_ =	shalt  }
0x4c: {  	_ =	shalt  }
0x4d: {  	_ =	shalt  }
0x4e: {  	_ =	shalt  }
0x4f: {  	_ =	shalt  }
0x50: {  	_ =	shalt  }
0x51: {  	_ =	shalt  }
0x52: {  	_ =	shalt  }
0x53: {  	_ =	shalt  }
0x54: {  	_ =	shalt  }
0x55: {  	_ =	shalt  }
0x56: {  	_ =	shalt  }
0x57: {  	_ =	shalt  }
0x58: {  	_ =	shalt  }
0x59: {  	_ =	shalt  }
0x5a: {  	_ =	shalt  }
0x5b: {  	_ =	shalt  }
0x5c: {  	_ =	shalt  }
0x5d: {  	_ =	shalt  }
0x5e: {  	_ =	shalt  }
0x5f: {  	_ =	shalt  }
0x60: {  	_ =	shalt  }
0x61: {  	_ =	shalt  }
0x62: {  	_ =	shalt  }
0x63: {  	_ =	shalt  }
0x64: {  	_ =	shalt  }
0x65: {  	_ =	shalt  }
0x66: {  	_ =	shalt  }
0x67: {  	_ =	shalt  }
0x68: {  	_ =	shalt  }
0x69: {  	_ =	shalt  }
0x6a: {  	_ =	shalt  }
0x6b: {  	_ =	shalt  }
0x6c: {  	_ =	shalt  }
0x6d: {  	_ =	shalt  }
0x6e: {  	_ =	shalt  }
0x6f: {  	_ =	shalt  }
0x70: {  	_ =	shalt  }
0x71: {  	_ =	shalt  }
0x72: {  	_ =	shalt  }
0x73: {  	_ =	shalt  }
0x74: {  	_ =	shalt  }
0x75: {  	_ =	shalt  }
0x76: {  	_ =	shalt  }
0x77: {  	_ =	shalt  }
0x78: {  	_ =	shalt  }
0x79: {  	_ =	shalt  }
0x7a: {  	_ =	shalt  }
0x7b: {  	_ =	shalt  }
0x7c: {  	_ =	shalt  }
0x7d: {  	_ =	shalt  }
0x7e: {  	_ =	shalt  }
0x7f: {  	_ =	shalt  }
0x80: {  	_ =	shalt  }
0x81: {  	_ =	shalt  }
0x82: {  	_ =	shalt  }
0x83: {  	_ =	shalt  }
0x84: {  	_ =	shalt  }
0x85: {  	_ =	shalt  }
0x86: {  	_ =	shalt  }
0x87: {  	_ =	shalt  }
.Lfunc_end0:
.L_simem_size_0:
called_computation.2_lowered:
.L_overlay_start_0:
0x88: {  	s2 =	sld [smem:$0x3FD9]  }
0x89: {  	s3 =	sld [smem:$0x3FFE];
	_ =	sdelay $0x1  }
0x8a: {  	s1 =	srdreg.scid  }
0x8b: {  	s0 =	sand.u32 $0x1, s1  }
0x8c: {  	s17 =	sshll.u32 s0, $0xA;
	s2 =	sadd.s32 s3, s2  }
0x8d: {  	s2 =	sadd.s32 s2, s17  }
0x8e: {  	[smem:$0x3FBE] =	sst s2  }
0x8f: {  	_ = 	snop  }
0x90: {  	s2 =	sld [smem:$0x3FD0];
	(tm) =	ssettm $0x1  }
0x91: {  	s18 =	sld [smem:$0x3FFB];
	_ =	sdelay $0x3  }
0x92: {  	_ =	strace s18  }
0x93: {  	s3 =	sld [smem:$0x3FFC];
	_ =	sdelay $0x3  }
0x94: {  	_ =	strace s3  }
0x95: {  	s3 =	sld [smem:$0x3FFD];
	_ =	sdelay $0x3  }
0x96: {  	_ =	strace s3  }
0x97: {  	_ =	strace $0x8FFFFFFF  }
0x98: {  	s19 =	sld [smem:$0x3FDB];
	_ =	sdelay $0x1  }
0x99: {  	s4 =	simm.s32 $_scs_section_size  }
0x9a: {  	s5 =	simm.s32 $_size__tile_overlayer_lowered;
	s6 =	simm.s32 $_tile_overlayer_lowered  }
0x9b: {  	s22 =	simm.s32 $0x1BFF;
	s21 =	sshll.u32 s6, $0x1;
	s3 =	sadd.s32 s4, s19  }
0x9c: {  	s7 =	simm.s32 $0x0;
	s20 =	sshll.u32 s5, $0x1;
	s5 =	sadd.s32 s21, s3  }
0x9d: {  	[timem:s7], [sflag:s22] =	dma.local [hbm:s5], s20  }
0x9e: {  	_ =	swait.ge [sflag:s22], s20  }
0x9f: {  	s4 =	ssub.s32 $0x0, s20;
	[sflag:s22] =	ssyncset.done $0x0  }
0xa0: {  	[sflag:s22] =	ssyncadd.s32 s4;
	_ =	sdelay $0x1  }
0xa1: {  	s23 =	simm.s32 $0x1B8B  }
0xa2: {  	_ =	swait.ge [sflag:s23], $0x1  }
0xa3: {  	[sflag:s23] =	ssyncset.done $0x0  }
0xa4: {  	s25 =	simm.s32 $0x1B8E;
	s24 =	sld [smem:$0x3FFE];
	[sflag:s23] =	ssyncadd.s32 $0xFFFFFFFF  }
0xa5: {  	s26 =	simm.s32 $execute0_lowered;
	[smem:$0x3FD2] =	sst s25  }
0xa6: {  	s5 =	sshll.u32 s26, $0x1;
	_ =	strace $0x8000004C;
	[dreg:$0x1] =	wrdreg $0xFFFFFFFF  }
0xa7: {  	s28 =	simm.s32 $_size_execute0_lowered;
	s3 =	sadd.s32 s3, s5;
	[dreg:$0x0] =	wrdreg $0x0  }
0xa8: {  	s5 =	sshll.u32 s28, $0x1;
	[dreg:$0x2] =	wrdreg s3  }
0xa9: {  	[dreg:$0x3] =	wrdreg s5  }
0xaa: {  	[dreg:$0x4] =	wrdreg $0xC0  }
0xab: {  	_ =	task [dreg:s7], $0x5FFFF  }
0xac: {  	[dreg:$0x1] =	wrdreg $0xFFFFFFFF  }
0xad: {  	[dreg:$0x0] =	wrdreg $0x60  }
0xae: {  	[dreg:$0x2] =	wrdreg s2  }
0xaf: {  	[dreg:$0x3] =	wrdreg s24  }
0xb0: {  	[dreg:$0x4] =	wrdreg $0x160000  }
0xb1: {  	[dreg:$0x5] =	wrdreg $0x9  }
0xb2: {  	_ =	task.clear_ibuf [dreg:s7], $0x6FFFF;
	_ =	strace $0x9000004C  }
0xb3: {  	s29 =	simm.s32 $0x9;
	_ =	strace $0x8000004E  }
0xb4: {  	_ =	swait.ge [sflag:s29], $0x1  }
0xb5: {  	[sflag:s29] =	ssyncadd.s32 $0xFFFFFFFF  }
0xb6: {  	_ =	strace $0x9000004E  }
0xb7: {  	_ =	sfence  }
0xb8: {  	s30 =	sld [smem:$0x0];
	_ =	sdelay $0x2  }
0xb9: {  	s31 =	sshll.u32 s1, $0xD;
	s1 =	sshrl.u32 s1, $0x2  }
0xba: {  	s3 =	sand.u32 $0x4000, s31;
	s1 =	sadd.s32 s1, s30  }
0xbb: {  	s0 =	sor.u32 s3, s0;
	s1 =	sshll.u32 s1, $0x11  }
0xbc: {  	s0 =	sor.u32 s1, s0  }
0xbd: {  	s0 =	sadd.s32 $0x8F2B, s0  }
0xbe: {  	[sflag:s0] =	ssyncadd.remote.s32 $0x1  }
0xbf: {  	_ =	sfence.sel $0xFFFF  }
0xc0: {  	[dreg:$0x0] =	wrdreg $0xFFFFFFFF;
	(pc) =	sbr.abs _section_cstart, $3  }
0xc1: {  	[dreg:$0x1] =	wrdreg $0xFFFFFFFF  }
0xc2: {  	_ =	task.clear_ibuf [dreg:s7], $0x2FFFF;
	_ =	strace $0x9FFFFFFF  }
0xc3: {  	(tm) =	ssettm $0x7FFFFFFF  }
tec
execute0_lowered:
.L_overlay_start_1:
0x0: {  	(tag) =	ssettag $0x1  }
0x1: {  	s1 =	rddreg [dreg:$0x0]  }
0x2: {  	s0 =	rddreg [dreg:$0x1]  }
0x3: {  	s3 =	rddreg [dreg:$0x2]  }
0x4: {  	s2 =	simm.s32 $0x0;
	s14 =	stileid.u32;
	s4 =	srdreg.scid  }
0x5: {  	s29 =	simm.s32 $0xC000;
	s30 =	simm.s32 $0x10000;
	s31 =	simm.s32 $0x1  }
0x6: {  	s28 =	simm.s32 $0x14000;
	s16 =	simm.s32 $0x0;
	s19 =	smul.u32 $0xA000, s14  }
0x7: {  	[smem:$0x7FF] =	sst s2;
	s5 =	sadd.s32 $0x19000, s0;
	s8 =	smul.u32 $0xA00, s14  }
0x8: {  	s4 =	sand.u32 $0x1, s4;
	s6 =	sadd.s32 $0x63B000, s0;
	s12 =	sadd.s32 $0x41000, s0  }
0x9: {  	s20 =	sadd.s32 $0x2D000, s0;
	s21 =	sshll.u32 s14, $0x6;
	s22 =	smul.u32 $0x50000, s14  }
0xa: {  	s15 =	smul.u32 $0x5000, s14;
	_ =	strace $0x8000004D;
	[dreg:$0x4] =	wrdreg s12  }
0xb: {  	s17 =	sadd.s32 $0x63B008, s0;
	s9 =	ssub.s32 $0x2, s4;
	[dreg:$0x5] =	wrdreg s20  }
0xc: {  	p0 =	seq.s32 s4, $0x1;
	s7 =	sshrl.u32 s19, $0x3;
	s8 =	sadd.s32 s8, s0  }
0xd: {  	s11 =	sshrl.u32 s9, $0x1;
	s2 =	sadd.s32 s19, s3;
	s24 =	sadd.s32 s6, s22  }
0xe: {  	s10 =	sadd.s32 s7, s0;
	s9 =	ssub.s32 s9, s11;
	s11 =	sor.u32 $0x1C07, s21  }
0xf: {  	s23 =	sadd.s32 $0xF000, s8;
	s13 =	sadd.s32 $0x5000, s8;
	s25 =	sadd.s32 $0x800, s24  }
0x10: {  	s0 =	sadd.s32 s22, s17;
	[dreg:$0x8] =	wrdreg s24;
	s26 =	sadd.s32 $0x808, s24  }
0x11: {  	s21 =	sshrl.u32 s2, $0x3;
	s22 =	simm.s32 $0x7;
	[dreg:$0x7] =	wrdreg s23  }
.Ltmp0:
0x12: {  	s24 =	simm.s32 $0x80;
	[dreg:$0x9] =	wrdreg s25;
	(pc) =	sbr.rel .LBB2_1-.Ltmp0, $4  }
0x13: {  	s2 =	simm.s32 $0x12000;
	s8 =	simm.s32 $0x5;
	[dreg:$0xa] =	wrdreg s0  }
0x14: {  	s10 =	sadd.s32 $0x5FF000, s10;
	[dreg:$0xb] =	wrdreg s26;
	s20 =	smax.u32 s9, $0x1  }
0x15: {  	s26 =	simm.s32 $0x40;
	s0 =	simm.s32 $0x3;
	s23 =	simm.s32 $0x2  }
0x16: {  	s25 =	simm.s32 $0x4;
	s9 =	simm.s32 $0x6;
	[dreg:$0x6] =	wrdreg s10  }
.LBB2_16:
0x17: {  	s4 =	rddreg [dreg:$0x5]  }
.LBB2_17:
0x18: {  	s10 =	sshrl.u32 s19, $0x2  }
0x19: {  	s10 =	sadd.s32 $0x5080, s10  }
0x1a: {  	[spmem:s3] =	stream.indirect.scatter.add.f32 [tilespmem:s28], [sflag:$0x6], $0x40, s10, s24, $0xb8;
	v63 =	vld [tilespmem:$0x0]  }
0x1b: {  	_ =	swait.ge [sflag:s8], $0x2000  }
0x1c: {  	[sflag:s8] =	ssyncset.done $0x0  }
0x1d: {  	[sflag:s8] =	ssyncadd.s32 $0xFFFFE000  }
0x1e: {  	_ =	swait.ge [sflag:s9], $0x2000  }
0x1f: {  	s16 =	sadd.s32 $0x1, s16;
	[sflag:s9] =	ssyncset.done $0x0  }
0x20: {  	p1 =	sne.s32 s16, s20;
	[sflag:s9] =	ssyncadd.s32 $0xFFFFE000  }
.Ltmp1:
0x21: {  	s4 =	sadd.s32 s4, s7;
	[bflag:$0x0] =	sbarrier.arrive $0xFFFF;
	(pc) =	sbr.rel @!p1 .LBB2_18-.Ltmp1, $4  }
0x22: {  	[hbm:s4], [sflag:s11] =	dma.local [spmem:s21], $0x1400  }
0x23: {  	_ =	swait.ge [sflag:s22], $0x1400  }
0x24: {  	[sflag:s22] =	ssyncset.done $0x0  }
0x25: {  	[sflag:s22] =	ssyncadd.s32 $0xFFFFEC00  }
.LBB2_1:
0x26: {  	s4 =	rddreg [dreg:$0x6]  }
0x27: {  	[spmem:s21], [sflag:s11] =	dma.local [hbm:s4], $0x1400  }
0x28: {  	_ =	swait.ge [sflag:s22], $0x1400  }
0x29: {  	[sflag:s22] =	ssyncset.done $0x0  }
0x2a: {  	s18 =	simm.s32 $0x0;
	s10 =	rddreg [dreg:$0x7];
	[sflag:s22] =	ssyncadd.s32 $0xFFFFEC00  }
0x2b: {  	[tilespmem:s18], [sflag:$0x7] =	stream.linear.gather [hbm4b:s10+s18], $0x5000, $0x38;
	v63 =	vld [tilespmem:$0x0]  }
0x2c: {  	_ =	swait.ge [sflag:s22], $0x5000  }
0x2d: {  	[sflag:s22] =	ssyncset.done $0x0  }
0x2e: {  	s19 =	simm.s32 $0x5000;
	[sflag:s22] =	ssyncadd.s32 $0xFFFFB000  }
0x2f: {  	[tilespmem:s19], [sflag:$0x7] =	stream.linear.gather [hbm4b:s13+s18], $0x5000, $0x38;
	v63 =	vld [tilespmem:$0x0]  }
.Ltmp2:
0x30: {  	_ =	swait.ge [sflag:s22], $0x5000;
	(pc) =	sbr.rel @!p0 .LBB2_2-.Ltmp2, $4  }
0x31: {  	[sflag:s22] =	ssyncset.done $0x0  }
0x32: {  	[sflag:s22] =	ssyncadd.s32 $0xFFFFB000  }
0x33: {  	[bflag:$0x0] =	sbarrier.arrive $0xFFFF  }
0x34: {  	s4 =	simm.s32 $0xA000;
	s18 =	simm.s32 $0x0  }
0x35: {  	[tilespmem:s4], [sflag:$0x1] =	stream.indirect.gather [hbm4b:s5+s24], $0x40, s18, s24, $0xb8;
	v63 =	vld [tilespmem:$0x0]  }
0x36: {  	s14 =	rddreg [dreg:$0xa];
	s10 =	simm.s32 $0xE000  }
0x37: {  	[tilespmem:s10], [sflag:$0x3] =	stream.strided.gather [hbm4b:s14+s26], $0x2000, s24, s26, $0x38;
	v63 =	vld [tilespmem:$0x0]  }
0x38: {  	_ = 	snop  }
0x39: {  	[tilespmem:s29], [sflag:$0x2] =	stream.indirect.gather [hbm4b:s5+s24], $0x40, s24, s24, $0xb8;
	v63 =	vld [tilespmem:$0x0]  }
0x3a: {  	s19 =	rddreg [dreg:$0xb]  }
0x3b: {  	[tilespmem:s30], [sflag:$0x4] =	stream.strided.gather [hbm4b:s19+s26], $0x2000, s24, s26, $0x38;
	v63 =	vld [tilespmem:$0x0]  }
.LBB2_11:
0x3c: {  	_ =	swait.ge [sflag:s31], $0x2000  }
0x3d: {  	[sflag:s31] =	ssyncset.done $0x0  }
0x3e: {  	[sflag:s31] =	ssyncadd.s32 $0xFFFFE000  }
0x3f: {  	_ =	swait.ge [sflag:s0], $0x2000  }
0x40: {  	p1 =	seq.s32 s18, $0x0;
	[sflag:s0] =	ssyncset.done $0x0  }
0x41: {  	s4 =	simm.s32 @!p1 $0x5;
	[sflag:s0] =	ssyncadd.s32 $0xFFFFE000  }
0x42: {  	_ =	swait.ge @!p1 [sflag:s4], $0x2000  }
0x43: {  	[sflag:s4] =	ssyncset.done @!p1 $0x0  }
0x44: {  	[sflag:s4] =	ssyncadd.s32 @!p1 $0xFFFFE000;
	s4 =	simm.s32 $0x0  }
0x45: {  	v0 =	vld [tilespmem:s4+$0xA070]  }
0x46: {  	v1 =	vld [tilespmem:s4+$0xE070]  }
0x47: {  	v2 =	vld [tilespmem:s4+$0xA000]  }
0x48: {  	v3 =	vld [tilespmem:s4+$0xE000]  }
0x49: {  	v4 =	vld [tilespmem:s4+$0xA010]  }
0x4a: {  	v5 =	vld [tilespmem:s4+$0xE010]  }
0x4b: {  	v6 =	vld [tilespmem:s4+$0xA020]  }
0x4c: {  	v7 =	vld [tilespmem:s4+$0xA030]  }
0x4d: {  	v0 =	vmul.f32 v1, v0;
	v1 =	vld [tilespmem:s4+$0xE020]  }
0x4e: {  	v8 =	vld [tilespmem:s4+$0xE030]  }
0x4f: {  	v9 =	vld [tilespmem:s4+$0xE040];
	v2 =	vmul.f32 v3, v2  }
0x50: {  	[tilespmem:s4+$0x12070] =	vst v0;
	v0 =	vmul.f32 v5, v4;
	v5 =	vld [tilespmem:s4+$0xA040]  }
0x51: {  	v3 =	vld [tilespmem:s4+$0xE050];
	[tilespmem:s4+$0x12000] =	vst v2  }
0x52: {  	v2 =	vld [tilespmem:s4+$0xA050];
	[tilespmem:s4+$0x12010] =	vst v0;
	v0 =	vmul.f32 v1, v6  }
0x53: {  	v4 =	vld [tilespmem:s4+$0xE060];
	v6 =	vmul.f32 v8, v7  }
0x54: {  	s14 =	simm.s32 $0x80;
	[tilespmem:s4+$0x12020] =	vst v0;
	v0 =	vld [tilespmem:s4+$0xA060]  }
0x55: {  	s10 =	simm.s32 $0x400;
	v5 =	vmul.f32 v9, v5;
	v1 =	vld [tilespmem:s14+$0xA070];
	[tilespmem:s4+$0x12030] =	vst v6  }
.LBB2_12:
0x56: {  	p2 =	sne.s32 s10, $0x7E00;
	v6 =	vld [tilespmem:s14+$0xE070]  }
0x57: {  	v7 =	vld [tilespmem:s14+$0xA000];
	[tilespmem:s4+$0x12040] =	vst v5;
	v2 =	vmul.f32 v3, v2  }
0x58: {  	v3 =	vld [tilespmem:s14+$0xE000]  }
0x59: {  	v5 =	vld [tilespmem:s14+$0xA010];
	[tilespmem:s4+$0x12050] =	vst v2;
	v0 =	vmul.f32 v4, v0  }
0x5a: {  	v2 =	vld [tilespmem:s14+$0xE010]  }
0x5b: {  	v4 =	vld [tilespmem:s14+$0xA020];
	v1 =	vmul.f32 v6, v1;
	[tilespmem:s4+$0x12060] =	vst v0;
	s4 =	smov.u32 s14  }
0x5c: {  	v0 =	vld [tilespmem:s4+$0xE020]  }
0x5d: {  	v3 =	vmul.f32 v3, v7;
	v6 =	vld [tilespmem:s4+$0xA030];
	[tilespmem:s4+$0x12070] =	vst v1  }
0x5e: {  	v1 =	vld [tilespmem:s4+$0xE030]  }
0x5f: {  	[tilespmem:s4+$0x12000] =	vst v3;
	v2 =	vmul.f32 v2, v5;
	v5 =	vld [tilespmem:s4+$0xA040]  }
0x60: {  	v7 =	vld [tilespmem:s4+$0xE040]  }
.Ltmp3:
0x61: {  	[tilespmem:s4+$0x12010] =	vst v2;
	v0 =	vmul.f32 v0, v4;
	v2 =	vld [tilespmem:s4+$0xA050];
	(pc) =	sbr.rel @p2 .LBB2_12-.Ltmp3, $4  }
0x62: {  	v3 =	vld [tilespmem:s4+$0xE050]  }
0x63: {  	[tilespmem:s4+$0x12020] =	vst v0;
	v6 =	vmul.f32 v1, v6;
	v0 =	vld [tilespmem:s4+$0xA060]  }
0x64: {  	s14 =	sshra.s32 s10, $0x2;
	v4 =	vld [tilespmem:s4+$0xE060]  }
0x65: {  	s10 =	sadd.s32 $0x200, s10;
	v1 =	vld [tilespmem:s14+$0xA070];
	[tilespmem:s4+$0x12030] =	vst v6;
	v5 =	vmul.f32 v7, v5  }
0x66: {  	v6 =	vld [tilespmem:s14+$0xE070]  }
0x67: {  	v7 =	vld [tilespmem:s14+$0xA000];
	[tilespmem:s4+$0x12040] =	vst v5;
	v2 =	vmul.f32 v3, v2  }
0x68: {  	v3 =	vld [tilespmem:s14+$0xE000]  }
0x69: {  	v5 =	vld [tilespmem:s14+$0xA010];
	[tilespmem:s4+$0x12050] =	vst v2;
	v0 =	vmul.f32 v4, v0  }
0x6a: {  	v2 =	vld [tilespmem:s14+$0xE010]  }
0x6b: {  	v4 =	vld [tilespmem:s14+$0xA020];
	[tilespmem:s4+$0x12060] =	vst v0  }
0x6c: {  	v0 =	vmul.f32 v6, v1;
	v1 =	vld [tilespmem:s14+$0xE020]  }
0x6d: {  	v6 =	vld [tilespmem:s14+$0xA030]  }
0x6e: {  	v3 =	vmul.f32 v3, v7;
	[tilespmem:s14+$0x12070] =	vst v0;
	v0 =	vld [tilespmem:s14+$0xE030]  }
0x6f: {  	v7 =	vld [tilespmem:s14+$0xE060]  }
0x70: {  	[tilespmem:s14+$0x12000] =	vst v3;
	v2 =	vmul.f32 v2, v5;
	v3 =	vld [tilespmem:s14+$0xA040]  }
0x71: {  	v5 =	vld [tilespmem:s14+$0xE040]  }
0x72: {  	[tilespmem:s14+$0x12010] =	vst v2;
	v1 =	vmul.f32 v1, v4;
	v2 =	vld [tilespmem:s14+$0xA050]  }
0x73: {  	v4 =	vld [tilespmem:s14+$0xE050]  }
0x74: {  	[tilespmem:s14+$0x12020] =	vst v1;
	v1 =	vld [tilespmem:s14+$0xA060];
	_ =	sdelay $0x1  }
0x75: {  	v0 =	vmul.f32 v0, v6  }
0x76: {  	v3 =	vmul.f32 v5, v3  }
0x77: {  	[tilespmem:s14+$0x12030] =	vst v0;
	v0 =	vmul.f32 v4, v2  }
0x78: {  	p2 =	seq.s32 s18, $0x4F;
	[tilespmem:s14+$0x12040] =	vst v3;
	v1 =	vmul.f32 v7, v1  }
0x79: {  	s4 =	sshll.u32 @!p2 s18, $0x8;
	[tilespmem:s14+$0x12050] =	vst v0  }
0x7a: {  	s10 =	simm.s32 @!p2 $0x80;
	s12 =	simm.s32 @!p2 $0xA000;
	s4 =	sadd.s32 @!p2 $0x100, s4;
	[tilespmem:s14+$0x12060] =	vst v1  }
0x7b: {  	[tilespmem:s12], [sflag:$0x1] =	stream.indirect.gather @!p2 [hbm4b:s5+s10], $0x40, s4, s10, $0xb8;
	v63 =	vld [tilespmem:$0x0]  }
0x7c: {  	s4 =	sadd.s32 @!p2 s15, s4  }
0x7d: {  	s19 =	sshll.u32 s18, $0xA;
	s4 =	sshll.u32 @!p2 s4, $0x4  }
0x7e: {  	s14 =	simm.s32 @!p2 $0xE000;
	s12 =	simm.s32 @!p2 $0x40;
	s4 =	sadd.s32 @!p2 s4, s17  }
0x7f: {  	[tilespmem:s14], [sflag:$0x3] =	stream.strided.gather @!p2 [hbm4b:s4+s12], $0x2000, s10, s12, $0x38;
	v63 =	vld [tilespmem:$0x0]  }
0x80: {  	s14 =	sshrl.u32 s19, $0x2  }
0x81: {  	s12 =	sadd.s32 $0x5000, s14  }
0x82: {  	[spmem:s3] =	stream.indirect.scatter.add.f32 [tilespmem:s2], [sflag:$0x5], $0x40, s12, s24, $0xb8;
	v63 =	vld [tilespmem:$0x0]  }
0x83: {  	_ =	swait.ge [sflag:s23], $0x2000  }
0x84: {  	[sflag:s23] =	ssyncset.done $0x0  }
0x85: {  	[sflag:s23] =	ssyncadd.s32 $0xFFFFE000  }
0x86: {  	_ =	swait.ge [sflag:s25], $0x2000  }
0x87: {  	[sflag:s25] =	ssyncset.done $0x0  }
0x88: {  	s4 =	simm.s32 @!p1 $0x6;
	[sflag:s25] =	ssyncadd.s32 $0xFFFFE000  }
0x89: {  	_ =	swait.ge @!p1 [sflag:s4], $0x2000  }
0x8a: {  	[sflag:s4] =	ssyncset.done @!p1 $0x0  }
0x8b: {  	[sflag:s4] =	ssyncadd.s32 @!p1 $0xFFFFE000;
	s4 =	simm.s32 $0x0  }
0x8c: {  	v0 =	vld [tilespmem:s4+$0xC070]  }
0x8d: {  	v1 =	vld [tilespmem:s4+$0x10070]  }
0x8e: {  	v2 =	vld [tilespmem:s4+$0xC000]  }
0x8f: {  	v3 =	vld [tilespmem:s4+$0x10000]  }
0x90: {  	v4 =	vld [tilespmem:s4+$0xC010]  }
0x91: {  	v5 =	vld [tilespmem:s4+$0x10010]  }
0x92: {  	v6 =	vld [tilespmem:s4+$0xC020]  }
0x93: {  	v7 =	vld [tilespmem:s4+$0xC030]  }
0x94: {  	v0 =	vmul.f32 v1, v0;
	v1 =	vld [tilespmem:s4+$0x10020]  }
0x95: {  	v8 =	vld [tilespmem:s4+$0x10030]  }
0x96: {  	v9 =	vld [tilespmem:s4+$0x10040];
	v2 =	vmul.f32 v3, v2  }
0x97: {  	[tilespmem:s4+$0x14070] =	vst v0;
	v0 =	vmul.f32 v5, v4;
	v5 =	vld [tilespmem:s4+$0xC040]  }
0x98: {  	v3 =	vld [tilespmem:s4+$0x10050];
	[tilespmem:s4+$0x14000] =	vst v2  }
0x99: {  	v2 =	vld [tilespmem:s4+$0xC050];
	[tilespmem:s4+$0x14010] =	vst v0;
	v0 =	vmul.f32 v1, v6  }
0x9a: {  	v4 =	vld [tilespmem:s4+$0x10060];
	v6 =	vmul.f32 v8, v7  }
0x9b: {  	s10 =	simm.s32 $0x80;
	[tilespmem:s4+$0x14020] =	vst v0;
	v0 =	vld [tilespmem:s4+$0xC060]  }
0x9c: {  	s12 =	simm.s32 $0x400;
	v5 =	vmul.f32 v9, v5;
	v1 =	vld [tilespmem:s10+$0xC070];
	[tilespmem:s4+$0x14030] =	vst v6  }
.LBB2_14:
0x9d: {  	p1 =	sne.s32 s12, $0x7E00;
	v6 =	vld [tilespmem:s10+$0x10070]  }
0x9e: {  	v7 =	vld [tilespmem:s10+$0xC000];
	[tilespmem:s4+$0x14040] =	vst v5;
	v2 =	vmul.f32 v3, v2  }
0x9f: {  	v3 =	vld [tilespmem:s10+$0x10000]  }
0xa0: {  	v5 =	vld [tilespmem:s10+$0xC010];
	[tilespmem:s4+$0x14050] =	vst v2;
	v0 =	vmul.f32 v4, v0  }
0xa1: {  	v2 =	vld [tilespmem:s10+$0x10010]  }
0xa2: {  	v4 =	vld [tilespmem:s10+$0xC020];
	v1 =	vmul.f32 v6, v1;
	[tilespmem:s4+$0x14060] =	vst v0;
	s4 =	smov.u32 s10  }
0xa3: {  	v0 =	vld [tilespmem:s4+$0x10020]  }
0xa4: {  	v3 =	vmul.f32 v3, v7;
	v6 =	vld [tilespmem:s4+$0xC030];
	[tilespmem:s4+$0x14070] =	vst v1  }
0xa5: {  	v1 =	vld [tilespmem:s4+$0x10030]  }
0xa6: {  	[tilespmem:s4+$0x14000] =	vst v3;
	v2 =	vmul.f32 v2, v5;
	v5 =	vld [tilespmem:s4+$0xC040]  }
0xa7: {  	v7 =	vld [tilespmem:s4+$0x10040]  }
.Ltmp4:
0xa8: {  	[tilespmem:s4+$0x14010] =	vst v2;
	v0 =	vmul.f32 v0, v4;
	v2 =	vld [tilespmem:s4+$0xC050];
	(pc) =	sbr.rel @p1 .LBB2_14-.Ltmp4, $4  }
0xa9: {  	v3 =	vld [tilespmem:s4+$0x10050]  }
0xaa: {  	[tilespmem:s4+$0x14020] =	vst v0;
	v6 =	vmul.f32 v1, v6;
	v0 =	vld [tilespmem:s4+$0xC060]  }
0xab: {  	s10 =	sshra.s32 s12, $0x2;
	v4 =	vld [tilespmem:s4+$0x10060]  }
0xac: {  	s12 =	sadd.s32 $0x200, s12;
	v1 =	vld [tilespmem:s10+$0xC070];
	[tilespmem:s4+$0x14030] =	vst v6;
	v5 =	vmul.f32 v7, v5  }
0xad: {  	v6 =	vld [tilespmem:s10+$0x10070]  }
0xae: {  	v7 =	vld [tilespmem:s10+$0xC000];
	[tilespmem:s4+$0x14040] =	vst v5;
	v2 =	vmul.f32 v3, v2  }
0xaf: {  	v50 =	vld [tilespmem:s10+$0x10000]  }
0xb0: {  	v5 =	vld [tilespmem:s10+$0xC010];
	[tilespmem:s4+$0x14050] =	vst v2;
	v0 =	vmul.f32 v4, v0  }
0xb1: {  	v2 =	vld [tilespmem:s10+$0x10010]  }
0xb2: {  	v51 =	vld [tilespmem:s10+$0xC020];
	[tilespmem:s4+$0x14060] =	vst v0  }
0xb3: {  	v53 =	vld [tilespmem:s10+$0x10020]  }
0xb4: {  	v54 =	vld [tilespmem:s10+$0xC030]  }
0xb5: {  	v55 =	vld [tilespmem:s10+$0x10030]  }
0xb6: {  	v56 =	vld [tilespmem:s10+$0xC040]  }
0xb7: {  	v57 =	vld [tilespmem:s10+$0x10040]  }
0xb8: {  	v58 =	vld [tilespmem:s10+$0xC050]  }
0xb9: {  	v52 =	vmul.f32 v6, v1;
	v59 =	vld [tilespmem:s10+$0x10050]  }
0xba: {  	v60 =	vld [tilespmem:s10+$0xC060];
	v3 =	vmul.f32 v50, v7  }
0xbb: {  	v61 =	vld [tilespmem:s10+$0x10060];
	[tilespmem:s10+$0x14070] =	vst v52;
	v2 =	vmul.f32 v2, v5  }
0xbc: {  	[tilespmem:s10+$0x14000] =	vst v3;
	v1 =	vmul.f32 v53, v51  }
0xbd: {  	[tilespmem:s10+$0x14010] =	vst v2;
	v0 =	vmul.f32 v55, v54  }
.Ltmp5:
0xbe: {  	v3 =	vmul.f32 v57, v56;
	[tilespmem:s10+$0x14020] =	vst v1;
	(pc) =	sbr.rel @p2 .LBB2_16-.Ltmp5, $4  }
0xbf: {  	v62 =	vmul.f32 v59, v58;
	[tilespmem:s10+$0x14030] =	vst v0  }
0xc0: {  	[tilespmem:s10+$0x14040] =	vst v3;
	v1 =	vmul.f32 v61, v60  }
0xc1: {  	[tilespmem:s10+$0x14050] =	vst v62  }
0xc2: {  	[tilespmem:s10+$0x14060] =	vst v1  }
0xc3: {  	s4 =	sshll.u32 s18, $0x8  }
0xc4: {  	s4 =	sadd.s32 $0x180, s4  }
0xc5: {  	[tilespmem:s29], [sflag:$0x2] =	stream.indirect.gather [hbm4b:s5+s24], $0x40, s4, s24, $0xb8;
	v63 =	vld [tilespmem:$0x0]  }
0xc6: {  	s4 =	sadd.s32 s15, s4  }
.Ltmp6:
0xc7: {  	s4 =	sshll.u32 s4, $0x4;
	(pc) =	sbr.rel .LBB2_11-.Ltmp6, $4  }
0xc8: {  	s4 =	sadd.s32 s4, s17  }
0xc9: {  	[tilespmem:s30], [sflag:$0x4] =	stream.strided.gather [hbm4b:s4+s26], $0x2000, s24, s26, $0x38;
	v63 =	vld [tilespmem:$0x0]  }
0xca: {  	s19 =	sadd.s32 $0x5080, s14;
	s18 =	sadd.s32 $0x1, s18  }
0xcb: {  	[spmem:s3] =	stream.indirect.scatter.add.f32 [tilespmem:s28], [sflag:$0x6], $0x40, s19, s24, $0xb8;
	v63 =	vld [tilespmem:$0x0]  }
.LBB2_2:
0xcc: {  	[tilespmem:s4], [sflag:$0x1] =	stream.indirect.gather [hbm4b:s1+s24], $0x40, s18, s24, $0xb8;
	v63 =	vld [tilespmem:$0x0]  }
0xcd: {  	s14 =	rddreg [dreg:$0x8];
	s10 =	simm.s32 $0xE000  }
0xce: {  	[tilespmem:s10], [sflag:$0x3] =	stream.strided.gather [hbm4b:s14+s26], $0x2000, s24, s26, $0x38;
	v63 =	vld [tilespmem:$0x0]  }
0xcf: {  	_ = 	snop  }
0xd0: {  	[tilespmem:s29], [sflag:$0x2] =	stream.indirect.gather [hbm4b:s1+s24], $0x40, s24, s24, $0xb8;
	v63 =	vld [tilespmem:$0x0]  }
0xd1: {  	s19 =	rddreg [dreg:$0x9]  }
0xd2: {  	[tilespmem:s30], [sflag:$0x4] =	stream.strided.gather [hbm4b:s19+s26], $0x2000, s24, s26, $0x38;
	v63 =	vld [tilespmem:$0x0]  }
.LBB2_3:
0xd3: {  	_ =	swait.ge [sflag:s31], $0x2000  }
0xd4: {  	[sflag:s31] =	ssyncset.done $0x0  }
0xd5: {  	[sflag:s31] =	ssyncadd.s32 $0xFFFFE000  }
0xd6: {  	_ =	swait.ge [sflag:s0], $0x2000  }
0xd7: {  	p1 =	seq.s32 s18, $0x0;
	[sflag:s0] =	ssyncset.done $0x0  }
0xd8: {  	s4 =	simm.s32 @!p1 $0x5;
	[sflag:s0] =	ssyncadd.s32 $0xFFFFE000  }
0xd9: {  	_ =	swait.ge @!p1 [sflag:s4], $0x2000  }
0xda: {  	[sflag:s4] =	ssyncset.done @!p1 $0x0  }
0xdb: {  	s14 =	simm.s32 $0x0;
	[sflag:s4] =	ssyncadd.s32 @!p1 $0xFFFFE000  }
0xdc: {  	v0 =	vld [tilespmem:s14+$0xA070]  }
0xdd: {  	v1 =	vld [tilespmem:s14+$0xE070]  }
0xde: {  	v2 =	vld [tilespmem:s14+$0xA000]  }
0xdf: {  	v3 =	vld [tilespmem:s14+$0xE000]  }
0xe0: {  	v4 =	vld [tilespmem:s14+$0xA010]  }
0xe1: {  	v5 =	vld [tilespmem:s14+$0xE010]  }
0xe2: {  	v6 =	vld [tilespmem:s14+$0xA020]  }
0xe3: {  	v7 =	vld [tilespmem:s14+$0xA030]  }
0xe4: {  	v0 =	vmul.f32 v1, v0;
	v1 =	vld [tilespmem:s14+$0xE020]  }
0xe5: {  	v8 =	vld [tilespmem:s14+$0xE030]  }
0xe6: {  	v9 =	vld [tilespmem:s14+$0xE040];
	v2 =	vmul.f32 v3, v2  }
0xe7: {  	[tilespmem:s14+$0x12070] =	vst v0;
	v0 =	vmul.f32 v5, v4;
	v5 =	vld [tilespmem:s14+$0xA040]  }
0xe8: {  	v3 =	vld [tilespmem:s14+$0xE050];
	[tilespmem:s14+$0x12000] =	vst v2  }
0xe9: {  	v2 =	vld [tilespmem:s14+$0xA050];
	[tilespmem:s14+$0x12010] =	vst v0;
	v0 =	vmul.f32 v1, v6  }
0xea: {  	v4 =	vld [tilespmem:s14+$0xE060];
	v6 =	vmul.f32 v8, v7  }
0xeb: {  	s4 =	simm.s32 $0x80;
	[tilespmem:s14+$0x12020] =	vst v0;
	v0 =	vld [tilespmem:s14+$0xA060]  }
0xec: {  	s10 =	simm.s32 $0x400;
	v5 =	vmul.f32 v9, v5;
	v1 =	vld [tilespmem:s4+$0xA070];
	[tilespmem:s14+$0x12030] =	vst v6  }
.LBB2_4:
0xed: {  	p2 =	sne.s32 s10, $0x7E00;
	v6 =	vld [tilespmem:s4+$0xE070]  }
0xee: {  	v7 =	vld [tilespmem:s4+$0xA000];
	[tilespmem:s14+$0x12040] =	vst v5;
	v2 =	vmul.f32 v3, v2  }
0xef: {  	v3 =	vld [tilespmem:s4+$0xE000]  }
0xf0: {  	v5 =	vld [tilespmem:s4+$0xA010];
	[tilespmem:s14+$0x12050] =	vst v2;
	v0 =	vmul.f32 v4, v0  }
0xf1: {  	v2 =	vld [tilespmem:s4+$0xE010]  }
0xf2: {  	v4 =	vld [tilespmem:s4+$0xA020];
	v1 =	vmul.f32 v6, v1;
	[tilespmem:s14+$0x12060] =	vst v0;
	s14 =	smov.u32 s4  }
0xf3: {  	v0 =	vld [tilespmem:s14+$0xE020]  }
0xf4: {  	v3 =	vmul.f32 v3, v7;
	v6 =	vld [tilespmem:s14+$0xA030];
	[tilespmem:s14+$0x12070] =	vst v1  }
0xf5: {  	v1 =	vld [tilespmem:s14+$0xE030]  }
0xf6: {  	[tilespmem:s14+$0x12000] =	vst v3;
	v2 =	vmul.f32 v2, v5;
	v5 =	vld [tilespmem:s14+$0xA040]  }
0xf7: {  	v7 =	vld [tilespmem:s14+$0xE040]  }
.Ltmp7:
0xf8: {  	[tilespmem:s14+$0x12010] =	vst v2;
	v0 =	vmul.f32 v0, v4;
	v2 =	vld [tilespmem:s14+$0xA050];
	(pc) =	sbr.rel @p2 .LBB2_4-.Ltmp7, $4  }
0xf9: {  	v3 =	vld [tilespmem:s14+$0xE050]  }
0xfa: {  	[tilespmem:s14+$0x12020] =	vst v0;
	v6 =	vmul.f32 v1, v6;
	v0 =	vld [tilespmem:s14+$0xA060]  }
0xfb: {  	s4 =	sshra.s32 s10, $0x2;
	v4 =	vld [tilespmem:s14+$0xE060]  }
0xfc: {  	s10 =	sadd.s32 $0x200, s10;
	v1 =	vld [tilespmem:s4+$0xA070];
	[tilespmem:s14+$0x12030] =	vst v6;
	v5 =	vmul.f32 v7, v5  }
0xfd: {  	v6 =	vld [tilespmem:s4+$0xE070]  }
0xfe: {  	v7 =	vld [tilespmem:s4+$0xA000];
	[tilespmem:s14+$0x12040] =	vst v5;
	v2 =	vmul.f32 v3, v2  }
0xff: {  	v3 =	vld [tilespmem:s4+$0xE000]  }
0x100: {  	v5 =	vld [tilespmem:s4+$0xA010];
	[tilespmem:s14+$0x12050] =	vst v2;
	v0 =	vmul.f32 v4, v0  }
0x101: {  	v2 =	vld [tilespmem:s4+$0xE010]  }
0x102: {  	v4 =	vld [tilespmem:s4+$0xA020];
	[tilespmem:s14+$0x12060] =	vst v0  }
0x103: {  	v0 =	vmul.f32 v6, v1;
	v1 =	vld [tilespmem:s4+$0xE020]  }
0x104: {  	v6 =	vld [tilespmem:s4+$0xA030]  }
0x105: {  	v3 =	vmul.f32 v3, v7;
	[tilespmem:s4+$0x12070] =	vst v0;
	v0 =	vld [tilespmem:s4+$0xE030]  }
0x106: {  	v7 =	vld [tilespmem:s4+$0xE060]  }
0x107: {  	[tilespmem:s4+$0x12000] =	vst v3;
	v2 =	vmul.f32 v2, v5;
	v3 =	vld [tilespmem:s4+$0xA040]  }
0x108: {  	v5 =	vld [tilespmem:s4+$0xE040]  }
0x109: {  	[tilespmem:s4+$0x12010] =	vst v2;
	v1 =	vmul.f32 v1, v4;
	v2 =	vld [tilespmem:s4+$0xA050]  }
0x10a: {  	v4 =	vld [tilespmem:s4+$0xE050]  }
0x10b: {  	[tilespmem:s4+$0x12020] =	vst v1;
	v1 =	vld [tilespmem:s4+$0xA060];
	_ =	sdelay $0x1  }
0x10c: {  	v0 =	vmul.f32 v0, v6  }
0x10d: {  	v3 =	vmul.f32 v5, v3  }
0x10e: {  	[tilespmem:s4+$0x12030] =	vst v0;
	v0 =	vmul.f32 v4, v2  }
0x10f: {  	p2 =	seq.s32 s18, $0x4F;
	[tilespmem:s4+$0x12040] =	vst v3;
	v1 =	vmul.f32 v7, v1  }
0x110: {  	s10 =	sshll.u32 @!p2 s18, $0x8;
	[tilespmem:s4+$0x12050] =	vst v0  }
0x111: {  	s12 =	simm.s32 @!p2 $0xA000;
	[tilespmem:s4+$0x12060] =	vst v1;
	s4 =	sadd.s32 @!p2 $0x100, s10;
	s10 =	simm.s32 @!p2 $0x80  }
0x112: {  	[tilespmem:s12], [sflag:$0x1] =	stream.indirect.gather @!p2 [hbm4b:s1+s10], $0x40, s4, s10, $0xb8;
	v63 =	vld [tilespmem:$0x0]  }
0x113: {  	s4 =	sadd.s32 @!p2 s15, s4  }
0x114: {  	s19 =	sshll.u32 s18, $0xA;
	s4 =	sshll.u32 @!p2 s4, $0x4  }
0x115: {  	s14 =	simm.s32 @!p2 $0xE000;
	s12 =	simm.s32 @!p2 $0x40;
	s4 =	sadd.s32 @!p2 s6, s4  }
0x116: {  	[tilespmem:s14], [sflag:$0x3] =	stream.strided.gather @!p2 [hbm4b:s4+s12], $0x2000, s10, s12, $0x38;
	v63 =	vld [tilespmem:$0x0]  }
0x117: {  	s14 =	sshrl.u32 s19, $0x2  }
0x118: {  	s12 =	sadd.s32 $0x5000, s14  }
0x119: {  	[spmem:s3] =	stream.indirect.scatter.add.f32 [tilespmem:s2], [sflag:$0x5], $0x40, s12, s24, $0xb8;
	v63 =	vld [tilespmem:$0x0]  }
0x11a: {  	_ =	swait.ge [sflag:s23], $0x2000  }
0x11b: {  	[sflag:s23] =	ssyncset.done $0x0  }
0x11c: {  	[sflag:s23] =	ssyncadd.s32 $0xFFFFE000  }
0x11d: {  	_ =	swait.ge [sflag:s25], $0x2000  }
0x11e: {  	[sflag:s25] =	ssyncset.done $0x0  }
0x11f: {  	s4 =	simm.s32 @!p1 $0x6;
	[sflag:s25] =	ssyncadd.s32 $0xFFFFE000  }
0x120: {  	_ =	swait.ge @!p1 [sflag:s4], $0x2000  }
0x121: {  	[sflag:s4] =	ssyncset.done @!p1 $0x0  }
0x122: {  	[sflag:s4] =	ssyncadd.s32 @!p1 $0xFFFFE000;
	s4 =	simm.s32 $0x0  }
0x123: {  	v0 =	vld [tilespmem:s4+$0xC070]  }
0x124: {  	v1 =	vld [tilespmem:s4+$0x10070]  }
0x125: {  	v2 =	vld [tilespmem:s4+$0xC000]  }
0x126: {  	v3 =	vld [tilespmem:s4+$0x10000]  }
0x127: {  	v4 =	vld [tilespmem:s4+$0xC010]  }
0x128: {  	v5 =	vld [tilespmem:s4+$0x10010]  }
0x129: {  	v6 =	vld [tilespmem:s4+$0xC020]  }
0x12a: {  	v7 =	vld [tilespmem:s4+$0xC030]  }
0x12b: {  	v0 =	vmul.f32 v1, v0;
	v1 =	vld [tilespmem:s4+$0x10020]  }
0x12c: {  	v8 =	vld [tilespmem:s4+$0x10030]  }
0x12d: {  	v9 =	vld [tilespmem:s4+$0x10040];
	v2 =	vmul.f32 v3, v2  }
0x12e: {  	[tilespmem:s4+$0x14070] =	vst v0;
	v0 =	vmul.f32 v5, v4;
	v5 =	vld [tilespmem:s4+$0xC040]  }
0x12f: {  	v3 =	vld [tilespmem:s4+$0x10050];
	[tilespmem:s4+$0x14000] =	vst v2  }
0x130: {  	v2 =	vld [tilespmem:s4+$0xC050];
	[tilespmem:s4+$0x14010] =	vst v0;
	v0 =	vmul.f32 v1, v6  }
0x131: {  	v4 =	vld [tilespmem:s4+$0x10060];
	v6 =	vmul.f32 v8, v7  }
0x132: {  	s10 =	simm.s32 $0x80;
	[tilespmem:s4+$0x14020] =	vst v0;
	v0 =	vld [tilespmem:s4+$0xC060]  }
0x133: {  	s12 =	simm.s32 $0x400;
	v5 =	vmul.f32 v9, v5;
	v1 =	vld [tilespmem:s10+$0xC070];
	[tilespmem:s4+$0x14030] =	vst v6  }
.LBB2_6:
0x134: {  	p1 =	sne.s32 s12, $0x7E00;
	v6 =	vld [tilespmem:s10+$0x10070]  }
0x135: {  	v7 =	vld [tilespmem:s10+$0xC000];
	[tilespmem:s4+$0x14040] =	vst v5;
	v2 =	vmul.f32 v3, v2  }
0x136: {  	v3 =	vld [tilespmem:s10+$0x10000]  }
0x137: {  	v5 =	vld [tilespmem:s10+$0xC010];
	[tilespmem:s4+$0x14050] =	vst v2;
	v0 =	vmul.f32 v4, v0  }
0x138: {  	v2 =	vld [tilespmem:s10+$0x10010]  }
0x139: {  	v4 =	vld [tilespmem:s10+$0xC020];
	v1 =	vmul.f32 v6, v1;
	[tilespmem:s4+$0x14060] =	vst v0;
	s4 =	smov.u32 s10  }
0x13a: {  	v0 =	vld [tilespmem:s4+$0x10020]  }
0x13b: {  	v3 =	vmul.f32 v3, v7;
	v6 =	vld [tilespmem:s4+$0xC030];
	[tilespmem:s4+$0x14070] =	vst v1  }
0x13c: {  	v1 =	vld [tilespmem:s4+$0x10030]  }
0x13d: {  	[tilespmem:s4+$0x14000] =	vst v3;
	v2 =	vmul.f32 v2, v5;
	v5 =	vld [tilespmem:s4+$0xC040]  }
0x13e: {  	v7 =	vld [tilespmem:s4+$0x10040]  }
.Ltmp8:
0x13f: {  	[tilespmem:s4+$0x14010] =	vst v2;
	v0 =	vmul.f32 v0, v4;
	v2 =	vld [tilespmem:s4+$0xC050];
	(pc) =	sbr.rel @p1 .LBB2_6-.Ltmp8, $4  }
0x140: {  	v3 =	vld [tilespmem:s4+$0x10050]  }
0x141: {  	[tilespmem:s4+$0x14020] =	vst v0;
	v6 =	vmul.f32 v1, v6;
	v0 =	vld [tilespmem:s4+$0xC060]  }
0x142: {  	s10 =	sshra.s32 s12, $0x2;
	v4 =	vld [tilespmem:s4+$0x10060]  }
0x143: {  	s12 =	sadd.s32 $0x200, s12;
	v1 =	vld [tilespmem:s10+$0xC070];
	[tilespmem:s4+$0x14030] =	vst v6;
	v5 =	vmul.f32 v7, v5  }
0x144: {  	v6 =	vld [tilespmem:s10+$0x10070]  }
0x145: {  	v7 =	vld [tilespmem:s10+$0xC000];
	[tilespmem:s4+$0x14040] =	vst v5;
	v2 =	vmul.f32 v3, v2  }
0x146: {  	v50 =	vld [tilespmem:s10+$0x10000]  }
0x147: {  	v5 =	vld [tilespmem:s10+$0xC010];
	[tilespmem:s4+$0x14050] =	vst v2;
	v0 =	vmul.f32 v4, v0  }
0x148: {  	v2 =	vld [tilespmem:s10+$0x10010]  }
0x149: {  	v51 =	vld [tilespmem:s10+$0xC020];
	[tilespmem:s4+$0x14060] =	vst v0  }
0x14a: {  	v53 =	vld [tilespmem:s10+$0x10020]  }
0x14b: {  	v54 =	vld [tilespmem:s10+$0xC030]  }
0x14c: {  	v55 =	vld [tilespmem:s10+$0x10030]  }
0x14d: {  	v56 =	vld [tilespmem:s10+$0xC040]  }
0x14e: {  	v57 =	vld [tilespmem:s10+$0x10040]  }
0x14f: {  	v58 =	vld [tilespmem:s10+$0xC050]  }
0x150: {  	v52 =	vmul.f32 v6, v1;
	v59 =	vld [tilespmem:s10+$0x10050]  }
0x151: {  	v60 =	vld [tilespmem:s10+$0xC060];
	v3 =	vmul.f32 v50, v7  }
0x152: {  	v61 =	vld [tilespmem:s10+$0x10060];
	[tilespmem:s10+$0x14070] =	vst v52;
	v2 =	vmul.f32 v2, v5  }
0x153: {  	[tilespmem:s10+$0x14000] =	vst v3;
	v1 =	vmul.f32 v53, v51  }
0x154: {  	[tilespmem:s10+$0x14010] =	vst v2;
	v0 =	vmul.f32 v55, v54  }
.Ltmp9:
0x155: {  	v3 =	vmul.f32 v57, v56;
	[tilespmem:s10+$0x14020] =	vst v1;
	(pc) =	sbr.rel @p2 .LBB2_8-.Ltmp9, $4  }
0x156: {  	v62 =	vmul.f32 v59, v58;
	[tilespmem:s10+$0x14030] =	vst v0  }
0x157: {  	[tilespmem:s10+$0x14040] =	vst v3;
	v1 =	vmul.f32 v61, v60  }
0x158: {  	[tilespmem:s10+$0x14050] =	vst v62  }
0x159: {  	[tilespmem:s10+$0x14060] =	vst v1  }
0x15a: {  	s4 =	sshll.u32 s18, $0x8  }
0x15b: {  	s4 =	sadd.s32 $0x180, s4  }
0x15c: {  	[tilespmem:s29], [sflag:$0x2] =	stream.indirect.gather [hbm4b:s1+s24], $0x40, s4, s24, $0xb8;
	v63 =	vld [tilespmem:$0x0]  }
0x15d: {  	s4 =	sadd.s32 s15, s4  }
.Ltmp10:
0x15e: {  	s4 =	sshll.u32 s4, $0x4;
	(pc) =	sbr.rel .LBB2_3-.Ltmp10, $4  }
0x15f: {  	s4 =	sadd.s32 s6, s4  }
0x160: {  	[tilespmem:s30], [sflag:$0x4] =	stream.strided.gather [hbm4b:s4+s26], $0x2000, s24, s26, $0x38;
	v63 =	vld [tilespmem:$0x0]  }
0x161: {  	s19 =	sadd.s32 $0x5080, s14;
	s18 =	sadd.s32 $0x1, s18  }
0x162: {  	[spmem:s3] =	stream.indirect.scatter.add.f32 [tilespmem:s28], [sflag:$0x6], $0x40, s19, s24, $0xb8;
	v63 =	vld [tilespmem:$0x0]  }
.LBB2_8:
.Ltmp11:
0x163: {  	(pc) =	sbr.rel .LBB2_17-.Ltmp11, $2  }
0x164: {  	_ =	sdelay $0x2  }
0x165: {  	s4 =	rddreg [dreg:$0x4]  }
.LBB2_18:
0x166: {  	_ =	sfence.sel $0x180000  }
0x167: {  	[bflag:$0x0] =	sbarrier.arrive $0xFFFF  }
0x168: {  	_ =	strace $0x9000004D  }
0x169: {  	s0 =	stileid.u32;
	[bflag:$0x2] =	sbarrier.arrive $0xFFFF  }
0x16a: {  	p0 =	sne.s32 s0, $0x0;
	s0 =	rddreg [dreg:$0x3]  }
0x16b: {  	s0 =	sadd.s32 @!p0 $0x100000, s0  }
0x16c: {  	[sflag:s0] =	ssyncadd.tile.s32 @!p0 $0x1;
	_ =	shalt  }
.Lfunc_end2:
_tile_overlayer_lowered:
.L_overlay_start_2:
0x16d: {  	(tag) =	ssettag $0x2  }
0x16e: {  	s0 =	rddreg [dreg:$0x0];
	s2 =	stileid.u32  }
0x16f: {  	s1 =	rddreg [dreg:$0x1];
	p0 =	sne.s32 s2, $0x0  }
0x170: {  	s3 =	rddreg [dreg:$0x2];
	[bflag:$0x3] =	sbarrier.arrive $0xFFFF;
	s2 =	simm.s32 @!p0 $0x1C07  }
0x171: {  	[timem:s3], [sflag:s2] =	dma.local @!p0 [hbm:s0], s1  }
0x172: {  	s0 =	simm.s32 @!p0 $0x7  }
0x173: {  	_ =	swait.ge @!p0 [sflag:s0], s1  }
0x174: {  	s1 =	ssub.s32 @!p0 $0x0, s1;
	[sflag:s0] =	ssyncset.done @!p0 $0x0  }
0x175: {  	[sflag:s0] =	ssyncadd.s32 @!p0 s1  }
0x176: {  	[bflag:$0x3] =	sbarrier.arrive $0xFFFF  }
0x177: {  	_ =	shalt  }

</sc_bundles>
